<compile_context>
chip_gen: v7x
topology: tpu7x:2x2x1
jax: 0.10.2.dev20260603
libtpu: 0.0.44.dev20260713+nightly
codegen_flags: <defaults>
</compile_context>

<pallas_src>
import functools

import jax
import jax.numpy as jnp
from jax import lax
from jax.experimental import pallas as pl
from jax.experimental.pallas import tpu as pltpu
from jax.experimental.pallas import tpu_sc as plsc

VOCAB = 100000
EMBED = 64
HID = 128
NUM_LABELS = 50
BATCH = 16384
HIST = 200

NC = 2
NS = 16
NW = NC * NS
SPW = BATCH // NW
GROUP = 32
CHUNKS = ((0, 128), (128, 72))
COL = EMBED // 16
NBUF = 4
NPAIR = SPW // 2


def _pool_body(x_hbm, emb_hbm, out_hbm, idx_v, rows_bufs, stage_v, sems):
    wid = lax.axis_index("s") * NC + lax.axis_index("c")
    base = wid * SPW
    table = emb_hbm

    def stage_idx(g):
        half = lax.rem(g, 2) * GROUP
        pltpu.sync_copy(x_hbm.at[pl.ds(base + g * GROUP, GROUP), :],
                        idx_v.at[pl.ds(half, GROUP), :])

    def fire_pair(p, rows, sem):
        for h in range(2):
            slot = lax.rem(2 * p + h, 2 * GROUP)
            for off, num in CHUNKS:
                pltpu.async_copy(
                    table.at[idx_v.at[slot, pl.ds(off, num)]],
                    rows.at[pl.ds(h * HIST + off, num), :],
                    sem)

    def drain(rows, sem):
        pltpu.make_async_copy(table.at[pl.ds(0, 2 * HIST), :], rows,
                              sem).wait()

    def unpack2(v):
        even = plsc.bitcast(lax.shift_left(v, 16), jnp.float32)
        odd = plsc.bitcast(v, jnp.float32)
        return even, odd

    def reduce(rows, rbase, s):
        def body(k, carry):
            accs = list(carry)
            r0 = rbase + k * 4
            for j in range(4):
                ch = j % 2
                for c in range(COL // 2):
                    v32 = rows[r0 + j, pl.ds(c * 32, 32)]
                    e, o = unpack2(plsc.bitcast(v32, jnp.int32))
                    accs[ch * COL + 2 * c] = accs[ch * COL + 2 * c] + e
                    accs[ch * COL + 2 * c + 1] = accs[ch * COL + 2 * c + 1] + o
            return tuple(accs)

        zero = jnp.zeros((16,), jnp.float32)
        accs = lax.fori_loop(0, HIST // 4, body, (zero,) * (2 * COL))
        slot = lax.rem(s, GROUP)
        for c in range(COL):
            stage_v[slot, pl.ds(c * 16, 16)] = accs[c] + accs[COL + c]

    stage_idx(0)
    for j in range(NBUF):
        fire_pair(j, rows_bufs[j], sems[j])

    def loop_body(it, carry):
        for j in range(NBUF):
            p = it * NBUF + j
            drain(rows_bufs[j], sems[j])
            reduce(rows_bufs[j], 0, 2 * p)
            reduce(rows_bufs[j], HIST, 2 * p + 1)

            @pl.when(p + NBUF < NPAIR)
            def _(p=p, j=j):
                @pl.when(lax.rem(p + NBUF, GROUP // 2) == 0)
                def _():
                    stage_idx((p + NBUF) // (GROUP // 2))
                fire_pair(p + NBUF, rows_bufs[j], sems[j])

            @pl.when(lax.rem(p, GROUP // 2) == GROUP // 2 - 1)
            def _(p=p):
                g0 = 2 * p + 1 - (GROUP - 1)
                pltpu.sync_copy(stage_v,
                                out_hbm.at[pl.ds(base + g0, GROUP), :])

        return carry

    lax.fori_loop(0, NPAIR // NBUF, loop_body, 0)


@functools.cache
def _get_pool():
    return functools.partial(
        pl.kernel,
        out_type=jax.ShapeDtypeStruct((BATCH, EMBED), jnp.float32),
        mesh=plsc.VectorSubcoreMesh(core_axis_name="c", subcore_axis_name="s"),
        compiler_params=pltpu.CompilerParams(use_tc_tiling_on_sc=False,
                                             needs_layout_passes=False),
        scratch_types=[
            pltpu.VMEM((2 * GROUP, HIST), jnp.int32),
            [pltpu.VMEM((2 * HIST, EMBED), jnp.bfloat16) for _ in range(NBUF)],
            pltpu.VMEM((GROUP, EMBED), jnp.float32),
            [pltpu.SemaphoreType.DMA for _ in range(NBUF)],
        ],
    )(_pool_body)


def _mlp_body(sums_ref, w1_ref, b1_ref, w2_ref, b2_ref, out_ref):
    pooled = sums_ref[...] * (1.0 / HIST)
    h = lax.dot_general(pooled, w1_ref[...], (((1,), (1,)), ((), ())),
                        preferred_element_type=jnp.float32)
    h = jnp.maximum(h + b1_ref[...], 0.0)
    out = lax.dot_general(h, w2_ref[...], (((1,), (1,)), ((), ())),
                          preferred_element_type=jnp.float32)
    out_ref[...] = out + b2_ref[...]


_BM = 2048


def _mlp(sums, W1, b1r, W2, b2r):
    return pl.pallas_call(
        _mlp_body,
        grid=(BATCH // _BM,),
        in_specs=[
            pl.BlockSpec((_BM, EMBED), lambda i: (i, 0)),
            pl.BlockSpec((HID, EMBED), lambda i: (0, 0)),
            pl.BlockSpec((1, HID), lambda i: (0, 0)),
            pl.BlockSpec((NUM_LABELS, HID), lambda i: (0, 0)),
            pl.BlockSpec((1, NUM_LABELS), lambda i: (0, 0)),
        ],
        out_specs=pl.BlockSpec((_BM, NUM_LABELS), lambda i: (i, 0)),
        out_shape=jax.ShapeDtypeStruct((BATCH, NUM_LABELS), jnp.float32),
    )(sums, W1, b1r, W2, b2r)


_PERM = [32 * c + 2 * i + h for c in range(2) for h in range(2)
         for i in range(16)]


def kernel(x, emb, W1, b1, W2, b2):
    x = x.astype(jnp.int32)
    sums = _get_pool()(x, emb.astype(jnp.bfloat16))
    W1p = W1[:, jnp.array(_PERM, jnp.int32)]
    return _mlp(sums, W1p, b1.reshape(1, HID), W2, b2.reshape(1, NUM_LABELS))

# --- scband reference (transcript-rebuilt; emitter-appended) ---
"""Pipeline reference for scband-small-prclassifier-77137612636317 (READ-ONLY COPY).

The authoritative reference and input builder live on the scoring server;
editing this copy changes nothing except your own understanding.
"""

import jax, jax.numpy as jnp
import numpy as np

VOCAB = 100000
EMBED = 64
HID = 128
NUM_LABELS = 50
BATCH = 16384
HIST = 200

def setup_inputs(seed: int = 0) -> dict:
    key = jax.random.key(seed)
    ks = jax.random.split(key, 6)
    x = jax.random.randint(ks[0], (BATCH, HIST), 0, VOCAB)
    emb = jax.random.normal(ks[1], (VOCAB, EMBED), dtype=jnp.float32)
    W1 = jax.random.normal(ks[2], (HID, EMBED), dtype=jnp.float32) * 0.05
    b1 = jnp.zeros((HID,), dtype=jnp.float32)
    W2 = jax.random.normal(ks[3], (NUM_LABELS, HID), dtype=jnp.float32) * 0.05
    b2 = jnp.zeros((NUM_LABELS,), dtype=jnp.float32)
    return {"x": x, "emb": emb, "W1": W1, "b1": b1, "W2": W2, "b2": b2}

def reference(x, emb, W1, b1, W2, b2):
    # EmbeddingBag with default mode='mean' on 2D input: gather then mean over bag dim
    gathered = jnp.take(emb, x, axis=0)            # [B, L, E]
    pooled = gathered.mean(axis=1)                  # [B, E]
    h = jax.nn.relu(pooled @ W1.T + b1)             # fc1 + relu
    # dropout is identity in eval/deterministic reference
    logits = h @ W2.T + b2                          # classifier
    return logits

if __name__ == "__main__":
    import jax
    _d = setup_inputs()
    print(jax.jit(kernel)(*tuple(_d.values())))

</pallas_src>

<mosaic_0001>
#map = affine_map<(d0, d1) -> (0, 0)>
module attributes {stable_mosaic.version = 14 : i64} {
  func.func @_pool_body(%arg0: i32, %arg1: i32, %arg2: memref<16384x200xi32, #tpu.memory_space<hbm>>, %arg3: memref<100000x64xbf16, #tpu.memory_space<hbm>>, %arg4: memref<16384x64xf32, #tpu.memory_space<hbm>>, %arg5: memref<64x200xi32, #tpu.memory_space<vmem>>, %arg6: memref<400x64xbf16, #tpu.memory_space<vmem>>, %arg7: memref<400x64xbf16, #tpu.memory_space<vmem>>, %arg8: memref<400x64xbf16, #tpu.memory_space<vmem>>, %arg9: memref<400x64xbf16, #tpu.memory_space<vmem>>, %arg10: memref<32x64xf32, #tpu.memory_space<vmem>>, %arg11: memref<!tpu.dma_semaphore, #tpu.memory_space<semaphore_mem>>, %arg12: memref<!tpu.dma_semaphore, #tpu.memory_space<semaphore_mem>>, %arg13: memref<!tpu.dma_semaphore, #tpu.memory_space<semaphore_mem>>, %arg14: memref<!tpu.dma_semaphore, #tpu.memory_space<semaphore_mem>>) attributes {dimension_semantics = [#tpu.dimension_semantics<core_parallel>, #tpu.dimension_semantics<subcore_parallel>], iteration_bounds = array<i64: 2, 16>, scalar_prefetch = 0 : i64, scratch_operands = 10 : i64, tpu.core_type = #tpu.core_type<sc_vector_subcore>, window_params = [{transform_indices = #map}, {transform_indices = #map}, {transform_indices = #map}]} {
    %mul3A = arith.constant 2 : i32
    %mul3A_0 = arith.muli %arg1, %mul3A : i32
    %add3A = arith.addi %mul3A_0, %arg0 : i32
    %mul3A_1 = arith.constant 512 : i32
    %mul3A_2 = arith.muli %add3A, %mul3A_1 : i32
    %rem3A = arith.constant 0 : i32
    %rem3A_3 = arith.constant 2 : i32
    %rem3A_4 = arith.remsi %rem3A, %rem3A_3 : i32
    %mul3A_5 = arith.constant 32 : i32
    %mul3A_6 = arith.muli %rem3A_4, %mul3A_5 : i32
    %add3A_7 = arith.constant 0 : i32
    %add3A_8 = arith.addi %mul3A_2, %add3A_7 : i32
    "tpu.region"() ({
      %run_scoped3A = tpu.sem_alloc : memref<!tpu.dma_semaphore, #tpu.memory_space<semaphore_mem>>
      %dma_start3A_181 = arith.constant 0 : i32
      %dma_start3A_182 = tpu.memref_slice %arg5[%mul3A_6, %dma_start3A_181] : memref<64x200xi32, #tpu.memory_space<vmem>> -> memref<32x200xi32, #tpu.memory_space<vmem>>
      %dma_start3A_183 = arith.constant 0 : i32
      %dma_start3A_184 = tpu.memref_slice %arg2[%add3A_8, %dma_start3A_183] : memref<16384x200xi32, #tpu.memory_space<hbm>> -> memref<32x200xi32, #tpu.memory_space<hbm>>
      %dma_start3A_185 = arith.constant 0 : i32
      %dma_start3A_186 = tpu.memref_slice %arg5[%mul3A_6, %dma_start3A_185] : memref<64x200xi32, #tpu.memory_space<vmem>> -> memref<32x200xi32, #tpu.memory_space<vmem>>
      %dma_start3A_187 = arith.constant 0 : i32
      %dma_start3A_188 = tpu.memref_slice %arg2[%add3A_8, %dma_start3A_187] : memref<16384x200xi32, #tpu.memory_space<hbm>> -> memref<32x200xi32, #tpu.memory_space<hbm>>
      tpu.enqueue_dma source(%dma_start3A_188 : memref<32x200xi32, #tpu.memory_space<hbm>>) target(%dma_start3A_186 : memref<32x200xi32, #tpu.memory_space<vmem>>) target_semaphore(%run_scoped3A : memref<!tpu.dma_semaphore, #tpu.memory_space<semaphore_mem>>)
      %dma_wait3A = arith.constant 0 : i32
      %dma_wait3A_189 = tpu.memref_slice %arg5[%mul3A_6, %dma_wait3A] : memref<64x200xi32, #tpu.memory_space<vmem>> -> memref<32x200xi32, #tpu.memory_space<vmem>>
      %dma_wait3A_190 = arith.constant 0 : i32
      %dma_wait3A_191 = tpu.memref_slice %arg2[%add3A_8, %dma_wait3A_190] : memref<16384x200xi32, #tpu.memory_space<hbm>> -> memref<32x200xi32, #tpu.memory_space<hbm>>
      %dma_wait3A_192 = arith.constant 0 : i32
      %dma_wait3A_193 = tpu.memref_slice %arg5[%mul3A_6, %dma_wait3A_192] : memref<64x200xi32, #tpu.memory_space<vmem>> -> memref<32x200xi32, #tpu.memory_space<vmem>>
      %dma_wait3A_194 = arith.constant 0 : i32
      %dma_wait3A_195 = tpu.memref_slice %arg2[%add3A_8, %dma_wait3A_194] : memref<16384x200xi32, #tpu.memory_space<hbm>> -> memref<32x200xi32, #tpu.memory_space<hbm>>
      tpu.wait_dma2 semaphore(%run_scoped3A : memref<!tpu.dma_semaphore, #tpu.memory_space<semaphore_mem>>) src(%dma_wait3A_195 : memref<32x200xi32, #tpu.memory_space<hbm>>) dst(%dma_wait3A_193 : memref<32x200xi32, #tpu.memory_space<vmem>>)
      tpu.yield
    }) : () -> ()
    %rem3A_9 = arith.constant 0 : i32
    %rem3A_10 = arith.constant 64 : i32
    %rem3A_11 = arith.remsi %rem3A_9, %rem3A_10 : i32
    %dma_start3A = arith.constant 0 : i32
    %dma_start3A_12 = arith.constant 0 : i32
    %dma_start3A_13 = tpu.memref_slice %arg6[%dma_start3A, %dma_start3A_12] : memref<400x64xbf16, #tpu.memory_space<vmem>> -> memref<128x64xbf16, #tpu.memory_space<vmem>>
    %dma_start3A_14 = arith.constant 0 : i32
    %dma_start3A_15 = tpu.memref_slice %arg5[%rem3A_11, %dma_start3A_14] : memref<64x200xi32, #tpu.memory_space<vmem>> -> memref<1x128xi32, #tpu.memory_space<vmem>>
    %dma_start3A_16 = tpu.memref_squeeze %dma_start3A_15 : memref<1x128xi32, #tpu.memory_space<vmem>> -> memref<128xi32, #tpu.memory_space<vmem>>
    %dma_start3A_17 = arith.constant 0 : i32
    %dma_start3A_18 = arith.constant 0 : i32
    %dma_start3A_19 = tpu.memref_slice %arg3[%dma_start3A_17, %dma_start3A_18] : memref<100000x64xbf16, #tpu.memory_space<hbm>> -> memref<100000x64xbf16, #tpu.memory_space<hbm>>
    tpu.enqueue_indirect_dma source(%dma_start3A_19 : memref<100000x64xbf16, #tpu.memory_space<hbm>>) target(%dma_start3A_13 : memref<128x64xbf16, #tpu.memory_space<vmem>>) offsets(%dma_start3A_16 : memref<128xi32, #tpu.memory_space<vmem>>) semaphore(%arg11 : memref<!tpu.dma_semaphore, #tpu.memory_space<semaphore_mem>>)
    %dma_start3A_20 = arith.constant 128 : i32
    %dma_start3A_21 = arith.constant 0 : i32
    %dma_start3A_22 = tpu.memref_slice %arg6[%dma_start3A_20, %dma_start3A_21] : memref<400x64xbf16, #tpu.memory_space<vmem>> -> memref<72x64xbf16, #tpu.memory_space<vmem>>
    %dma_start3A_23 = arith.constant 128 : i32
    %dma_start3A_24 = tpu.memref_slice %arg5[%rem3A_11, %dma_start3A_23] : memref<64x200xi32, #tpu.memory_space<vmem>> -> memref<1x72xi32, #tpu.memory_space<vmem>>
    %dma_start3A_25 = tpu.memref_squeeze %dma_start3A_24 : memref<1x72xi32, #tpu.memory_space<vmem>> -> memref<72xi32, #tpu.memory_space<vmem>>
    %dma_start3A_26 = arith.constant 0 : i32
    %dma_start3A_27 = arith.constant 0 : i32
    %dma_start3A_28 = tpu.memref_slice %arg3[%dma_start3A_26, %dma_start3A_27] : memref<100000x64xbf16, #tpu.memory_space<hbm>> -> memref<100000x64xbf16, #tpu.memory_space<hbm>>
    tpu.enqueue_indirect_dma source(%dma_start3A_28 : memref<100000x64xbf16, #tpu.memory_space<hbm>>) target(%dma_start3A_22 : memref<72x64xbf16, #tpu.memory_space<vmem>>) offsets(%dma_start3A_25 : memref<72xi32, #tpu.memory_space<vmem>>) semaphore(%arg11 : memref<!tpu.dma_semaphore, #tpu.memory_space<semaphore_mem>>)
    %rem3A_29 = arith.constant 1 : i32
    %rem3A_30 = arith.constant 64 : i32
    %rem3A_31 = arith.remsi %rem3A_29, %rem3A_30 : i32
    %dma_start3A_32 = arith.constant 200 : i32
    %dma_start3A_33 = arith.constant 0 : i32
    %dma_start3A_34 = tpu.memref_slice %arg6[%dma_start3A_32, %dma_start3A_33] : memref<400x64xbf16, #tpu.memory_space<vmem>> -> memref<128x64xbf16, #tpu.memory_space<vmem>>
    %dma_start3A_35 = arith.constant 0 : i32
    %dma_start3A_36 = tpu.memref_slice %arg5[%rem3A_31, %dma_start3A_35] : memref<64x200xi32, #tpu.memory_space<vmem>> -> memref<1x128xi32, #tpu.memory_space<vmem>>
    %dma_start3A_37 = tpu.memref_squeeze %dma_start3A_36 : memref<1x128xi32, #tpu.memory_space<vmem>> -> memref<128xi32, #tpu.memory_space<vmem>>
    %dma_start3A_38 = arith.constant 0 : i32
    %dma_start3A_39 = arith.constant 0 : i32
    %dma_start3A_40 = tpu.memref_slice %arg3[%dma_start3A_38, %dma_start3A_39] : memref<100000x64xbf16, #tpu.memory_space<hbm>> -> memref<100000x64xbf16, #tpu.memory_space<hbm>>
    tpu.enqueue_indirect_dma source(%dma_start3A_40 : memref<100000x64xbf16, #tpu.memory_space<hbm>>) target(%dma_start3A_34 : memref<128x64xbf16, #tpu.memory_space<vmem>>) offsets(%dma_start3A_37 : memref<128xi32, #tpu.memory_space<vmem>>) semaphore(%arg11 : memref<!tpu.dma_semaphore, #tpu.memory_space<semaphore_mem>>)
    %dma_start3A_41 = arith.constant 328 : i32
    %dma_start3A_42 = arith.constant 0 : i32
    %dma_start3A_43 = tpu.memref_slice %arg6[%dma_start3A_41, %dma_start3A_42] : memref<400x64xbf16, #tpu.memory_space<vmem>> -> memref<72x64xbf16, #tpu.memory_space<vmem>>
    %dma_start3A_44 = arith.constant 128 : i32
    %dma_start3A_45 = tpu.memref_slice %arg5[%rem3A_31, %dma_start3A_44] : memref<64x200xi32, #tpu.memory_space<vmem>> -> memref<1x72xi32, #tpu.memory_space<vmem>>
    %dma_start3A_46 = tpu.memref_squeeze %dma_start3A_45 : memref<1x72xi32, #tpu.memory_space<vmem>> -> memref<72xi32, #tpu.memory_space<vmem>>
    %dma_start3A_47 = arith.constant 0 : i32
    %dma_start3A_48 = arith.constant 0 : i32
    %dma_start3A_49 = tpu.memref_slice %arg3[%dma_start3A_47, %dma_start3A_48] : memref<100000x64xbf16, #tpu.memory_space<hbm>> -> memref<100000x64xbf16, #tpu.memory_space<hbm>>
    tpu.enqueue_indirect_dma source(%dma_start3A_49 : memref<100000x64xbf16, #tpu.memory_space<hbm>>) target(%dma_start3A_43 : memref<72x64xbf16, #tpu.memory_space<vmem>>) offsets(%dma_start3A_46 : memref<72xi32, #tpu.memory_space<vmem>>) semaphore(%arg11 : memref<!tpu.dma_semaphore, #tpu.memory_space<semaphore_mem>>)
    %rem3A_50 = arith.constant 2 : i32
    %rem3A_51 = arith.constant 64 : i32
    %rem3A_52 = arith.remsi %rem3A_50, %rem3A_51 : i32
    %dma_start3A_53 = arith.constant 0 : i32
    %dma_start3A_54 = arith.constant 0 : i32
    %dma_start3A_55 = tpu.memref_slice %arg7[%dma_start3A_53, %dma_start3A_54] : memref<400x64xbf16, #tpu.memory_space<vmem>> -> memref<128x64xbf16, #tpu.memory_space<vmem>>
    %dma_start3A_56 = arith.constant 0 : i32
    %dma_start3A_57 = tpu.memref_slice %arg5[%rem3A_52, %dma_start3A_56] : memref<64x200xi32, #tpu.memory_space<vmem>> -> memref<1x128xi32, #tpu.memory_space<vmem>>
    %dma_start3A_58 = tpu.memref_squeeze %dma_start3A_57 : memref<1x128xi32, #tpu.memory_space<vmem>> -> memref<128xi32, #tpu.memory_space<vmem>>
    %dma_start3A_59 = arith.constant 0 : i32
    %dma_start3A_60 = arith.constant 0 : i32
    %dma_start3A_61 = tpu.memref_slice %arg3[%dma_start3A_59, %dma_start3A_60] : memref<100000x64xbf16, #tpu.memory_space<hbm>> -> memref<100000x64xbf16, #tpu.memory_space<hbm>>
    tpu.enqueue_indirect_dma source(%dma_start3A_61 : memref<100000x64xbf16, #tpu.memory_space<hbm>>) target(%dma_start3A_55 : memref<128x64xbf16, #tpu.memory_space<vmem>>) offsets(%dma_start3A_58 : memref<128xi32, #tpu.memory_space<vmem>>) semaphore(%arg12 : memref<!tpu.dma_semaphore, #tpu.memory_space<semaphore_mem>>)
    %dma_start3A_62 = arith.constant 128 : i32
    %dma_start3A_63 = arith.constant 0 : i32
    %dma_start3A_64 = tpu.memref_slice %arg7[%dma_start3A_62, %dma_start3A_63] : memref<400x64xbf16, #tpu.memory_space<vmem>> -> memref<72x64xbf16, #tpu.memory_space<vmem>>
    %dma_start3A_65 = arith.constant 128 : i32
    %dma_start3A_66 = tpu.memref_slice %arg5[%rem3A_52, %dma_start3A_65] : memref<64x200xi32, #tpu.memory_space<vmem>> -> memref<1x72xi32, #tpu.memory_space<vmem>>
    %dma_start3A_67 = tpu.memref_squeeze %dma_start3A_66 : memref<1x72xi32, #tpu.memory_space<vmem>> -> memref<72xi32, #tpu.memory_space<vmem>>
    %dma_start3A_68 = arith.constant 0 : i32
    %dma_start3A_69 = arith.constant 0 : i32
    %dma_start3A_70 = tpu.memref_slice %arg3[%dma_start3A_68, %dma_start3A_69] : memref<100000x64xbf16, #tpu.memory_space<hbm>> -> memref<100000x64xbf16, #tpu.memory_space<hbm>>
    tpu.enqueue_indirect_dma source(%dma_start3A_70 : memref<100000x64xbf16, #tpu.memory_space<hbm>>) target(%dma_start3A_64 : memref<72x64xbf16, #tpu.memory_space<vmem>>) offsets(%dma_start3A_67 : memref<72xi32, #tpu.memory_space<vmem>>) semaphore(%arg12 : memref<!tpu.dma_semaphore, #tpu.memory_space<semaphore_mem>>)
    %rem3A_71 = arith.constant 3 : i32
    %rem3A_72 = arith.constant 64 : i32
    %rem3A_73 = arith.remsi %rem3A_71, %rem3A_72 : i32
    %dma_start3A_74 = arith.constant 200 : i32
    %dma_start3A_75 = arith.constant 0 : i32
    %dma_start3A_76 = tpu.memref_slice %arg7[%dma_start3A_74, %dma_start3A_75] : memref<400x64xbf16, #tpu.memory_space<vmem>> -> memref<128x64xbf16, #tpu.memory_space<vmem>>
    %dma_start3A_77 = arith.constant 0 : i32
    %dma_start3A_78 = tpu.memref_slice %arg5[%rem3A_73, %dma_start3A_77] : memref<64x200xi32, #tpu.memory_space<vmem>> -> memref<1x128xi32, #tpu.memory_space<vmem>>
    %dma_start3A_79 = tpu.memref_squeeze %dma_start3A_78 : memref<1x128xi32, #tpu.memory_space<vmem>> -> memref<128xi32, #tpu.memory_space<vmem>>
    %dma_start3A_80 = arith.constant 0 : i32
    %dma_start3A_81 = arith.constant 0 : i32
    %dma_start3A_82 = tpu.memref_slice %arg3[%dma_start3A_80, %dma_start3A_81] : memref<100000x64xbf16, #tpu.memory_space<hbm>> -> memref<100000x64xbf16, #tpu.memory_space<hbm>>
    tpu.enqueue_indirect_dma source(%dma_start3A_82 : memref<100000x64xbf16, #tpu.memory_space<hbm>>) target(%dma_start3A_76 : memref<128x64xbf16, #tpu.memory_space<vmem>>) offsets(%dma_start3A_79 : memref<128xi32, #tpu.memory_space<vmem>>) semaphore(%arg12 : memref<!tpu.dma_semaphore, #tpu.memory_space<semaphore_mem>>)
    %dma_start3A_83 = arith.constant 328 : i32
    %dma_start3A_84 = arith.constant 0 : i32
    %dma_start3A_85 = tpu.memref_slice %arg7[%dma_start3A_83, %dma_start3A_84] : memref<400x64xbf16, #tpu.memory_space<vmem>> -> memref<72x64xbf16, #tpu.memory_space<vmem>>
    %dma_start3A_86 = arith.constant 128 : i32
    %dma_start3A_87 = tpu.memref_slice %arg5[%rem3A_73, %dma_start3A_86] : memref<64x200xi32, #tpu.memory_space<vmem>> -> memref<1x72xi32, #tpu.memory_space<vmem>>
    %dma_start3A_88 = tpu.memref_squeeze %dma_start3A_87 : memref<1x72xi32, #tpu.memory_space<vmem>> -> memref<72xi32, #tpu.memory_space<vmem>>
    %dma_start3A_89 = arith.constant 0 : i32
    %dma_start3A_90 = arith.constant 0 : i32
    %dma_start3A_91 = tpu.memref_slice %arg3[%dma_start3A_89, %dma_start3A_90] : memref<100000x64xbf16, #tpu.memory_space<hbm>> -> memref<100000x64xbf16, #tpu.memory_space<hbm>>
    tpu.enqueue_indirect_dma source(%dma_start3A_91 : memref<100000x64xbf16, #tpu.memory_space<hbm>>) target(%dma_start3A_85 : memref<72x64xbf16, #tpu.memory_space<vmem>>) offsets(%dma_start3A_88 : memref<72xi32, #tpu.memory_space<vmem>>) semaphore(%arg12 : memref<!tpu.dma_semaphore, #tpu.memory_space<semaphore_mem>>)
    %rem3A_92 = arith.constant 4 : i32
    %rem3A_93 = arith.constant 64 : i32
    %rem3A_94 = arith.remsi %rem3A_92, %rem3A_93 : i32
    %dma_start3A_95 = arith.constant 0 : i32
    %dma_start3A_96 = arith.constant 0 : i32
    %dma_start3A_97 = tpu.memref_slice %arg8[%dma_start3A_95, %dma_start3A_96] : memref<400x64xbf16, #tpu.memory_space<vmem>> -> memref<128x64xbf16, #tpu.memory_space<vmem>>
    %dma_start3A_98 = arith.constant 0 : i32
    %dma_start3A_99 = tpu.memref_slice %arg5[%rem3A_94, %dma_start3A_98] : memref<64x200xi32, #tpu.memory_space<vmem>> -> memref<1x128xi32, #tpu.memory_space<vmem>>
    %dma_start3A_100 = tpu.memref_squeeze %dma_start3A_99 : memref<1x128xi32, #tpu.memory_space<vmem>> -> memref<128xi32, #tpu.memory_space<vmem>>
    %dma_start3A_101 = arith.constant 0 : i32
    %dma_start3A_102 = arith.constant 0 : i32
    %dma_start3A_103 = tpu.memref_slice %arg3[%dma_start3A_101, %dma_start3A_102] : memref<100000x64xbf16, #tpu.memory_space<hbm>> -> memref<100000x64xbf16, #tpu.memory_space<hbm>>
    tpu.enqueue_indirect_dma source(%dma_start3A_103 : memref<100000x64xbf16, #tpu.memory_space<hbm>>) target(%dma_start3A_97 : memref<128x64xbf16, #tpu.memory_space<vmem>>) offsets(%dma_start3A_100 : memref<128xi32, #tpu.memory_space<vmem>>) semaphore(%arg13 : memref<!tpu.dma_semaphore, #tpu.memory_space<semaphore_mem>>)
    %dma_start3A_104 = arith.constant 128 : i32
    %dma_start3A_105 = arith.constant 0 : i32
    %dma_start3A_106 = tpu.memref_slice %arg8[%dma_start3A_104, %dma_start3A_105] : memref<400x64xbf16, #tpu.memory_space<vmem>> -> memref<72x64xbf16, #tpu.memory_space<vmem>>
    %dma_start3A_107 = arith.constant 128 : i32
    %dma_start3A_108 = tpu.memref_slice %arg5[%rem3A_94, %dma_start3A_107] : memref<64x200xi32, #tpu.memory_space<vmem>> -> memref<1x72xi32, #tpu.memory_space<vmem>>
    %dma_start3A_109 = tpu.memref_squeeze %dma_start3A_108 : memref<1x72xi32, #tpu.memory_space<vmem>> -> memref<72xi32, #tpu.memory_space<vmem>>
    %dma_start3A_110 = arith.constant 0 : i32
    %dma_start3A_111 = arith.constant 0 : i32
    %dma_start3A_112 = tpu.memref_slice %arg3[%dma_start3A_110, %dma_start3A_111] : memref<100000x64xbf16, #tpu.memory_space<hbm>> -> memref<100000x64xbf16, #tpu.memory_space<hbm>>
    tpu.enqueue_indirect_dma source(%dma_start3A_112 : memref<100000x64xbf16, #tpu.memory_space<hbm>>) target(%dma_start3A_106 : memref<72x64xbf16, #tpu.memory_space<vmem>>) offsets(%dma_start3A_109 : memref<72xi32, #tpu.memory_space<vmem>>) semaphore(%arg13 : memref<!tpu.dma_semaphore, #tpu.memory_space<semaphore_mem>>)
    %rem3A_113 = arith.constant 5 : i32
    %rem3A_114 = arith.constant 64 : i32
    %rem3A_115 = arith.remsi %rem3A_113, %rem3A_114 : i32
    %dma_start3A_116 = arith.constant 200 : i32
    %dma_start3A_117 = arith.constant 0 : i32
    %dma_start3A_118 = tpu.memref_slice %arg8[%dma_start3A_116, %dma_start3A_117] : memref<400x64xbf16, #tpu.memory_space<vmem>> -> memref<128x64xbf16, #tpu.memory_space<vmem>>
    %dma_start3A_119 = arith.constant 0 : i32
    %dma_start3A_120 = tpu.memref_slice %arg5[%rem3A_115, %dma_start3A_119] : memref<64x200xi32, #tpu.memory_space<vmem>> -> memref<1x128xi32, #tpu.memory_space<vmem>>
    %dma_start3A_121 = tpu.memref_squeeze %dma_start3A_120 : memref<1x128xi32, #tpu.memory_space<vmem>> -> memref<128xi32, #tpu.memory_space<vmem>>
    %dma_start3A_122 = arith.constant 0 : i32
    %dma_start3A_123 = arith.constant 0 : i32
    %dma_start3A_124 = tpu.memref_slice %arg3[%dma_start3A_122, %dma_start3A_123] : memref<100000x64xbf16, #tpu.memory_space<hbm>> -> memref<100000x64xbf16, #tpu.memory_space<hbm>>
    tpu.enqueue_indirect_dma source(%dma_start3A_124 : memref<100000x64xbf16, #tpu.memory_space<hbm>>) target(%dma_start3A_118 : memref<128x64xbf16, #tpu.memory_space<vmem>>) offsets(%dma_start3A_121 : memref<128xi32, #tpu.memory_space<vmem>>) semaphore(%arg13 : memref<!tpu.dma_semaphore, #tpu.memory_space<semaphore_mem>>)
    %dma_start3A_125 = arith.constant 328 : i32
    %dma_start3A_126 = arith.constant 0 : i32
    %dma_start3A_127 = tpu.memref_slice %arg8[%dma_start3A_125, %dma_start3A_126] : memref<400x64xbf16, #tpu.memory_space<vmem>> -> memref<72x64xbf16, #tpu.memory_space<vmem>>
    %dma_start3A_128 = arith.constant 128 : i32
    %dma_start3A_129 = tpu.memref_slice %arg5[%rem3A_115, %dma_start3A_128] : memref<64x200xi32, #tpu.memory_space<vmem>> -> memref<1x72xi32, #tpu.memory_space<vmem>>
    %dma_start3A_130 = tpu.memref_squeeze %dma_start3A_129 : memref<1x72xi32, #tpu.memory_space<vmem>> -> memref<72xi32, #tpu.memory_space<vmem>>
    %dma_start3A_131 = arith.constant 0 : i32
    %dma_start3A_132 = arith.constant 0 : i32
    %dma_start3A_133 = tpu.memref_slice %arg3[%dma_start3A_131, %dma_start3A_132] : memref<100000x64xbf16, #tpu.memory_space<hbm>> -> memref<100000x64xbf16, #tpu.memory_space<hbm>>
    tpu.enqueue_indirect_dma source(%dma_start3A_133 : memref<100000x64xbf16, #tpu.memory_space<hbm>>) target(%dma_start3A_127 : memref<72x64xbf16, #tpu.memory_space<vmem>>) offsets(%dma_start3A_130 : memref<72xi32, #tpu.memory_space<vmem>>) semaphore(%arg13 : memref<!tpu.dma_semaphore, #tpu.memory_space<semaphore_mem>>)
    %rem3A_134 = arith.constant 6 : i32
    %rem3A_135 = arith.constant 64 : i32
    %rem3A_136 = arith.remsi %rem3A_134, %rem3A_135 : i32
    %dma_start3A_137 = arith.constant 0 : i32
    %dma_start3A_138 = arith.constant 0 : i32
    %dma_start3A_139 = tpu.memref_slice %arg9[%dma_start3A_137, %dma_start3A_138] : memref<400x64xbf16, #tpu.memory_space<vmem>> -> memref<128x64xbf16, #tpu.memory_space<vmem>>
    %dma_start3A_140 = arith.constant 0 : i32
    %dma_start3A_141 = tpu.memref_slice %arg5[%rem3A_136, %dma_start3A_140] : memref<64x200xi32, #tpu.memory_space<vmem>> -> memref<1x128xi32, #tpu.memory_space<vmem>>
    %dma_start3A_142 = tpu.memref_squeeze %dma_start3A_141 : memref<1x128xi32, #tpu.memory_space<vmem>> -> memref<128xi32, #tpu.memory_space<vmem>>
    %dma_start3A_143 = arith.constant 0 : i32
    %dma_start3A_144 = arith.constant 0 : i32
    %dma_start3A_145 = tpu.memref_slice %arg3[%dma_start3A_143, %dma_start3A_144] : memref<100000x64xbf16, #tpu.memory_space<hbm>> -> memref<100000x64xbf16, #tpu.memory_space<hbm>>
    tpu.enqueue_indirect_dma source(%dma_start3A_145 : memref<100000x64xbf16, #tpu.memory_space<hbm>>) target(%dma_start3A_139 : memref<128x64xbf16, #tpu.memory_space<vmem>>) offsets(%dma_start3A_142 : memref<128xi32, #tpu.memory_space<vmem>>) semaphore(%arg14 : memref<!tpu.dma_semaphore, #tpu.memory_space<semaphore_mem>>)
    %dma_start3A_146 = arith.constant 128 : i32
    %dma_start3A_147 = arith.constant 0 : i32
    %dma_start3A_148 = tpu.memref_slice %arg9[%dma_start3A_146, %dma_start3A_147] : memref<400x64xbf16, #tpu.memory_space<vmem>> -> memref<72x64xbf16, #tpu.memory_space<vmem>>
    %dma_start3A_149 = arith.constant 128 : i32
    %dma_start3A_150 = tpu.memref_slice %arg5[%rem3A_136, %dma_start3A_149] : memref<64x200xi32, #tpu.memory_space<vmem>> -> memref<1x72xi32, #tpu.memory_space<vmem>>
    %dma_start3A_151 = tpu.memref_squeeze %dma_start3A_150 : memref<1x72xi32, #tpu.memory_space<vmem>> -> memref<72xi32, #tpu.memory_space<vmem>>
    %dma_start3A_152 = arith.constant 0 : i32
    %dma_start3A_153 = arith.constant 0 : i32
    %dma_start3A_154 = tpu.memref_slice %arg3[%dma_start3A_152, %dma_start3A_153] : memref<100000x64xbf16, #tpu.memory_space<hbm>> -> memref<100000x64xbf16, #tpu.memory_space<hbm>>
    tpu.enqueue_indirect_dma source(%dma_start3A_154 : memref<100000x64xbf16, #tpu.memory_space<hbm>>) target(%dma_start3A_148 : memref<72x64xbf16, #tpu.memory_space<vmem>>) offsets(%dma_start3A_151 : memref<72xi32, #tpu.memory_space<vmem>>) semaphore(%arg14 : memref<!tpu.dma_semaphore, #tpu.memory_space<semaphore_mem>>)
    %rem3A_155 = arith.constant 7 : i32
    %rem3A_156 = arith.constant 64 : i32
    %rem3A_157 = arith.remsi %rem3A_155, %rem3A_156 : i32
    %dma_start3A_158 = arith.constant 200 : i32
    %dma_start3A_159 = arith.constant 0 : i32
    %dma_start3A_160 = tpu.memref_slice %arg9[%dma_start3A_158, %dma_start3A_159] : memref<400x64xbf16, #tpu.memory_space<vmem>> -> memref<128x64xbf16, #tpu.memory_space<vmem>>
    %dma_start3A_161 = arith.constant 0 : i32
    %dma_start3A_162 = tpu.memref_slice %arg5[%rem3A_157, %dma_start3A_161] : memref<64x200xi32, #tpu.memory_space<vmem>> -> memref<1x128xi32, #tpu.memory_space<vmem>>
    %dma_start3A_163 = tpu.memref_squeeze %dma_start3A_162 : memref<1x128xi32, #tpu.memory_space<vmem>> -> memref<128xi32, #tpu.memory_space<vmem>>
    %dma_start3A_164 = arith.constant 0 : i32
    %dma_start3A_165 = arith.constant 0 : i32
    %dma_start3A_166 = tpu.memref_slice %arg3[%dma_start3A_164, %dma_start3A_165] : memref<100000x64xbf16, #tpu.memory_space<hbm>> -> memref<100000x64xbf16, #tpu.memory_space<hbm>>
    tpu.enqueue_indirect_dma source(%dma_start3A_166 : memref<100000x64xbf16, #tpu.memory_space<hbm>>) target(%dma_start3A_160 : memref<128x64xbf16, #tpu.memory_space<vmem>>) offsets(%dma_start3A_163 : memref<128xi32, #tpu.memory_space<vmem>>) semaphore(%arg14 : memref<!tpu.dma_semaphore, #tpu.memory_space<semaphore_mem>>)
    %dma_start3A_167 = arith.constant 328 : i32
    %dma_start3A_168 = arith.constant 0 : i32
    %dma_start3A_169 = tpu.memref_slice %arg9[%dma_start3A_167, %dma_start3A_168] : memref<400x64xbf16, #tpu.memory_space<vmem>> -> memref<72x64xbf16, #tpu.memory_space<vmem>>
    %dma_start3A_170 = arith.constant 128 : i32
    %dma_start3A_171 = tpu.memref_slice %arg5[%rem3A_157, %dma_start3A_170] : memref<64x200xi32, #tpu.memory_space<vmem>> -> memref<1x72xi32, #tpu.memory_space<vmem>>
    %dma_start3A_172 = tpu.memref_squeeze %dma_start3A_171 : memref<1x72xi32, #tpu.memory_space<vmem>> -> memref<72xi32, #tpu.memory_space<vmem>>
    %dma_start3A_173 = arith.constant 0 : i32
    %dma_start3A_174 = arith.constant 0 : i32
    %dma_start3A_175 = tpu.memref_slice %arg3[%dma_start3A_173, %dma_start3A_174] : memref<100000x64xbf16, #tpu.memory_space<hbm>> -> memref<100000x64xbf16, #tpu.memory_space<hbm>>
    tpu.enqueue_indirect_dma source(%dma_start3A_175 : memref<100000x64xbf16, #tpu.memory_space<hbm>>) target(%dma_start3A_169 : memref<72x64xbf16, #tpu.memory_space<vmem>>) offsets(%dma_start3A_172 : memref<72xi32, #tpu.memory_space<vmem>>) semaphore(%arg14 : memref<!tpu.dma_semaphore, #tpu.memory_space<semaphore_mem>>)
    %scan3A = arith.constant 0 : i32
    %scan3A_176 = arith.constant 0 : i32
    %scan3A_177 = arith.constant 64 : i32
    %scan3A_178 = arith.addi %scan3A_176, %scan3A_177 : i32
    %scan3A_179 = arith.constant 1 : i32
    scf.for %scan3A_181 = %scan3A_176 to %scan3A_178 step %scan3A_179  : i32 {
      %mul3A_182 = arith.constant 4 : i32
      %mul3A_183 = arith.muli %scan3A_181, %mul3A_182 : i32
      %add3A_184 = arith.constant 0 : i32
      %add3A_185 = arith.addi %mul3A_183, %add3A_184 : i32
      %dma_wait3A = arith.constant 0 : i32
      %dma_wait3A_186 = arith.constant 0 : i32
      %dma_wait3A_187 = tpu.memref_slice %arg3[%dma_wait3A, %dma_wait3A_186] : memref<100000x64xbf16, #tpu.memory_space<hbm>> -> memref<400x64xbf16, #tpu.memory_space<hbm>>
      %dma_wait3A_188 = arith.constant 0 : i32
      %dma_wait3A_189 = arith.constant 0 : i32
      %dma_wait3A_190 = tpu.memref_slice %arg3[%dma_wait3A_188, %dma_wait3A_189] : memref<100000x64xbf16, #tpu.memory_space<hbm>> -> memref<400x64xbf16, #tpu.memory_space<hbm>>
      tpu.wait_dma2 semaphore(%arg11 : memref<!tpu.dma_semaphore, #tpu.memory_space<semaphore_mem>>) src(%dma_wait3A_190 : memref<400x64xbf16, #tpu.memory_space<hbm>>) dst(%arg6 : memref<400x64xbf16, #tpu.memory_space<vmem>>)
      %mul3A_191 = arith.constant 2 : i32
      %mul3A_192 = arith.muli %mul3A_191, %add3A_185 : i32
      %broadcast_in_dim3A = arith.constant 0.000000e+00 : f32
      %broadcast_in_dim3A_193 = vector.broadcast %broadcast_in_dim3A : f32 to vector<16xf32>
      %scan3A_194 = arith.constant 0 : i32
      %scan3A_195 = arith.constant 50 : i32
      %scan3A_196 = arith.addi %scan3A_194, %scan3A_195 : i32
      %scan3A_197 = arith.constant 1 : i32
      %scan3A_198:8 = scf.for %scan3A_503 = %scan3A_194 to %scan3A_196 step %scan3A_197 iter_args(%scan3A_504 = %broadcast_in_dim3A_193, %scan3A_505 = %broadcast_in_dim3A_193, %scan3A_506 = %broadcast_in_dim3A_193, %scan3A_507 = %broadcast_in_dim3A_193, %scan3A_508 = %broadcast_in_dim3A_193, %scan3A_509 = %broadcast_in_dim3A_193, %scan3A_510 = %broadcast_in_dim3A_193, %scan3A_511 = %broadcast_in_dim3A_193) -> (vector<16xf32>, vector<16xf32>, vector<16xf32>, vector<16xf32>, vector<16xf32>, vector<16xf32>, vector<16xf32>, vector<16xf32>)  : i32 {
        %mul3A_512 = arith.constant 4 : i32
        %mul3A_513 = arith.muli %scan3A_503, %mul3A_512 : i32
        %add3A_514 = arith.constant 0 : i32
        %add3A_515 = arith.addi %add3A_514, %mul3A_513 : i32
        %add3A_516 = arith.constant 0 : i32
        %add3A_517 = arith.addi %add3A_515, %add3A_516 : i32
        %get3A = arith.index_cast %add3A_517 : i32 to index
        %get3A_518 = arith.constant 0 : index
        %get3A_519 = tpu.vector_load %arg6[%get3A, %get3A_518] {strides = array<i32>} : memref<400x64xbf16, #tpu.memory_space<vmem>>, vector<32xbf16>,
        %bitcast3A = vector.bitcast %get3A_519 : vector<32xbf16> to vector<16xi32>
        %shift_left3A = arith.constant 16 : i32
        %shift_left3A_520 = vector.broadcast %shift_left3A : i32 to vector<16xi32>
        %shift_left3A_521 = arith.shli %bitcast3A, %shift_left3A_520 : vector<16xi32>
        %bitcast3A_522 = vector.bitcast %shift_left3A_521 : vector<16xi32> to vector<16xf32>
        %bitcast3A_523 = vector.bitcast %bitcast3A : vector<16xi32> to vector<16xf32>
        %add3A_524 = arith.addf %scan3A_504, %bitcast3A_522 : vector<16xf32>
        %add3A_525 = arith.addf %scan3A_505, %bitcast3A_523 : vector<16xf32>
        %add3A_526 = arith.constant 0 : i32
        %add3A_527 = arith.addi %add3A_515, %add3A_526 : i32
        %get3A_528 = arith.index_cast %add3A_527 : i32 to index
        %get3A_529 = arith.constant 32 : index
        %get3A_530 = tpu.vector_load %arg6[%get3A_528, %get3A_529] {strides = array<i32>} : memref<400x64xbf16, #tpu.memory_space<vmem>>, vector<32xbf16>,
        %bitcast3A_531 = vector.bitcast %get3A_530 : vector<32xbf16> to vector<16xi32>
        %shift_left3A_532 = arith.constant 16 : i32
        %shift_left3A_533 = vector.broadcast %shift_left3A_532 : i32 to vector<16xi32>
        %shift_left3A_534 = arith.shli %bitcast3A_531, %shift_left3A_533 : vector<16xi32>
        %bitcast3A_535 = vector.bitcast %shift_left3A_534 : vector<16xi32> to vector<16xf32>
        %bitcast3A_536 = vector.bitcast %bitcast3A_531 : vector<16xi32> to vector<16xf32>
        %add3A_537 = arith.addf %scan3A_506, %bitcast3A_535 : vector<16xf32>
        %add3A_538 = arith.addf %scan3A_507, %bitcast3A_536 : vector<16xf32>
        %add3A_539 = arith.constant 1 : i32
        %add3A_540 = arith.addi %add3A_515, %add3A_539 : i32
        %get3A_541 = arith.index_cast %add3A_540 : i32 to index
        %get3A_542 = arith.constant 0 : index
        %get3A_543 = tpu.vector_load %arg6[%get3A_541, %get3A_542] {strides = array<i32>} : memref<400x64xbf16, #tpu.memory_space<vmem>>, vector<32xbf16>,
        %bitcast3A_544 = vector.bitcast %get3A_543 : vector<32xbf16> to vector<16xi32>
        %shift_left3A_545 = arith.constant 16 : i32
        %shift_left3A_546 = vector.broadcast %shift_left3A_545 : i32 to vector<16xi32>
        %shift_left3A_547 = arith.shli %bitcast3A_544, %shift_left3A_546 : vector<16xi32>
        %bitcast3A_548 = vector.bitcast %shift_left3A_547 : vector<16xi32> to vector<16xf32>
        %bitcast3A_549 = vector.bitcast %bitcast3A_544 : vector<16xi32> to vector<16xf32>
        %add3A_550 = arith.addf %scan3A_508, %bitcast3A_548 : vector<16xf32>
        %add3A_551 = arith.addf %scan3A_509, %bitcast3A_549 : vector<16xf32>
        %add3A_552 = arith.constant 1 : i32
        %add3A_553 = arith.addi %add3A_515, %add3A_552 : i32
        %get3A_554 = arith.index_cast %add3A_553 : i32 to index
        %get3A_555 = arith.constant 32 : index
        %get3A_556 = tpu.vector_load %arg6[%get3A_554, %get3A_555] {strides = array<i32>} : memref<400x64xbf16, #tpu.memory_space<vmem>>, vector<32xbf16>,
        %bitcast3A_557 = vector.bitcast %get3A_556 : vector<32xbf16> to vector<16xi32>
        %shift_left3A_558 = arith.constant 16 : i32
        %shift_left3A_559 = vector.broadcast %shift_left3A_558 : i32 to vector<16xi32>
        %shift_left3A_560 = arith.shli %bitcast3A_557, %shift_left3A_559 : vector<16xi32>
        %bitcast3A_561 = vector.bitcast %shift_left3A_560 : vector<16xi32> to vector<16xf32>
        %bitcast3A_562 = vector.bitcast %bitcast3A_557 : vector<16xi32> to vector<16xf32>
        %add3A_563 = arith.addf %scan3A_510, %bitcast3A_561 : vector<16xf32>
        %add3A_564 = arith.addf %scan3A_511, %bitcast3A_562 : vector<16xf32>
        %add3A_565 = arith.constant 2 : i32
        %add3A_566 = arith.addi %add3A_515, %add3A_565 : i32
        %get3A_567 = arith.index_cast %add3A_566 : i32 to index
        %get3A_568 = arith.constant 0 : index
        %get3A_569 = tpu.vector_load %arg6[%get3A_567, %get3A_568] {strides = array<i32>} : memref<400x64xbf16, #tpu.memory_space<vmem>>, vector<32xbf16>,
        %bitcast3A_570 = vector.bitcast %get3A_569 : vector<32xbf16> to vector<16xi32>
        %shift_left3A_571 = arith.constant 16 : i32
        %shift_left3A_572 = vector.broadcast %shift_left3A_571 : i32 to vector<16xi32>
        %shift_left3A_573 = arith.shli %bitcast3A_570, %shift_left3A_572 : vector<16xi32>
        %bitcast3A_574 = vector.bitcast %shift_left3A_573 : vector<16xi32> to vector<16xf32>
        %bitcast3A_575 = vector.bitcast %bitcast3A_570 : vector<16xi32> to vector<16xf32>
        %add3A_576 = arith.addf %add3A_524, %bitcast3A_574 : vector<16xf32>
        %add3A_577 = arith.addf %add3A_525, %bitcast3A_575 : vector<16xf32>
        %add3A_578 = arith.constant 2 : i32
        %add3A_579 = arith.addi %add3A_515, %add3A_578 : i32
        %get3A_580 = arith.index_cast %add3A_579 : i32 to index
        %get3A_581 = arith.constant 32 : index
        %get3A_582 = tpu.vector_load %arg6[%get3A_580, %get3A_581] {strides = array<i32>} : memref<400x64xbf16, #tpu.memory_space<vmem>>, vector<32xbf16>,
        %bitcast3A_583 = vector.bitcast %get3A_582 : vector<32xbf16> to vector<16xi32>
        %shift_left3A_584 = arith.constant 16 : i32
        %shift_left3A_585 = vector.broadcast %shift_left3A_584 : i32 to vector<16xi32>
        %shift_left3A_586 = arith.shli %bitcast3A_583, %shift_left3A_585 : vector<16xi32>
        %bitcast3A_587 = vector.bitcast %shift_left3A_586 : vector<16xi32> to vector<16xf32>
        %bitcast3A_588 = vector.bitcast %bitcast3A_583 : vector<16xi32> to vector<16xf32>
        %add3A_589 = arith.addf %add3A_537, %bitcast3A_587 : vector<16xf32>
        %add3A_590 = arith.addf %add3A_538, %bitcast3A_588 : vector<16xf32>
        %add3A_591 = arith.constant 3 : i32
        %add3A_592 = arith.addi %add3A_515, %add3A_591 : i32
        %get3A_593 = arith.index_cast %add3A_592 : i32 to index
        %get3A_594 = arith.constant 0 : index
        %get3A_595 = tpu.vector_load %arg6[%get3A_593, %get3A_594] {strides = array<i32>} : memref<400x64xbf16, #tpu.memory_space<vmem>>, vector<32xbf16>,
        %bitcast3A_596 = vector.bitcast %get3A_595 : vector<32xbf16> to vector<16xi32>
        %shift_left3A_597 = arith.constant 16 : i32
        %shift_left3A_598 = vector.broadcast %shift_left3A_597 : i32 to vector<16xi32>
        %shift_left3A_599 = arith.shli %bitcast3A_596, %shift_left3A_598 : vector<16xi32>
        %bitcast3A_600 = vector.bitcast %shift_left3A_599 : vector<16xi32> to vector<16xf32>
        %bitcast3A_601 = vector.bitcast %bitcast3A_596 : vector<16xi32> to vector<16xf32>
        %add3A_602 = arith.addf %add3A_550, %bitcast3A_600 : vector<16xf32>
        %add3A_603 = arith.addf %add3A_551, %bitcast3A_601 : vector<16xf32>
        %add3A_604 = arith.constant 3 : i32
        %add3A_605 = arith.addi %add3A_515, %add3A_604 : i32
        %get3A_606 = arith.index_cast %add3A_605 : i32 to index
        %get3A_607 = arith.constant 32 : index
        %get3A_608 = tpu.vector_load %arg6[%get3A_606, %get3A_607] {strides = array<i32>} : memref<400x64xbf16, #tpu.memory_space<vmem>>, vector<32xbf16>,
        %bitcast3A_609 = vector.bitcast %get3A_608 : vector<32xbf16> to vector<16xi32>
        %shift_left3A_610 = arith.constant 16 : i32
        %shift_left3A_611 = vector.broadcast %shift_left3A_610 : i32 to vector<16xi32>
        %shift_left3A_612 = arith.shli %bitcast3A_609, %shift_left3A_611 : vector<16xi32>
        %bitcast3A_613 = vector.bitcast %shift_left3A_612 : vector<16xi32> to vector<16xf32>
        %bitcast3A_614 = vector.bitcast %bitcast3A_609 : vector<16xi32> to vector<16xf32>
        %add3A_615 = arith.addf %add3A_563, %bitcast3A_613 : vector<16xf32>
        %add3A_616 = arith.addf %add3A_564, %bitcast3A_614 : vector<16xf32>
        scf.yield %add3A_576, %add3A_577, %add3A_589, %add3A_590, %add3A_602, %add3A_603, %add3A_615, %add3A_616 : vector<16xf32>, vector<16xf32>, vector<16xf32>, vector<16xf32>, vector<16xf32>, vector<16xf32>, vector<16xf32>, vector<16xf32>
      }
      %scan3A_199 = arith.constant 50 : i32
      %rem3A_200 = arith.constant 32 : i32
      %rem3A_201 = arith.remsi %mul3A_192, %rem3A_200 : i32
      %add3A_202 = arith.addf %scan3A_198#0, %scan3A_198#4 : vector<16xf32>
      %swap3A = arith.index_cast %rem3A_201 : i32 to index
      %swap3A_203 = arith.constant 0 : index
      %swap3A_204 = tpu.vector_load %arg10[%swap3A, %swap3A_203] {strides = array<i32>} : memref<32x64xf32, #tpu.memory_space<vmem>>, vector<16xf32>,
      tpu.vector_store %arg10[%swap3A, %swap3A_203], %add3A_202 {strides = array<i32>} : memref<32x64xf32, #tpu.memory_space<vmem>>, vector<16xf32>,
      %add3A_205 = arith.addf %scan3A_198#1, %scan3A_198#5 : vector<16xf32>
      %swap3A_206 = arith.index_cast %rem3A_201 : i32 to index
      %swap3A_207 = arith.constant 16 : index
      %swap3A_208 = tpu.vector_load %arg10[%swap3A_206, %swap3A_207] {strides = array<i32>} : memref<32x64xf32, #tpu.memory_space<vmem>>, vector<16xf32>,
      tpu.vector_store %arg10[%swap3A_206, %swap3A_207], %add3A_205 {strides = array<i32>} : memref<32x64xf32, #tpu.memory_space<vmem>>, vector<16xf32>,
      %add3A_209 = arith.addf %scan3A_198#2, %scan3A_198#6 : vector<16xf32>
      %swap3A_210 = arith.index_cast %rem3A_201 : i32 to index
      %swap3A_211 = arith.constant 32 : index
      %swap3A_212 = tpu.vector_load %arg10[%swap3A_210, %swap3A_211] {strides = array<i32>} : memref<32x64xf32, #tpu.memory_space<vmem>>, vector<16xf32>,
      tpu.vector_store %arg10[%swap3A_210, %swap3A_211], %add3A_209 {strides = array<i32>} : memref<32x64xf32, #tpu.memory_space<vmem>>, vector<16xf32>,
      %add3A_213 = arith.addf %scan3A_198#3, %scan3A_198#7 : vector<16xf32>
      %swap3A_214 = arith.index_cast %rem3A_201 : i32 to index
      %swap3A_215 = arith.constant 48 : index
      %swap3A_216 = tpu.vector_load %arg10[%swap3A_214, %swap3A_215] {strides = array<i32>} : memref<32x64xf32, #tpu.memory_space<vmem>>, vector<16xf32>,
      tpu.vector_store %arg10[%swap3A_214, %swap3A_215], %add3A_213 {strides = array<i32>} : memref<32x64xf32, #tpu.memory_space<vmem>>, vector<16xf32>,
      %mul3A_217 = arith.constant 2 : i32
      %mul3A_218 = arith.muli %mul3A_217, %add3A_185 : i32
      %add3A_219 = arith.constant 1 : i32
      %add3A_220 = arith.addi %mul3A_218, %add3A_219 : i32
      %broadcast_in_dim3A_221 = arith.constant 0.000000e+00 : f32
      %broadcast_in_dim3A_222 = vector.broadcast %broadcast_in_dim3A_221 : f32 to vector<16xf32>
      %scan3A_223 = arith.constant 0 : i32
      %scan3A_224 = arith.constant 50 : i32
      %scan3A_225 = arith.addi %scan3A_223, %scan3A_224 : i32
      %scan3A_226 = arith.constant 1 : i32
      %scan3A_227:8 = scf.for %scan3A_503 = %scan3A_223 to %scan3A_225 step %scan3A_226 iter_args(%scan3A_504 = %broadcast_in_dim3A_222, %scan3A_505 = %broadcast_in_dim3A_222, %scan3A_506 = %broadcast_in_dim3A_222, %scan3A_507 = %broadcast_in_dim3A_222, %scan3A_508 = %broadcast_in_dim3A_222, %scan3A_509 = %broadcast_in_dim3A_222, %scan3A_510 = %broadcast_in_dim3A_222, %scan3A_511 = %broadcast_in_dim3A_222) -> (vector<16xf32>, vector<16xf32>, vector<16xf32>, vector<16xf32>, vector<16xf32>, vector<16xf32>, vector<16xf32>, vector<16xf32>)  : i32 {
        %mul3A_512 = arith.constant 4 : i32
        %mul3A_513 = arith.muli %scan3A_503, %mul3A_512 : i32
        %add3A_514 = arith.constant 200 : i32
        %add3A_515 = arith.addi %add3A_514, %mul3A_513 : i32
        %add3A_516 = arith.constant 0 : i32
        %add3A_517 = arith.addi %add3A_515, %add3A_516 : i32
        %get3A = arith.index_cast %add3A_517 : i32 to index
        %get3A_518 = arith.constant 0 : index
        %get3A_519 = tpu.vector_load %arg6[%get3A, %get3A_518] {strides = array<i32>} : memref<400x64xbf16, #tpu.memory_space<vmem>>, vector<32xbf16>,
        %bitcast3A = vector.bitcast %get3A_519 : vector<32xbf16> to vector<16xi32>
        %shift_left3A = arith.constant 16 : i32
        %shift_left3A_520 = vector.broadcast %shift_left3A : i32 to vector<16xi32>
        %shift_left3A_521 = arith.shli %bitcast3A, %shift_left3A_520 : vector<16xi32>
        %bitcast3A_522 = vector.bitcast %shift_left3A_521 : vector<16xi32> to vector<16xf32>
        %bitcast3A_523 = vector.bitcast %bitcast3A : vector<16xi32> to vector<16xf32>
        %add3A_524 = arith.addf %scan3A_504, %bitcast3A_522 : vector<16xf32>
        %add3A_525 = arith.addf %scan3A_505, %bitcast3A_523 : vector<16xf32>
        %add3A_526 = arith.constant 0 : i32
        %add3A_527 = arith.addi %add3A_515, %add3A_526 : i32
        %get3A_528 = arith.index_cast %add3A_527 : i32 to index
        %get3A_529 = arith.constant 32 : index
        %get3A_530 = tpu.vector_load %arg6[%get3A_528, %get3A_529] {strides = array<i32>} : memref<400x64xbf16, #tpu.memory_space<vmem>>, vector<32xbf16>,
        %bitcast3A_531 = vector.bitcast %get3A_530 : vector<32xbf16> to vector<16xi32>
        %shift_left3A_532 = arith.constant 16 : i32
        %shift_left3A_533 = vector.broadcast %shift_left3A_532 : i32 to vector<16xi32>
        %shift_left3A_534 = arith.shli %bitcast3A_531, %shift_left3A_533 : vector<16xi32>
        %bitcast3A_535 = vector.bitcast %shift_left3A_534 : vector<16xi32> to vector<16xf32>
        %bitcast3A_536 = vector.bitcast %bitcast3A_531 : vector<16xi32> to vector<16xf32>
        %add3A_537 = arith.addf %scan3A_506, %bitcast3A_535 : vector<16xf32>
        %add3A_538 = arith.addf %scan3A_507, %bitcast3A_536 : vector<16xf32>
        %add3A_539 = arith.constant 1 : i32
        %add3A_540 = arith.addi %add3A_515, %add3A_539 : i32
        %get3A_541 = arith.index_cast %add3A_540 : i32 to index
        %get3A_542 = arith.constant 0 : index
        %get3A_543 = tpu.vector_load %arg6[%get3A_541, %get3A_542] {strides = array<i32>} : memref<400x64xbf16, #tpu.memory_space<vmem>>, vector<32xbf16>,
        %bitcast3A_544 = vector.bitcast %get3A_543 : vector<32xbf16> to vector<16xi32>
        %shift_left3A_545 = arith.constant 16 : i32
        %shift_left3A_546 = vector.broadcast %shift_left3A_545 : i32 to vector<16xi32>
        %shift_left3A_547 = arith.shli %bitcast3A_544, %shift_left3A_546 : vector<16xi32>
        %bitcast3A_548 = vector.bitcast %shift_left3A_547 : vector<16xi32> to vector<16xf32>
        %bitcast3A_549 = vector.bitcast %bitcast3A_544 : vector<16xi32> to vector<16xf32>
        %add3A_550 = arith.addf %scan3A_508, %bitcast3A_548 : vector<16xf32>
        %add3A_551 = arith.addf %scan3A_509, %bitcast3A_549 : vector<16xf32>
        %add3A_552 = arith.constant 1 : i32
        %add3A_553 = arith.addi %add3A_515, %add3A_552 : i32
        %get3A_554 = arith.index_cast %add3A_553 : i32 to index
        %get3A_555 = arith.constant 32 : index
        %get3A_556 = tpu.vector_load %arg6[%get3A_554, %get3A_555] {strides = array<i32>} : memref<400x64xbf16, #tpu.memory_space<vmem>>, vector<32xbf16>,
        %bitcast3A_557 = vector.bitcast %get3A_556 : vector<32xbf16> to vector<16xi32>
        %shift_left3A_558 = arith.constant 16 : i32
        %shift_left3A_559 = vector.broadcast %shift_left3A_558 : i32 to vector<16xi32>
        %shift_left3A_560 = arith.shli %bitcast3A_557, %shift_left3A_559 : vector<16xi32>
        %bitcast3A_561 = vector.bitcast %shift_left3A_560 : vector<16xi32> to vector<16xf32>
        %bitcast3A_562 = vector.bitcast %bitcast3A_557 : vector<16xi32> to vector<16xf32>
        %add3A_563 = arith.addf %scan3A_510, %bitcast3A_561 : vector<16xf32>
        %add3A_564 = arith.addf %scan3A_511, %bitcast3A_562 : vector<16xf32>
        %add3A_565 = arith.constant 2 : i32
        %add3A_566 = arith.addi %add3A_515, %add3A_565 : i32
        %get3A_567 = arith.index_cast %add3A_566 : i32 to index
        %get3A_568 = arith.constant 0 : index
        %get3A_569 = tpu.vector_load %arg6[%get3A_567, %get3A_568] {strides = array<i32>} : memref<400x64xbf16, #tpu.memory_space<vmem>>, vector<32xbf16>,
        %bitcast3A_570 = vector.bitcast %get3A_569 : vector<32xbf16> to vector<16xi32>
        %shift_left3A_571 = arith.constant 16 : i32
        %shift_left3A_572 = vector.broadcast %shift_left3A_571 : i32 to vector<16xi32>
        %shift_left3A_573 = arith.shli %bitcast3A_570, %shift_left3A_572 : vector<16xi32>
        %bitcast3A_574 = vector.bitcast %shift_left3A_573 : vector<16xi32> to vector<16xf32>
        %bitcast3A_575 = vector.bitcast %bitcast3A_570 : vector<16xi32> to vector<16xf32>
        %add3A_576 = arith.addf %add3A_524, %bitcast3A_574 : vector<16xf32>
        %add3A_577 = arith.addf %add3A_525, %bitcast3A_575 : vector<16xf32>
        %add3A_578 = arith.constant 2 : i32
        %add3A_579 = arith.addi %add3A_515, %add3A_578 : i32
        %get3A_580 = arith.index_cast %add3A_579 : i32 to index
        %get3A_581 = arith.constant 32 : index
        %get3A_582 = tpu.vector_load %arg6[%get3A_580, %get3A_581] {strides = array<i32>} : memref<400x64xbf16, #tpu.memory_space<vmem>>, vector<32xbf16>,
        %bitcast3A_583 = vector.bitcast %get3A_582 : vector<32xbf16> to vector<16xi32>
        %shift_left3A_584 = arith.constant 16 : i32
        %shift_left3A_585 = vector.broadcast %shift_left3A_584 : i32 to vector<16xi32>
        %shift_left3A_586 = arith.shli %bitcast3A_583, %shift_left3A_585 : vector<16xi32>
        %bitcast3A_587 = vector.bitcast %shift_left3A_586 : vector<16xi32> to vector<16xf32>
        %bitcast3A_588 = vector.bitcast %bitcast3A_583 : vector<16xi32> to vector<16xf32>
        %add3A_589 = arith.addf %add3A_537, %bitcast3A_587 : vector<16xf32>
        %add3A_590 = arith.addf %add3A_538, %bitcast3A_588 : vector<16xf32>
        %add3A_591 = arith.constant 3 : i32
        %add3A_592 = arith.addi %add3A_515, %add3A_591 : i32
        %get3A_593 = arith.index_cast %add3A_592 : i32 to index
        %get3A_594 = arith.constant 0 : index
        %get3A_595 = tpu.vector_load %arg6[%get3A_593, %get3A_594] {strides = array<i32>} : memref<400x64xbf16, #tpu.memory_space<vmem>>, vector<32xbf16>,
        %bitcast3A_596 = vector.bitcast %get3A_595 : vector<32xbf16> to vector<16xi32>
        %shift_left3A_597 = arith.constant 16 : i32
        %shift_left3A_598 = vector.broadcast %shift_left3A_597 : i32 to vector<16xi32>
        %shift_left3A_599 = arith.shli %bitcast3A_596, %shift_left3A_598 : vector<16xi32>
        %bitcast3A_600 = vector.bitcast %shift_left3A_599 : vector<16xi32> to vector<16xf32>
        %bitcast3A_601 = vector.bitcast %bitcast3A_596 : vector<16xi32> to vector<16xf32>
        %add3A_602 = arith.addf %add3A_550, %bitcast3A_600 : vector<16xf32>
        %add3A_603 = arith.addf %add3A_551, %bitcast3A_601 : vector<16xf32>
        %add3A_604 = arith.constant 3 : i32
        %add3A_605 = arith.addi %add3A_515, %add3A_604 : i32
        %get3A_606 = arith.index_cast %add3A_605 : i32 to index
        %get3A_607 = arith.constant 32 : index
        %get3A_608 = tpu.vector_load %arg6[%get3A_606, %get3A_607] {strides = array<i32>} : memref<400x64xbf16, #tpu.memory_space<vmem>>, vector<32xbf16>,
        %bitcast3A_609 = vector.bitcast %get3A_608 : vector<32xbf16> to vector<16xi32>
        %shift_left3A_610 = arith.constant 16 : i32
        %shift_left3A_611 = vector.broadcast %shift_left3A_610 : i32 to vector<16xi32>
        %shift_left3A_612 = arith.shli %bitcast3A_609, %shift_left3A_611 : vector<16xi32>
        %bitcast3A_613 = vector.bitcast %shift_left3A_612 : vector<16xi32> to vector<16xf32>
        %bitcast3A_614 = vector.bitcast %bitcast3A_609 : vector<16xi32> to vector<16xf32>
        %add3A_615 = arith.addf %add3A_563, %bitcast3A_613 : vector<16xf32>
        %add3A_616 = arith.addf %add3A_564, %bitcast3A_614 : vector<16xf32>
        scf.yield %add3A_576, %add3A_577, %add3A_589, %add3A_590, %add3A_602, %add3A_603, %add3A_615, %add3A_616 : vector<16xf32>, vector<16xf32>, vector<16xf32>, vector<16xf32>, vector<16xf32>, vector<16xf32>, vector<16xf32>, vector<16xf32>
      }
      %scan3A_228 = arith.constant 50 : i32
      %rem3A_229 = arith.constant 32 : i32
      %rem3A_230 = arith.remsi %add3A_220, %rem3A_229 : i32
      %add3A_231 = arith.addf %scan3A_227#0, %scan3A_227#4 : vector<16xf32>
      %swap3A_232 = arith.index_cast %rem3A_230 : i32 to index
      %swap3A_233 = arith.constant 0 : index
      %swap3A_234 = tpu.vector_load %arg10[%swap3A_232, %swap3A_233] {strides = array<i32>} : memref<32x64xf32, #tpu.memory_space<vmem>>, vector<16xf32>,
      tpu.vector_store %arg10[%swap3A_232, %swap3A_233], %add3A_231 {strides = array<i32>} : memref<32x64xf32, #tpu.memory_space<vmem>>, vector<16xf32>,
      %add3A_235 = arith.addf %scan3A_227#1, %scan3A_227#5 : vector<16xf32>
      %swap3A_236 = arith.index_cast %rem3A_230 : i32 to index
      %swap3A_237 = arith.constant 16 : index
      %swap3A_238 = tpu.vector_load %arg10[%swap3A_236, %swap3A_237] {strides = array<i32>} : memref<32x64xf32, #tpu.memory_space<vmem>>, vector<16xf32>,
      tpu.vector_store %arg10[%swap3A_236, %swap3A_237], %add3A_235 {strides = array<i32>} : memref<32x64xf32, #tpu.memory_space<vmem>>, vector<16xf32>,
      %add3A_239 = arith.addf %scan3A_227#2, %scan3A_227#6 : vector<16xf32>
      %swap3A_240 = arith.index_cast %rem3A_230 : i32 to index
      %swap3A_241 = arith.constant 32 : index
      %swap3A_242 = tpu.vector_load %arg10[%swap3A_240, %swap3A_241] {strides = array<i32>} : memref<32x64xf32, #tpu.memory_space<vmem>>, vector<16xf32>,
      tpu.vector_store %arg10[%swap3A_240, %swap3A_241], %add3A_239 {strides = array<i32>} : memref<32x64xf32, #tpu.memory_space<vmem>>, vector<16xf32>,
      %add3A_243 = arith.addf %scan3A_227#3, %scan3A_227#7 : vector<16xf32>
      %swap3A_244 = arith.index_cast %rem3A_230 : i32 to index
      %swap3A_245 = arith.constant 48 : index
      %swap3A_246 = tpu.vector_load %arg10[%swap3A_244, %swap3A_245] {strides = array<i32>} : memref<32x64xf32, #tpu.memory_space<vmem>>, vector<16xf32>,
      tpu.vector_store %arg10[%swap3A_244, %swap3A_245], %add3A_243 {strides = array<i32>} : memref<32x64xf32, #tpu.memory_space<vmem>>, vector<16xf32>,
      %add3A_247 = arith.constant 4 : i32
      %add3A_248 = arith.addi %add3A_185, %add3A_247 : i32
      %lt3A = arith.constant 256 : i32
      %lt3A_249 = arith.cmpi slt, %add3A_248, %lt3A : i32
      %convert_element_type3A = arith.extui %lt3A_249 : i1 to i32
      %cond3A = arith.constant 0 : i32
      %cond3A_250 = arith.cmpi ne, %convert_element_type3A, %cond3A : i32
      scf.if %cond3A_250 {
        %add3A_503 = arith.constant 4 : i32
        %add3A_504 = arith.addi %add3A_185, %add3A_503 : i32
        %rem3A_505 = arith.constant 16 : i32
        %rem3A_506 = arith.remsi %add3A_504, %rem3A_505 : i32
        %eq3A_507 = arith.constant 0 : i32
        %eq3A_508 = arith.cmpi eq, %rem3A_506, %eq3A_507 : i32
        %convert_element_type3A_509 = arith.extui %eq3A_508 : i1 to i32
        %cond3A_510 = arith.constant 0 : i32
        %cond3A_511 = arith.cmpi ne, %convert_element_type3A_509, %cond3A_510 : i32
        scf.if %cond3A_511 {
          %add3A_562 = arith.constant 4 : i32
          %add3A_563 = arith.addi %add3A_185, %add3A_562 : i32
          %jit3A = arith.constant 16 : i32
          %div3A = arith.divsi %add3A_563, %jit3A : i32
          %sign3A = arith.constant 0 : i32
          %sign3A_564 = arith.cmpi sgt, %add3A_563, %sign3A : i32
          %sign3A_565 = arith.extui %sign3A_564 : i1 to i32
          %sign3A_566 = arith.constant 0 : i32
          %sign3A_567 = arith.cmpi slt, %add3A_563, %sign3A_566 : i32
          %sign3A_568 = arith.extui %sign3A_567 : i1 to i32
          %sign3A_569 = arith.subi %sign3A_565, %sign3A_568 : i32
          %sign3A_570 = arith.constant 0 : i32
          %sign3A_571 = arith.cmpi sgt, %jit3A, %sign3A_570 : i32
          %sign3A_572 = arith.extui %sign3A_571 : i1 to i32
          %sign3A_573 = arith.constant 0 : i32
          %sign3A_574 = arith.cmpi slt, %jit3A, %sign3A_573 : i32
          %sign3A_575 = arith.extui %sign3A_574 : i1 to i32
          %sign3A_576 = arith.subi %sign3A_572, %sign3A_575 : i32
          %ne3A = arith.cmpi ne, %sign3A_569, %sign3A_576 : i32
          %rem3A_577 = arith.remsi %add3A_563, %jit3A : i32
          %ne3A_578 = arith.constant 0 : i32
          %ne3A_579 = arith.cmpi ne, %rem3A_577, %ne3A_578 : i32
          %and3A = arith.andi %ne3A, %ne3A_579 : i1
          %sub3A = arith.constant 1 : i32
          %sub3A_580 = arith.subi %div3A, %sub3A : i32
          %select_n3A = arith.select %and3A, %sub3A_580, %div3A : i32
          %rem3A_581 = arith.constant 2 : i32
          %rem3A_582 = arith.remsi %select_n3A, %rem3A_581 : i32
          %mul3A_583 = arith.constant 32 : i32
          %mul3A_584 = arith.muli %rem3A_582, %mul3A_583 : i32
          %mul3A_585 = arith.constant 32 : i32
          %mul3A_586 = arith.muli %select_n3A, %mul3A_585 : i32
          %add3A_587 = arith.addi %mul3A_2, %mul3A_586 : i32
          "tpu.region"() ({
            %run_scoped3A = tpu.sem_alloc : memref<!tpu.dma_semaphore, #tpu.memory_space<semaphore_mem>>
            %dma_start3A_588 = arith.constant 0 : i32
            %dma_start3A_589 = tpu.memref_slice %arg5[%mul3A_584, %dma_start3A_588] : memref<64x200xi32, #tpu.memory_space<vmem>> -> memref<32x200xi32, #tpu.memory_space<vmem>>
            %dma_start3A_590 = arith.constant 0 : i32
            %dma_start3A_591 = tpu.memref_slice %arg2[%add3A_587, %dma_start3A_590] : memref<16384x200xi32, #tpu.memory_space<hbm>> -> memref<32x200xi32, #tpu.memory_space<hbm>>
            %dma_start3A_592 = arith.constant 0 : i32
            %dma_start3A_593 = tpu.memref_slice %arg5[%mul3A_584, %dma_start3A_592] : memref<64x200xi32, #tpu.memory_space<vmem>> -> memref<32x200xi32, #tpu.memory_space<vmem>>
            %dma_start3A_594 = arith.constant 0 : i32
            %dma_start3A_595 = tpu.memref_slice %arg2[%add3A_587, %dma_start3A_594] : memref<16384x200xi32, #tpu.memory_space<hbm>> -> memref<32x200xi32, #tpu.memory_space<hbm>>
            tpu.enqueue_dma source(%dma_start3A_595 : memref<32x200xi32, #tpu.memory_space<hbm>>) target(%dma_start3A_593 : memref<32x200xi32, #tpu.memory_space<vmem>>) target_semaphore(%run_scoped3A : memref<!tpu.dma_semaphore, #tpu.memory_space<semaphore_mem>>)
            %dma_wait3A_596 = arith.constant 0 : i32
            %dma_wait3A_597 = tpu.memref_slice %arg5[%mul3A_584, %dma_wait3A_596] : memref<64x200xi32, #tpu.memory_space<vmem>> -> memref<32x200xi32, #tpu.memory_space<vmem>>
            %dma_wait3A_598 = arith.constant 0 : i32
            %dma_wait3A_599 = tpu.memref_slice %arg2[%add3A_587, %dma_wait3A_598] : memref<16384x200xi32, #tpu.memory_space<hbm>> -> memref<32x200xi32, #tpu.memory_space<hbm>>
            %dma_wait3A_600 = arith.constant 0 : i32
            %dma_wait3A_601 = tpu.memref_slice %arg5[%mul3A_584, %dma_wait3A_600] : memref<64x200xi32, #tpu.memory_space<vmem>> -> memref<32x200xi32, #tpu.memory_space<vmem>>
            %dma_wait3A_602 = arith.constant 0 : i32
            %dma_wait3A_603 = tpu.memref_slice %arg2[%add3A_587, %dma_wait3A_602] : memref<16384x200xi32, #tpu.memory_space<hbm>> -> memref<32x200xi32, #tpu.memory_space<hbm>>
            tpu.wait_dma2 semaphore(%run_scoped3A : memref<!tpu.dma_semaphore, #tpu.memory_space<semaphore_mem>>) src(%dma_wait3A_603 : memref<32x200xi32, #tpu.memory_space<hbm>>) dst(%dma_wait3A_601 : memref<32x200xi32, #tpu.memory_space<vmem>>)
            tpu.yield
          }) : () -> ()
        } else {
        }
        %add3A_512 = arith.constant 4 : i32
        %add3A_513 = arith.addi %add3A_185, %add3A_512 : i32
        %mul3A_514 = arith.constant 2 : i32
        %mul3A_515 = arith.muli %mul3A_514, %add3A_513 : i32
        %add3A_516 = arith.constant 0 : i32
        %add3A_517 = arith.addi %mul3A_515, %add3A_516 : i32
        %rem3A_518 = arith.constant 64 : i32
        %rem3A_519 = arith.remsi %add3A_517, %rem3A_518 : i32
        %dma_start3A_520 = arith.constant 0 : i32
        %dma_start3A_521 = arith.constant 0 : i32
        %dma_start3A_522 = tpu.memref_slice %arg6[%dma_start3A_520, %dma_start3A_521] : memref<400x64xbf16, #tpu.memory_space<vmem>> -> memref<128x64xbf16, #tpu.memory_space<vmem>>
        %dma_start3A_523 = arith.constant 0 : i32
        %dma_start3A_524 = tpu.memref_slice %arg5[%rem3A_519, %dma_start3A_523] : memref<64x200xi32, #tpu.memory_space<vmem>> -> memref<1x128xi32, #tpu.memory_space<vmem>>
        %dma_start3A_525 = tpu.memref_squeeze %dma_start3A_524 : memref<1x128xi32, #tpu.memory_space<vmem>> -> memref<128xi32, #tpu.memory_space<vmem>>
        %dma_start3A_526 = arith.constant 0 : i32
        %dma_start3A_527 = arith.constant 0 : i32
        %dma_start3A_528 = tpu.memref_slice %arg3[%dma_start3A_526, %dma_start3A_527] : memref<100000x64xbf16, #tpu.memory_space<hbm>> -> memref<100000x64xbf16, #tpu.memory_space<hbm>>
        tpu.enqueue_indirect_dma source(%dma_start3A_528 : memref<100000x64xbf16, #tpu.memory_space<hbm>>) target(%dma_start3A_522 : memref<128x64xbf16, #tpu.memory_space<vmem>>) offsets(%dma_start3A_525 : memref<128xi32, #tpu.memory_space<vmem>>) semaphore(%arg11 : memref<!tpu.dma_semaphore, #tpu.memory_space<semaphore_mem>>)
        %dma_start3A_529 = arith.constant 128 : i32
        %dma_start3A_530 = arith.constant 0 : i32
        %dma_start3A_531 = tpu.memref_slice %arg6[%dma_start3A_529, %dma_start3A_530] : memref<400x64xbf16, #tpu.memory_space<vmem>> -> memref<72x64xbf16, #tpu.memory_space<vmem>>
        %dma_start3A_532 = arith.constant 128 : i32
        %dma_start3A_533 = tpu.memref_slice %arg5[%rem3A_519, %dma_start3A_532] : memref<64x200xi32, #tpu.memory_space<vmem>> -> memref<1x72xi32, #tpu.memory_space<vmem>>
        %dma_start3A_534 = tpu.memref_squeeze %dma_start3A_533 : memref<1x72xi32, #tpu.memory_space<vmem>> -> memref<72xi32, #tpu.memory_space<vmem>>
        %dma_start3A_535 = arith.constant 0 : i32
        %dma_start3A_536 = arith.constant 0 : i32
        %dma_start3A_537 = tpu.memref_slice %arg3[%dma_start3A_535, %dma_start3A_536] : memref<100000x64xbf16, #tpu.memory_space<hbm>> -> memref<100000x64xbf16, #tpu.memory_space<hbm>>
        tpu.enqueue_indirect_dma source(%dma_start3A_537 : memref<100000x64xbf16, #tpu.memory_space<hbm>>) target(%dma_start3A_531 : memref<72x64xbf16, #tpu.memory_space<vmem>>) offsets(%dma_start3A_534 : memref<72xi32, #tpu.memory_space<vmem>>) semaphore(%arg11 : memref<!tpu.dma_semaphore, #tpu.memory_space<semaphore_mem>>)
        %mul3A_538 = arith.constant 2 : i32
        %mul3A_539 = arith.muli %mul3A_538, %add3A_513 : i32
        %add3A_540 = arith.constant 1 : i32
        %add3A_541 = arith.addi %mul3A_539, %add3A_540 : i32
        %rem3A_542 = arith.constant 64 : i32
        %rem3A_543 = arith.remsi %add3A_541, %rem3A_542 : i32
        %dma_start3A_544 = arith.constant 200 : i32
        %dma_start3A_545 = arith.constant 0 : i32
        %dma_start3A_546 = tpu.memref_slice %arg6[%dma_start3A_544, %dma_start3A_545] : memref<400x64xbf16, #tpu.memory_space<vmem>> -> memref<128x64xbf16, #tpu.memory_space<vmem>>
        %dma_start3A_547 = arith.constant 0 : i32
        %dma_start3A_548 = tpu.memref_slice %arg5[%rem3A_543, %dma_start3A_547] : memref<64x200xi32, #tpu.memory_space<vmem>> -> memref<1x128xi32, #tpu.memory_space<vmem>>
        %dma_start3A_549 = tpu.memref_squeeze %dma_start3A_548 : memref<1x128xi32, #tpu.memory_space<vmem>> -> memref<128xi32, #tpu.memory_space<vmem>>
        %dma_start3A_550 = arith.constant 0 : i32
        %dma_start3A_551 = arith.constant 0 : i32
        %dma_start3A_552 = tpu.memref_slice %arg3[%dma_start3A_550, %dma_start3A_551] : memref<100000x64xbf16, #tpu.memory_space<hbm>> -> memref<100000x64xbf16, #tpu.memory_space<hbm>>
        tpu.enqueue_indirect_dma source(%dma_start3A_552 : memref<100000x64xbf16, #tpu.memory_space<hbm>>) target(%dma_start3A_546 : memref<128x64xbf16, #tpu.memory_space<vmem>>) offsets(%dma_start3A_549 : memref<128xi32, #tpu.memory_space<vmem>>) semaphore(%arg11 : memref<!tpu.dma_semaphore, #tpu.memory_space<semaphore_mem>>)
        %dma_start3A_553 = arith.constant 328 : i32
        %dma_start3A_554 = arith.constant 0 : i32
        %dma_start3A_555 = tpu.memref_slice %arg6[%dma_start3A_553, %dma_start3A_554] : memref<400x64xbf16, #tpu.memory_space<vmem>> -> memref<72x64xbf16, #tpu.memory_space<vmem>>
        %dma_start3A_556 = arith.constant 128 : i32
        %dma_start3A_557 = tpu.memref_slice %arg5[%rem3A_543, %dma_start3A_556] : memref<64x200xi32, #tpu.memory_space<vmem>> -> memref<1x72xi32, #tpu.memory_space<vmem>>
        %dma_start3A_558 = tpu.memref_squeeze %dma_start3A_557 : memref<1x72xi32, #tpu.memory_space<vmem>> -> memref<72xi32, #tpu.memory_space<vmem>>
        %dma_start3A_559 = arith.constant 0 : i32
        %dma_start3A_560 = arith.constant 0 : i32
        %dma_start3A_561 = tpu.memref_slice %arg3[%dma_start3A_559, %dma_start3A_560] : memref<100000x64xbf16, #tpu.memory_space<hbm>> -> memref<100000x64xbf16, #tpu.memory_space<hbm>>
        tpu.enqueue_indirect_dma source(%dma_start3A_561 : memref<100000x64xbf16, #tpu.memory_space<hbm>>) target(%dma_start3A_555 : memref<72x64xbf16, #tpu.memory_space<vmem>>) offsets(%dma_start3A_558 : memref<72xi32, #tpu.memory_space<vmem>>) semaphore(%arg11 : memref<!tpu.dma_semaphore, #tpu.memory_space<semaphore_mem>>)
      } else {
      }
      %rem3A_251 = arith.constant 16 : i32
      %rem3A_252 = arith.remsi %add3A_185, %rem3A_251 : i32
      %eq3A = arith.constant 15 : i32
      %eq3A_253 = arith.cmpi eq, %rem3A_252, %eq3A : i32
      %convert_element_type3A_254 = arith.extui %eq3A_253 : i1 to i32
      %cond3A_255 = arith.constant 0 : i32
      %cond3A_256 = arith.cmpi ne, %convert_element_type3A_254, %cond3A_255 : i32
      scf.if %cond3A_256 {
        %mul3A_503 = arith.constant 2 : i32
        %mul3A_504 = arith.muli %mul3A_503, %add3A_185 : i32
        %add3A_505 = arith.constant 1 : i32
        %add3A_506 = arith.addi %mul3A_504, %add3A_505 : i32
        %sub3A = arith.constant 31 : i32
        %sub3A_507 = arith.subi %add3A_506, %sub3A : i32
        %add3A_508 = arith.addi %mul3A_2, %sub3A_507 : i32
        "tpu.region"() ({
          %run_scoped3A = tpu.sem_alloc : memref<!tpu.dma_semaphore, #tpu.memory_space<semaphore_mem>>
          %dma_start3A_509 = arith.constant 0 : i32
          %dma_start3A_510 = tpu.memref_slice %arg4[%add3A_508, %dma_start3A_509] : memref<16384x64xf32, #tpu.memory_space<hbm>> -> memref<32x64xf32, #tpu.memory_space<hbm>>
          %dma_start3A_511 = arith.constant 0 : i32
          %dma_start3A_512 = tpu.memref_slice %arg4[%add3A_508, %dma_start3A_511] : memref<16384x64xf32, #tpu.memory_space<hbm>> -> memref<32x64xf32, #tpu.memory_space<hbm>>
          tpu.enqueue_dma source(%arg10 : memref<32x64xf32, #tpu.memory_space<vmem>>) target(%dma_start3A_512 : memref<32x64xf32, #tpu.memory_space<hbm>>) target_semaphore(%run_scoped3A : memref<!tpu.dma_semaphore, #tpu.memory_space<semaphore_mem>>)
          %dma_wait3A_513 = arith.constant 0 : i32
          %dma_wait3A_514 = tpu.memref_slice %arg4[%add3A_508, %dma_wait3A_513] : memref<16384x64xf32, #tpu.memory_space<hbm>> -> memref<32x64xf32, #tpu.memory_space<hbm>>
          %dma_wait3A_515 = arith.constant 0 : i32
          %dma_wait3A_516 = tpu.memref_slice %arg4[%add3A_508, %dma_wait3A_515] : memref<16384x64xf32, #tpu.memory_space<hbm>> -> memref<32x64xf32, #tpu.memory_space<hbm>>
          tpu.wait_dma2 semaphore(%run_scoped3A : memref<!tpu.dma_semaphore, #tpu.memory_space<semaphore_mem>>) src(%arg10 : memref<32x64xf32, #tpu.memory_space<vmem>>) dst(%dma_wait3A_516 : memref<32x64xf32, #tpu.memory_space<hbm>>)
          tpu.yield
        }) : () -> ()
      } else {
      }
      %mul3A_257 = arith.constant 4 : i32
      %mul3A_258 = arith.muli %scan3A_181, %mul3A_257 : i32
      %add3A_259 = arith.constant 1 : i32
      %add3A_260 = arith.addi %mul3A_258, %add3A_259 : i32
      %dma_wait3A_261 = arith.constant 0 : i32
      %dma_wait3A_262 = arith.constant 0 : i32
      %dma_wait3A_263 = tpu.memref_slice %arg3[%dma_wait3A_261, %dma_wait3A_262] : memref<100000x64xbf16, #tpu.memory_space<hbm>> -> memref<400x64xbf16, #tpu.memory_space<hbm>>
      %dma_wait3A_264 = arith.constant 0 : i32
      %dma_wait3A_265 = arith.constant 0 : i32
      %dma_wait3A_266 = tpu.memref_slice %arg3[%dma_wait3A_264, %dma_wait3A_265] : memref<100000x64xbf16, #tpu.memory_space<hbm>> -> memref<400x64xbf16, #tpu.memory_space<hbm>>
      tpu.wait_dma2 semaphore(%arg12 : memref<!tpu.dma_semaphore, #tpu.memory_space<semaphore_mem>>) src(%dma_wait3A_266 : memref<400x64xbf16, #tpu.memory_space<hbm>>) dst(%arg7 : memref<400x64xbf16, #tpu.memory_space<vmem>>)
      %mul3A_267 = arith.constant 2 : i32
      %mul3A_268 = arith.muli %mul3A_267, %add3A_260 : i32
      %broadcast_in_dim3A_269 = arith.constant 0.000000e+00 : f32
      %broadcast_in_dim3A_270 = vector.broadcast %broadcast_in_dim3A_269 : f32 to vector<16xf32>
      %scan3A_271 = arith.constant 0 : i32
      %scan3A_272 = arith.constant 50 : i32
      %scan3A_273 = arith.addi %scan3A_271, %scan3A_272 : i32
      %scan3A_274 = arith.constant 1 : i32
      %scan3A_275:8 = scf.for %scan3A_503 = %scan3A_271 to %scan3A_273 step %scan3A_274 iter_args(%scan3A_504 = %broadcast_in_dim3A_270, %scan3A_505 = %broadcast_in_dim3A_270, %scan3A_506 = %broadcast_in_dim3A_270, %scan3A_507 = %broadcast_in_dim3A_270, %scan3A_508 = %broadcast_in_dim3A_270, %scan3A_509 = %broadcast_in_dim3A_270, %scan3A_510 = %broadcast_in_dim3A_270, %scan3A_511 = %broadcast_in_dim3A_270) -> (vector<16xf32>, vector<16xf32>, vector<16xf32>, vector<16xf32>, vector<16xf32>, vector<16xf32>, vector<16xf32>, vector<16xf32>)  : i32 {
        %mul3A_512 = arith.constant 4 : i32
        %mul3A_513 = arith.muli %scan3A_503, %mul3A_512 : i32
        %add3A_514 = arith.constant 0 : i32
        %add3A_515 = arith.addi %add3A_514, %mul3A_513 : i32
        %add3A_516 = arith.constant 0 : i32
        %add3A_517 = arith.addi %add3A_515, %add3A_516 : i32
        %get3A = arith.index_cast %add3A_517 : i32 to index
        %get3A_518 = arith.constant 0 : index
        %get3A_519 = tpu.vector_load %arg7[%get3A, %get3A_518] {strides = array<i32>} : memref<400x64xbf16, #tpu.memory_space<vmem>>, vector<32xbf16>,
        %bitcast3A = vector.bitcast %get3A_519 : vector<32xbf16> to vector<16xi32>
        %shift_left3A = arith.constant 16 : i32
        %shift_left3A_520 = vector.broadcast %shift_left3A : i32 to vector<16xi32>
        %shift_left3A_521 = arith.shli %bitcast3A, %shift_left3A_520 : vector<16xi32>
        %bitcast3A_522 = vector.bitcast %shift_left3A_521 : vector<16xi32> to vector<16xf32>
        %bitcast3A_523 = vector.bitcast %bitcast3A : vector<16xi32> to vector<16xf32>
        %add3A_524 = arith.addf %scan3A_504, %bitcast3A_522 : vector<16xf32>
        %add3A_525 = arith.addf %scan3A_505, %bitcast3A_523 : vector<16xf32>
        %add3A_526 = arith.constant 0 : i32
        %add3A_527 = arith.addi %add3A_515, %add3A_526 : i32
        %get3A_528 = arith.index_cast %add3A_527 : i32 to index
        %get3A_529 = arith.constant 32 : index
        %get3A_530 = tpu.vector_load %arg7[%get3A_528, %get3A_529] {strides = array<i32>} : memref<400x64xbf16, #tpu.memory_space<vmem>>, vector<32xbf16>,
        %bitcast3A_531 = vector.bitcast %get3A_530 : vector<32xbf16> to vector<16xi32>
        %shift_left3A_532 = arith.constant 16 : i32
        %shift_left3A_533 = vector.broadcast %shift_left3A_532 : i32 to vector<16xi32>
        %shift_left3A_534 = arith.shli %bitcast3A_531, %shift_left3A_533 : vector<16xi32>
        %bitcast3A_535 = vector.bitcast %shift_left3A_534 : vector<16xi32> to vector<16xf32>
        %bitcast3A_536 = vector.bitcast %bitcast3A_531 : vector<16xi32> to vector<16xf32>
        %add3A_537 = arith.addf %scan3A_506, %bitcast3A_535 : vector<16xf32>
        %add3A_538 = arith.addf %scan3A_507, %bitcast3A_536 : vector<16xf32>
        %add3A_539 = arith.constant 1 : i32
        %add3A_540 = arith.addi %add3A_515, %add3A_539 : i32
        %get3A_541 = arith.index_cast %add3A_540 : i32 to index
        %get3A_542 = arith.constant 0 : index
        %get3A_543 = tpu.vector_load %arg7[%get3A_541, %get3A_542] {strides = array<i32>} : memref<400x64xbf16, #tpu.memory_space<vmem>>, vector<32xbf16>,
        %bitcast3A_544 = vector.bitcast %get3A_543 : vector<32xbf16> to vector<16xi32>
        %shift_left3A_545 = arith.constant 16 : i32
        %shift_left3A_546 = vector.broadcast %shift_left3A_545 : i32 to vector<16xi32>
        %shift_left3A_547 = arith.shli %bitcast3A_544, %shift_left3A_546 : vector<16xi32>
        %bitcast3A_548 = vector.bitcast %shift_left3A_547 : vector<16xi32> to vector<16xf32>
        %bitcast3A_549 = vector.bitcast %bitcast3A_544 : vector<16xi32> to vector<16xf32>
        %add3A_550 = arith.addf %scan3A_508, %bitcast3A_548 : vector<16xf32>
        %add3A_551 = arith.addf %scan3A_509, %bitcast3A_549 : vector<16xf32>
        %add3A_552 = arith.constant 1 : i32
        %add3A_553 = arith.addi %add3A_515, %add3A_552 : i32
        %get3A_554 = arith.index_cast %add3A_553 : i32 to index
        %get3A_555 = arith.constant 32 : index
        %get3A_556 = tpu.vector_load %arg7[%get3A_554, %get3A_555] {strides = array<i32>} : memref<400x64xbf16, #tpu.memory_space<vmem>>, vector<32xbf16>,
        %bitcast3A_557 = vector.bitcast %get3A_556 : vector<32xbf16> to vector<16xi32>
        %shift_left3A_558 = arith.constant 16 : i32
        %shift_left3A_559 = vector.broadcast %shift_left3A_558 : i32 to vector<16xi32>
        %shift_left3A_560 = arith.shli %bitcast3A_557, %shift_left3A_559 : vector<16xi32>
        %bitcast3A_561 = vector.bitcast %shift_left3A_560 : vector<16xi32> to vector<16xf32>
        %bitcast3A_562 = vector.bitcast %bitcast3A_557 : vector<16xi32> to vector<16xf32>
        %add3A_563 = arith.addf %scan3A_510, %bitcast3A_561 : vector<16xf32>
        %add3A_564 = arith.addf %scan3A_511, %bitcast3A_562 : vector<16xf32>
        %add3A_565 = arith.constant 2 : i32
        %add3A_566 = arith.addi %add3A_515, %add3A_565 : i32
        %get3A_567 = arith.index_cast %add3A_566 : i32 to index
        %get3A_568 = arith.constant 0 : index
        %get3A_569 = tpu.vector_load %arg7[%get3A_567, %get3A_568] {strides = array<i32>} : memref<400x64xbf16, #tpu.memory_space<vmem>>, vector<32xbf16>,
        %bitcast3A_570 = vector.bitcast %get3A_569 : vector<32xbf16> to vector<16xi32>
        %shift_left3A_571 = arith.constant 16 : i32
        %shift_left3A_572 = vector.broadcast %shift_left3A_571 : i32 to vector<16xi32>
        %shift_left3A_573 = arith.shli %bitcast3A_570, %shift_left3A_572 : vector<16xi32>
        %bitcast3A_574 = vector.bitcast %shift_left3A_573 : vector<16xi32> to vector<16xf32>
        %bitcast3A_575 = vector.bitcast %bitcast3A_570 : vector<16xi32> to vector<16xf32>
        %add3A_576 = arith.addf %add3A_524, %bitcast3A_574 : vector<16xf32>
        %add3A_577 = arith.addf %add3A_525, %bitcast3A_575 : vector<16xf32>
        %add3A_578 = arith.constant 2 : i32
        %add3A_579 = arith.addi %add3A_515, %add3A_578 : i32
        %get3A_580 = arith.index_cast %add3A_579 : i32 to index
        %get3A_581 = arith.constant 32 : index
        %get3A_582 = tpu.vector_load %arg7[%get3A_580, %get3A_581] {strides = array<i32>} : memref<400x64xbf16, #tpu.memory_space<vmem>>, vector<32xbf16>,
        %bitcast3A_583 = vector.bitcast %get3A_582 : vector<32xbf16> to vector<16xi32>
        %shift_left3A_584 = arith.constant 16 : i32
        %shift_left3A_585 = vector.broadcast %shift_left3A_584 : i32 to vector<16xi32>
        %shift_left3A_586 = arith.shli %bitcast3A_583, %shift_left3A_585 : vector<16xi32>
        %bitcast3A_587 = vector.bitcast %shift_left3A_586 : vector<16xi32> to vector<16xf32>
        %bitcast3A_588 = vector.bitcast %bitcast3A_583 : vector<16xi32> to vector<16xf32>
        %add3A_589 = arith.addf %add3A_537, %bitcast3A_587 : vector<16xf32>
        %add3A_590 = arith.addf %add3A_538, %bitcast3A_588 : vector<16xf32>
        %add3A_591 = arith.constant 3 : i32
        %add3A_592 = arith.addi %add3A_515, %add3A_591 : i32
        %get3A_593 = arith.index_cast %add3A_592 : i32 to index
        %get3A_594 = arith.constant 0 : index
        %get3A_595 = tpu.vector_load %arg7[%get3A_593, %get3A_594] {strides = array<i32>} : memref<400x64xbf16, #tpu.memory_space<vmem>>, vector<32xbf16>,
        %bitcast3A_596 = vector.bitcast %get3A_595 : vector<32xbf16> to vector<16xi32>
        %shift_left3A_597 = arith.constant 16 : i32
        %shift_left3A_598 = vector.broadcast %shift_left3A_597 : i32 to vector<16xi32>
        %shift_left3A_599 = arith.shli %bitcast3A_596, %shift_left3A_598 : vector<16xi32>
        %bitcast3A_600 = vector.bitcast %shift_left3A_599 : vector<16xi32> to vector<16xf32>
        %bitcast3A_601 = vector.bitcast %bitcast3A_596 : vector<16xi32> to vector<16xf32>
        %add3A_602 = arith.addf %add3A_550, %bitcast3A_600 : vector<16xf32>
        %add3A_603 = arith.addf %add3A_551, %bitcast3A_601 : vector<16xf32>
        %add3A_604 = arith.constant 3 : i32
        %add3A_605 = arith.addi %add3A_515, %add3A_604 : i32
        %get3A_606 = arith.index_cast %add3A_605 : i32 to index
        %get3A_607 = arith.constant 32 : index
        %get3A_608 = tpu.vector_load %arg7[%get3A_606, %get3A_607] {strides = array<i32>} : memref<400x64xbf16, #tpu.memory_space<vmem>>, vector<32xbf16>,
        %bitcast3A_609 = vector.bitcast %get3A_608 : vector<32xbf16> to vector<16xi32>
        %shift_left3A_610 = arith.constant 16 : i32
        %shift_left3A_611 = vector.broadcast %shift_left3A_610 : i32 to vector<16xi32>
        %shift_left3A_612 = arith.shli %bitcast3A_609, %shift_left3A_611 : vector<16xi32>
        %bitcast3A_613 = vector.bitcast %shift_left3A_612 : vector<16xi32> to vector<16xf32>
        %bitcast3A_614 = vector.bitcast %bitcast3A_609 : vector<16xi32> to vector<16xf32>
        %add3A_615 = arith.addf %add3A_563, %bitcast3A_613 : vector<16xf32>
        %add3A_616 = arith.addf %add3A_564, %bitcast3A_614 : vector<16xf32>
        scf.yield %add3A_576, %add3A_577, %add3A_589, %add3A_590, %add3A_602, %add3A_603, %add3A_615, %add3A_616 : vector<16xf32>, vector<16xf32>, vector<16xf32>, vector<16xf32>, vector<16xf32>, vector<16xf32>, vector<16xf32>, vector<16xf32>
      }
      %scan3A_276 = arith.constant 50 : i32
      %rem3A_277 = arith.constant 32 : i32
      %rem3A_278 = arith.remsi %mul3A_268, %rem3A_277 : i32
      %add3A_279 = arith.addf %scan3A_275#0, %scan3A_275#4 : vector<16xf32>
      %swap3A_280 = arith.index_cast %rem3A_278 : i32 to index
      %swap3A_281 = arith.constant 0 : index
      %swap3A_282 = tpu.vector_load %arg10[%swap3A_280, %swap3A_281] {strides = array<i32>} : memref<32x64xf32, #tpu.memory_space<vmem>>, vector<16xf32>,
      tpu.vector_store %arg10[%swap3A_280, %swap3A_281], %add3A_279 {strides = array<i32>} : memref<32x64xf32, #tpu.memory_space<vmem>>, vector<16xf32>,
      %add3A_283 = arith.addf %scan3A_275#1, %scan3A_275#5 : vector<16xf32>
      %swap3A_284 = arith.index_cast %rem3A_278 : i32 to index
      %swap3A_285 = arith.constant 16 : index
      %swap3A_286 = tpu.vector_load %arg10[%swap3A_284, %swap3A_285] {strides = array<i32>} : memref<32x64xf32, #tpu.memory_space<vmem>>, vector<16xf32>,
      tpu.vector_store %arg10[%swap3A_284, %swap3A_285], %add3A_283 {strides = array<i32>} : memref<32x64xf32, #tpu.memory_space<vmem>>, vector<16xf32>,
      %add3A_287 = arith.addf %scan3A_275#2, %scan3A_275#6 : vector<16xf32>
      %swap3A_288 = arith.index_cast %rem3A_278 : i32 to index
      %swap3A_289 = arith.constant 32 : index
      %swap3A_290 = tpu.vector_load %arg10[%swap3A_288, %swap3A_289] {strides = array<i32>} : memref<32x64xf32, #tpu.memory_space<vmem>>, vector<16xf32>,
      tpu.vector_store %arg10[%swap3A_288, %swap3A_289], %add3A_287 {strides = array<i32>} : memref<32x64xf32, #tpu.memory_space<vmem>>, vector<16xf32>,
      %add3A_291 = arith.addf %scan3A_275#3, %scan3A_275#7 : vector<16xf32>
      %swap3A_292 = arith.index_cast %rem3A_278 : i32 to index
      %swap3A_293 = arith.constant 48 : index
      %swap3A_294 = tpu.vector_load %arg10[%swap3A_292, %swap3A_293] {strides = array<i32>} : memref<32x64xf32, #tpu.memory_space<vmem>>, vector<16xf32>,
      tpu.vector_store %arg10[%swap3A_292, %swap3A_293], %add3A_291 {strides = array<i32>} : memref<32x64xf32, #tpu.memory_space<vmem>>, vector<16xf32>,
      %mul3A_295 = arith.constant 2 : i32
      %mul3A_296 = arith.muli %mul3A_295, %add3A_260 : i32
      %add3A_297 = arith.constant 1 : i32
      %add3A_298 = arith.addi %mul3A_296, %add3A_297 : i32
      %broadcast_in_dim3A_299 = arith.constant 0.000000e+00 : f32
      %broadcast_in_dim3A_300 = vector.broadcast %broadcast_in_dim3A_299 : f32 to vector<16xf32>
      %scan3A_301 = arith.constant 0 : i32
      %scan3A_302 = arith.constant 50 : i32
      %scan3A_303 = arith.addi %scan3A_301, %scan3A_302 : i32
      %scan3A_304 = arith.constant 1 : i32
      %scan3A_305:8 = scf.for %scan3A_503 = %scan3A_301 to %scan3A_303 step %scan3A_304 iter_args(%scan3A_504 = %broadcast_in_dim3A_300, %scan3A_505 = %broadcast_in_dim3A_300, %scan3A_506 = %broadcast_in_dim3A_300, %scan3A_507 = %broadcast_in_dim3A_300, %scan3A_508 = %broadcast_in_dim3A_300, %scan3A_509 = %broadcast_in_dim3A_300, %scan3A_510 = %broadcast_in_dim3A_300, %scan3A_511 = %broadcast_in_dim3A_300) -> (vector<16xf32>, vector<16xf32>, vector<16xf32>, vector<16xf32>, vector<16xf32>, vector<16xf32>, vector<16xf32>, vector<16xf32>)  : i32 {
        %mul3A_512 = arith.constant 4 : i32
        %mul3A_513 = arith.muli %scan3A_503, %mul3A_512 : i32
        %add3A_514 = arith.constant 200 : i32
        %add3A_515 = arith.addi %add3A_514, %mul3A_513 : i32
        %add3A_516 = arith.constant 0 : i32
        %add3A_517 = arith.addi %add3A_515, %add3A_516 : i32
        %get3A = arith.index_cast %add3A_517 : i32 to index
        %get3A_518 = arith.constant 0 : index
        %get3A_519 = tpu.vector_load %arg7[%get3A, %get3A_518] {strides = array<i32>} : memref<400x64xbf16, #tpu.memory_space<vmem>>, vector<32xbf16>,
        %bitcast3A = vector.bitcast %get3A_519 : vector<32xbf16> to vector<16xi32>
        %shift_left3A = arith.constant 16 : i32
        %shift_left3A_520 = vector.broadcast %shift_left3A : i32 to vector<16xi32>
        %shift_left3A_521 = arith.shli %bitcast3A, %shift_left3A_520 : vector<16xi32>
        %bitcast3A_522 = vector.bitcast %shift_left3A_521 : vector<16xi32> to vector<16xf32>
        %bitcast3A_523 = vector.bitcast %bitcast3A : vector<16xi32> to vector<16xf32>
        %add3A_524 = arith.addf %scan3A_504, %bitcast3A_522 : vector<16xf32>
        %add3A_525 = arith.addf %scan3A_505, %bitcast3A_523 : vector<16xf32>
        %add3A_526 = arith.constant 0 : i32
        %add3A_527 = arith.addi %add3A_515, %add3A_526 : i32
        %get3A_528 = arith.index_cast %add3A_527 : i32 to index
        %get3A_529 = arith.constant 32 : index
        %get3A_530 = tpu.vector_load %arg7[%get3A_528, %get3A_529] {strides = array<i32>} : memref<400x64xbf16, #tpu.memory_space<vmem>>, vector<32xbf16>,
        %bitcast3A_531 = vector.bitcast %get3A_530 : vector<32xbf16> to vector<16xi32>
        %shift_left3A_532 = arith.constant 16 : i32
        %shift_left3A_533 = vector.broadcast %shift_left3A_532 : i32 to vector<16xi32>
        %shift_left3A_534 = arith.shli %bitcast3A_531, %shift_left3A_533 : vector<16xi32>
        %bitcast3A_535 = vector.bitcast %shift_left3A_534 : vector<16xi32> to vector<16xf32>
        %bitcast3A_536 = vector.bitcast %bitcast3A_531 : vector<16xi32> to vector<16xf32>
        %add3A_537 = arith.addf %scan3A_506, %bitcast3A_535 : vector<16xf32>
        %add3A_538 = arith.addf %scan3A_507, %bitcast3A_536 : vector<16xf32>
        %add3A_539 = arith.constant 1 : i32
        %add3A_540 = arith.addi %add3A_515, %add3A_539 : i32
        %get3A_541 = arith.index_cast %add3A_540 : i32 to index
        %get3A_542 = arith.constant 0 : index
        %get3A_543 = tpu.vector_load %arg7[%get3A_541, %get3A_542] {strides = array<i32>} : memref<400x64xbf16, #tpu.memory_space<vmem>>, vector<32xbf16>,
        %bitcast3A_544 = vector.bitcast %get3A_543 : vector<32xbf16> to vector<16xi32>
        %shift_left3A_545 = arith.constant 16 : i32
        %shift_left3A_546 = vector.broadcast %shift_left3A_545 : i32 to vector<16xi32>
        %shift_left3A_547 = arith.shli %bitcast3A_544, %shift_left3A_546 : vector<16xi32>
        %bitcast3A_548 = vector.bitcast %shift_left3A_547 : vector<16xi32> to vector<16xf32>
        %bitcast3A_549 = vector.bitcast %bitcast3A_544 : vector<16xi32> to vector<16xf32>
        %add3A_550 = arith.addf %scan3A_508, %bitcast3A_548 : vector<16xf32>
        %add3A_551 = arith.addf %scan3A_509, %bitcast3A_549 : vector<16xf32>
        %add3A_552 = arith.constant 1 : i32
        %add3A_553 = arith.addi %add3A_515, %add3A_552 : i32
        %get3A_554 = arith.index_cast %add3A_553 : i32 to index
        %get3A_555 = arith.constant 32 : index
        %get3A_556 = tpu.vector_load %arg7[%get3A_554, %get3A_555] {strides = array<i32>} : memref<400x64xbf16, #tpu.memory_space<vmem>>, vector<32xbf16>,
        %bitcast3A_557 = vector.bitcast %get3A_556 : vector<32xbf16> to vector<16xi32>
        %shift_left3A_558 = arith.constant 16 : i32
        %shift_left3A_559 = vector.broadcast %shift_left3A_558 : i32 to vector<16xi32>
        %shift_left3A_560 = arith.shli %bitcast3A_557, %shift_left3A_559 : vector<16xi32>
        %bitcast3A_561 = vector.bitcast %shift_left3A_560 : vector<16xi32> to vector<16xf32>
        %bitcast3A_562 = vector.bitcast %bitcast3A_557 : vector<16xi32> to vector<16xf32>
        %add3A_563 = arith.addf %scan3A_510, %bitcast3A_561 : vector<16xf32>
        %add3A_564 = arith.addf %scan3A_511, %bitcast3A_562 : vector<16xf32>
        %add3A_565 = arith.constant 2 : i32
        %add3A_566 = arith.addi %add3A_515, %add3A_565 : i32
        %get3A_567 = arith.index_cast %add3A_566 : i32 to index
        %get3A_568 = arith.constant 0 : index
        %get3A_569 = tpu.vector_load %arg7[%get3A_567, %get3A_568] {strides = array<i32>} : memref<400x64xbf16, #tpu.memory_space<vmem>>, vector<32xbf16>,
        %bitcast3A_570 = vector.bitcast %get3A_569 : vector<32xbf16> to vector<16xi32>
        %shift_left3A_571 = arith.constant 16 : i32
        %shift_left3A_572 = vector.broadcast %shift_left3A_571 : i32 to vector<16xi32>
        %shift_left3A_573 = arith.shli %bitcast3A_570, %shift_left3A_572 : vector<16xi32>
        %bitcast3A_574 = vector.bitcast %shift_left3A_573 : vector<16xi32> to vector<16xf32>
        %bitcast3A_575 = vector.bitcast %bitcast3A_570 : vector<16xi32> to vector<16xf32>
        %add3A_576 = arith.addf %add3A_524, %bitcast3A_574 : vector<16xf32>
        %add3A_577 = arith.addf %add3A_525, %bitcast3A_575 : vector<16xf32>
        %add3A_578 = arith.constant 2 : i32
        %add3A_579 = arith.addi %add3A_515, %add3A_578 : i32
        %get3A_580 = arith.index_cast %add3A_579 : i32 to index
        %get3A_581 = arith.constant 32 : index
        %get3A_582 = tpu.vector_load %arg7[%get3A_580, %get3A_581] {strides = array<i32>} : memref<400x64xbf16, #tpu.memory_space<vmem>>, vector<32xbf16>,
        %bitcast3A_583 = vector.bitcast %get3A_582 : vector<32xbf16> to vector<16xi32>
        %shift_left3A_584 = arith.constant 16 : i32
        %shift_left3A_585 = vector.broadcast %shift_left3A_584 : i32 to vector<16xi32>
        %shift_left3A_586 = arith.shli %bitcast3A_583, %shift_left3A_585 : vector<16xi32>
        %bitcast3A_587 = vector.bitcast %shift_left3A_586 : vector<16xi32> to vector<16xf32>
        %bitcast3A_588 = vector.bitcast %bitcast3A_583 : vector<16xi32> to vector<16xf32>
        %add3A_589 = arith.addf %add3A_537, %bitcast3A_587 : vector<16xf32>
        %add3A_590 = arith.addf %add3A_538, %bitcast3A_588 : vector<16xf32>
        %add3A_591 = arith.constant 3 : i32
        %add3A_592 = arith.addi %add3A_515, %add3A_591 : i32
        %get3A_593 = arith.index_cast %add3A_592 : i32 to index
        %get3A_594 = arith.constant 0 : index
        %get3A_595 = tpu.vector_load %arg7[%get3A_593, %get3A_594] {strides = array<i32>} : memref<400x64xbf16, #tpu.memory_space<vmem>>, vector<32xbf16>,
        %bitcast3A_596 = vector.bitcast %get3A_595 : vector<32xbf16> to vector<16xi32>
        %shift_left3A_597 = arith.constant 16 : i32
        %shift_left3A_598 = vector.broadcast %shift_left3A_597 : i32 to vector<16xi32>
        %shift_left3A_599 = arith.shli %bitcast3A_596, %shift_left3A_598 : vector<16xi32>
        %bitcast3A_600 = vector.bitcast %shift_left3A_599 : vector<16xi32> to vector<16xf32>
        %bitcast3A_601 = vector.bitcast %bitcast3A_596 : vector<16xi32> to vector<16xf32>
        %add3A_602 = arith.addf %add3A_550, %bitcast3A_600 : vector<16xf32>
        %add3A_603 = arith.addf %add3A_551, %bitcast3A_601 : vector<16xf32>
        %add3A_604 = arith.constant 3 : i32
        %add3A_605 = arith.addi %add3A_515, %add3A_604 : i32
        %get3A_606 = arith.index_cast %add3A_605 : i32 to index
        %get3A_607 = arith.constant 32 : index
        %get3A_608 = tpu.vector_load %arg7[%get3A_606, %get3A_607] {strides = array<i32>} : memref<400x64xbf16, #tpu.memory_space<vmem>>, vector<32xbf16>,
        %bitcast3A_609 = vector.bitcast %get3A_608 : vector<32xbf16> to vector<16xi32>
        %shift_left3A_610 = arith.constant 16 : i32
        %shift_left3A_611 = vector.broadcast %shift_left3A_610 : i32 to vector<16xi32>
        %shift_left3A_612 = arith.shli %bitcast3A_609, %shift_left3A_611 : vector<16xi32>
        %bitcast3A_613 = vector.bitcast %shift_left3A_612 : vector<16xi32> to vector<16xf32>
        %bitcast3A_614 = vector.bitcast %bitcast3A_609 : vector<16xi32> to vector<16xf32>
        %add3A_615 = arith.addf %add3A_563, %bitcast3A_613 : vector<16xf32>
        %add3A_616 = arith.addf %add3A_564, %bitcast3A_614 : vector<16xf32>
        scf.yield %add3A_576, %add3A_577, %add3A_589, %add3A_590, %add3A_602, %add3A_603, %add3A_615, %add3A_616 : vector<16xf32>, vector<16xf32>, vector<16xf32>, vector<16xf32>, vector<16xf32>, vector<16xf32>, vector<16xf32>, vector<16xf32>
      }
      %scan3A_306 = arith.constant 50 : i32
      %rem3A_307 = arith.constant 32 : i32
      %rem3A_308 = arith.remsi %add3A_298, %rem3A_307 : i32
      %add3A_309 = arith.addf %scan3A_305#0, %scan3A_305#4 : vector<16xf32>
      %swap3A_310 = arith.index_cast %rem3A_308 : i32 to index
      %swap3A_311 = arith.constant 0 : index
      %swap3A_312 = tpu.vector_load %arg10[%swap3A_310, %swap3A_311] {strides = array<i32>} : memref<32x64xf32, #tpu.memory_space<vmem>>, vector<16xf32>,
      tpu.vector_store %arg10[%swap3A_310, %swap3A_311], %add3A_309 {strides = array<i32>} : memref<32x64xf32, #tpu.memory_space<vmem>>, vector<16xf32>,
      %add3A_313 = arith.addf %scan3A_305#1, %scan3A_305#5 : vector<16xf32>
      %swap3A_314 = arith.index_cast %rem3A_308 : i32 to index
      %swap3A_315 = arith.constant 16 : index
      %swap3A_316 = tpu.vector_load %arg10[%swap3A_314, %swap3A_315] {strides = array<i32>} : memref<32x64xf32, #tpu.memory_space<vmem>>, vector<16xf32>,
      tpu.vector_store %arg10[%swap3A_314, %swap3A_315], %add3A_313 {strides = array<i32>} : memref<32x64xf32, #tpu.memory_space<vmem>>, vector<16xf32>,
      %add3A_317 = arith.addf %scan3A_305#2, %scan3A_305#6 : vector<16xf32>
      %swap3A_318 = arith.index_cast %rem3A_308 : i32 to index
      %swap3A_319 = arith.constant 32 : index
      %swap3A_320 = tpu.vector_load %arg10[%swap3A_318, %swap3A_319] {strides = array<i32>} : memref<32x64xf32, #tpu.memory_space<vmem>>, vector<16xf32>,
      tpu.vector_store %arg10[%swap3A_318, %swap3A_319], %add3A_317 {strides = array<i32>} : memref<32x64xf32, #tpu.memory_space<vmem>>, vector<16xf32>,
      %add3A_321 = arith.addf %scan3A_305#3, %scan3A_305#7 : vector<16xf32>
      %swap3A_322 = arith.index_cast %rem3A_308 : i32 to index
      %swap3A_323 = arith.constant 48 : index
      %swap3A_324 = tpu.vector_load %arg10[%swap3A_322, %swap3A_323] {strides = array<i32>} : memref<32x64xf32, #tpu.memory_space<vmem>>, vector<16xf32>,
      tpu.vector_store %arg10[%swap3A_322, %swap3A_323], %add3A_321 {strides = array<i32>} : memref<32x64xf32, #tpu.memory_space<vmem>>, vector<16xf32>,
      %add3A_325 = arith.constant 4 : i32
      %add3A_326 = arith.addi %add3A_260, %add3A_325 : i32
      %lt3A_327 = arith.constant 256 : i32
      %lt3A_328 = arith.cmpi slt, %add3A_326, %lt3A_327 : i32
      %convert_element_type3A_329 = arith.extui %lt3A_328 : i1 to i32
      %cond3A_330 = arith.constant 0 : i32
      %cond3A_331 = arith.cmpi ne, %convert_element_type3A_329, %cond3A_330 : i32
      scf.if %cond3A_331 {
        %add3A_503 = arith.constant 4 : i32
        %add3A_504 = arith.addi %add3A_260, %add3A_503 : i32
        %rem3A_505 = arith.constant 16 : i32
        %rem3A_506 = arith.remsi %add3A_504, %rem3A_505 : i32
        %eq3A_507 = arith.constant 0 : i32
        %eq3A_508 = arith.cmpi eq, %rem3A_506, %eq3A_507 : i32
        %convert_element_type3A_509 = arith.extui %eq3A_508 : i1 to i32
        %cond3A_510 = arith.constant 0 : i32
        %cond3A_511 = arith.cmpi ne, %convert_element_type3A_509, %cond3A_510 : i32
        scf.if %cond3A_511 {
          %add3A_562 = arith.constant 4 : i32
          %add3A_563 = arith.addi %add3A_260, %add3A_562 : i32
          %jit3A = arith.constant 16 : i32
          %div3A = arith.divsi %add3A_563, %jit3A : i32
          %sign3A = arith.constant 0 : i32
          %sign3A_564 = arith.cmpi sgt, %add3A_563, %sign3A : i32
          %sign3A_565 = arith.extui %sign3A_564 : i1 to i32
          %sign3A_566 = arith.constant 0 : i32
          %sign3A_567 = arith.cmpi slt, %add3A_563, %sign3A_566 : i32
          %sign3A_568 = arith.extui %sign3A_567 : i1 to i32
          %sign3A_569 = arith.subi %sign3A_565, %sign3A_568 : i32
          %sign3A_570 = arith.constant 0 : i32
          %sign3A_571 = arith.cmpi sgt, %jit3A, %sign3A_570 : i32
          %sign3A_572 = arith.extui %sign3A_571 : i1 to i32
          %sign3A_573 = arith.constant 0 : i32
          %sign3A_574 = arith.cmpi slt, %jit3A, %sign3A_573 : i32
          %sign3A_575 = arith.extui %sign3A_574 : i1 to i32
          %sign3A_576 = arith.subi %sign3A_572, %sign3A_575 : i32
          %ne3A = arith.cmpi ne, %sign3A_569, %sign3A_576 : i32
          %rem3A_577 = arith.remsi %add3A_563, %jit3A : i32
          %ne3A_578 = arith.constant 0 : i32
          %ne3A_579 = arith.cmpi ne, %rem3A_577, %ne3A_578 : i32
          %and3A = arith.andi %ne3A, %ne3A_579 : i1
          %sub3A = arith.constant 1 : i32
          %sub3A_580 = arith.subi %div3A, %sub3A : i32
          %select_n3A = arith.select %and3A, %sub3A_580, %div3A : i32
          %rem3A_581 = arith.constant 2 : i32
          %rem3A_582 = arith.remsi %select_n3A, %rem3A_581 : i32
          %mul3A_583 = arith.constant 32 : i32
          %mul3A_584 = arith.muli %rem3A_582, %mul3A_583 : i32
          %mul3A_585 = arith.constant 32 : i32
          %mul3A_586 = arith.muli %select_n3A, %mul3A_585 : i32
          %add3A_587 = arith.addi %mul3A_2, %mul3A_586 : i32
          "tpu.region"() ({
            %run_scoped3A = tpu.sem_alloc : memref<!tpu.dma_semaphore, #tpu.memory_space<semaphore_mem>>
            %dma_start3A_588 = arith.constant 0 : i32
            %dma_start3A_589 = tpu.memref_slice %arg5[%mul3A_584, %dma_start3A_588] : memref<64x200xi32, #tpu.memory_space<vmem>> -> memref<32x200xi32, #tpu.memory_space<vmem>>
            %dma_start3A_590 = arith.constant 0 : i32
            %dma_start3A_591 = tpu.memref_slice %arg2[%add3A_587, %dma_start3A_590] : memref<16384x200xi32, #tpu.memory_space<hbm>> -> memref<32x200xi32, #tpu.memory_space<hbm>>
            %dma_start3A_592 = arith.constant 0 : i32
            %dma_start3A_593 = tpu.memref_slice %arg5[%mul3A_584, %dma_start3A_592] : memref<64x200xi32, #tpu.memory_space<vmem>> -> memref<32x200xi32, #tpu.memory_space<vmem>>
            %dma_start3A_594 = arith.constant 0 : i32
            %dma_start3A_595 = tpu.memref_slice %arg2[%add3A_587, %dma_start3A_594] : memref<16384x200xi32, #tpu.memory_space<hbm>> -> memref<32x200xi32, #tpu.memory_space<hbm>>
            tpu.enqueue_dma source(%dma_start3A_595 : memref<32x200xi32, #tpu.memory_space<hbm>>) target(%dma_start3A_593 : memref<32x200xi32, #tpu.memory_space<vmem>>) target_semaphore(%run_scoped3A : memref<!tpu.dma_semaphore, #tpu.memory_space<semaphore_mem>>)
            %dma_wait3A_596 = arith.constant 0 : i32
            %dma_wait3A_597 = tpu.memref_slice %arg5[%mul3A_584, %dma_wait3A_596] : memref<64x200xi32, #tpu.memory_space<vmem>> -> memref<32x200xi32, #tpu.memory_space<vmem>>
            %dma_wait3A_598 = arith.constant 0 : i32
            %dma_wait3A_599 = tpu.memref_slice %arg2[%add3A_587, %dma_wait3A_598] : memref<16384x200xi32, #tpu.memory_space<hbm>> -> memref<32x200xi32, #tpu.memory_space<hbm>>
            %dma_wait3A_600 = arith.constant 0 : i32
            %dma_wait3A_601 = tpu.memref_slice %arg5[%mul3A_584, %dma_wait3A_600] : memref<64x200xi32, #tpu.memory_space<vmem>> -> memref<32x200xi32, #tpu.memory_space<vmem>>
            %dma_wait3A_602 = arith.constant 0 : i32
            %dma_wait3A_603 = tpu.memref_slice %arg2[%add3A_587, %dma_wait3A_602] : memref<16384x200xi32, #tpu.memory_space<hbm>> -> memref<32x200xi32, #tpu.memory_space<hbm>>
            tpu.wait_dma2 semaphore(%run_scoped3A : memref<!tpu.dma_semaphore, #tpu.memory_space<semaphore_mem>>) src(%dma_wait3A_603 : memref<32x200xi32, #tpu.memory_space<hbm>>) dst(%dma_wait3A_601 : memref<32x200xi32, #tpu.memory_space<vmem>>)
            tpu.yield
          }) : () -> ()
        } else {
        }
        %add3A_512 = arith.constant 4 : i32
        %add3A_513 = arith.addi %add3A_260, %add3A_512 : i32
        %mul3A_514 = arith.constant 2 : i32
        %mul3A_515 = arith.muli %mul3A_514, %add3A_513 : i32
        %add3A_516 = arith.constant 0 : i32
        %add3A_517 = arith.addi %mul3A_515, %add3A_516 : i32
        %rem3A_518 = arith.constant 64 : i32
        %rem3A_519 = arith.remsi %add3A_517, %rem3A_518 : i32
        %dma_start3A_520 = arith.constant 0 : i32
        %dma_start3A_521 = arith.constant 0 : i32
        %dma_start3A_522 = tpu.memref_slice %arg7[%dma_start3A_520, %dma_start3A_521] : memref<400x64xbf16, #tpu.memory_space<vmem>> -> memref<128x64xbf16, #tpu.memory_space<vmem>>
        %dma_start3A_523 = arith.constant 0 : i32
        %dma_start3A_524 = tpu.memref_slice %arg5[%rem3A_519, %dma_start3A_523] : memref<64x200xi32, #tpu.memory_space<vmem>> -> memref<1x128xi32, #tpu.memory_space<vmem>>
        %dma_start3A_525 = tpu.memref_squeeze %dma_start3A_524 : memref<1x128xi32, #tpu.memory_space<vmem>> -> memref<128xi32, #tpu.memory_space<vmem>>
        %dma_start3A_526 = arith.constant 0 : i32
        %dma_start3A_527 = arith.constant 0 : i32
        %dma_start3A_528 = tpu.memref_slice %arg3[%dma_start3A_526, %dma_start3A_527] : memref<100000x64xbf16, #tpu.memory_space<hbm>> -> memref<100000x64xbf16, #tpu.memory_space<hbm>>
        tpu.enqueue_indirect_dma source(%dma_start3A_528 : memref<100000x64xbf16, #tpu.memory_space<hbm>>) target(%dma_start3A_522 : memref<128x64xbf16, #tpu.memory_space<vmem>>) offsets(%dma_start3A_525 : memref<128xi32, #tpu.memory_space<vmem>>) semaphore(%arg12 : memref<!tpu.dma_semaphore, #tpu.memory_space<semaphore_mem>>)
        %dma_start3A_529 = arith.constant 128 : i32
        %dma_start3A_530 = arith.constant 0 : i32
        %dma_start3A_531 = tpu.memref_slice %arg7[%dma_start3A_529, %dma_start3A_530] : memref<400x64xbf16, #tpu.memory_space<vmem>> -> memref<72x64xbf16, #tpu.memory_space<vmem>>
        %dma_start3A_532 = arith.constant 128 : i32
        %dma_start3A_533 = tpu.memref_slice %arg5[%rem3A_519, %dma_start3A_532] : memref<64x200xi32, #tpu.memory_space<vmem>> -> memref<1x72xi32, #tpu.memory_space<vmem>>
        %dma_start3A_534 = tpu.memref_squeeze %dma_start3A_533 : memref<1x72xi32, #tpu.memory_space<vmem>> -> memref<72xi32, #tpu.memory_space<vmem>>
        %dma_start3A_535 = arith.constant 0 : i32
        %dma_start3A_536 = arith.constant 0 : i32
        %dma_start3A_537 = tpu.memref_slice %arg3[%dma_start3A_535, %dma_start3A_536] : memref<100000x64xbf16, #tpu.memory_space<hbm>> -> memref<100000x64xbf16, #tpu.memory_space<hbm>>
        tpu.enqueue_indirect_dma source(%dma_start3A_537 : memref<100000x64xbf16, #tpu.memory_space<hbm>>) target(%dma_start3A_531 : memref<72x64xbf16, #tpu.memory_space<vmem>>) offsets(%dma_start3A_534 : memref<72xi32, #tpu.memory_space<vmem>>) semaphore(%arg12 : memref<!tpu.dma_semaphore, #tpu.memory_space<semaphore_mem>>)
        %mul3A_538 = arith.constant 2 : i32
        %mul3A_539 = arith.muli %mul3A_538, %add3A_513 : i32
        %add3A_540 = arith.constant 1 : i32
        %add3A_541 = arith.addi %mul3A_539, %add3A_540 : i32
        %rem3A_542 = arith.constant 64 : i32
        %rem3A_543 = arith.remsi %add3A_541, %rem3A_542 : i32
        %dma_start3A_544 = arith.constant 200 : i32
        %dma_start3A_545 = arith.constant 0 : i32
        %dma_start3A_546 = tpu.memref_slice %arg7[%dma_start3A_544, %dma_start3A_545] : memref<400x64xbf16, #tpu.memory_space<vmem>> -> memref<128x64xbf16, #tpu.memory_space<vmem>>
        %dma_start3A_547 = arith.constant 0 : i32
        %dma_start3A_548 = tpu.memref_slice %arg5[%rem3A_543, %dma_start3A_547] : memref<64x200xi32, #tpu.memory_space<vmem>> -> memref<1x128xi32, #tpu.memory_space<vmem>>
        %dma_start3A_549 = tpu.memref_squeeze %dma_start3A_548 : memref<1x128xi32, #tpu.memory_space<vmem>> -> memref<128xi32, #tpu.memory_space<vmem>>
        %dma_start3A_550 = arith.constant 0 : i32
        %dma_start3A_551 = arith.constant 0 : i32
        %dma_start3A_552 = tpu.memref_slice %arg3[%dma_start3A_550, %dma_start3A_551] : memref<100000x64xbf16, #tpu.memory_space<hbm>> -> memref<100000x64xbf16, #tpu.memory_space<hbm>>
        tpu.enqueue_indirect_dma source(%dma_start3A_552 : memref<100000x64xbf16, #tpu.memory_space<hbm>>) target(%dma_start3A_546 : memref<128x64xbf16, #tpu.memory_space<vmem>>) offsets(%dma_start3A_549 : memref<128xi32, #tpu.memory_space<vmem>>) semaphore(%arg12 : memref<!tpu.dma_semaphore, #tpu.memory_space<semaphore_mem>>)
        %dma_start3A_553 = arith.constant 328 : i32
        %dma_start3A_554 = arith.constant 0 : i32
        %dma_start3A_555 = tpu.memref_slice %arg7[%dma_start3A_553, %dma_start3A_554] : memref<400x64xbf16, #tpu.memory_space<vmem>> -> memref<72x64xbf16, #tpu.memory_space<vmem>>
        %dma_start3A_556 = arith.constant 128 : i32
        %dma_start3A_557 = tpu.memref_slice %arg5[%rem3A_543, %dma_start3A_556] : memref<64x200xi32, #tpu.memory_space<vmem>> -> memref<1x72xi32, #tpu.memory_space<vmem>>
        %dma_start3A_558 = tpu.memref_squeeze %dma_start3A_557 : memref<1x72xi32, #tpu.memory_space<vmem>> -> memref<72xi32, #tpu.memory_space<vmem>>
        %dma_start3A_559 = arith.constant 0 : i32
        %dma_start3A_560 = arith.constant 0 : i32
        %dma_start3A_561 = tpu.memref_slice %arg3[%dma_start3A_559, %dma_start3A_560] : memref<100000x64xbf16, #tpu.memory_space<hbm>> -> memref<100000x64xbf16, #tpu.memory_space<hbm>>
        tpu.enqueue_indirect_dma source(%dma_start3A_561 : memref<100000x64xbf16, #tpu.memory_space<hbm>>) target(%dma_start3A_555 : memref<72x64xbf16, #tpu.memory_space<vmem>>) offsets(%dma_start3A_558 : memref<72xi32, #tpu.memory_space<vmem>>) semaphore(%arg12 : memref<!tpu.dma_semaphore, #tpu.memory_space<semaphore_mem>>)
      } else {
      }
      %rem3A_332 = arith.constant 16 : i32
      %rem3A_333 = arith.remsi %add3A_260, %rem3A_332 : i32
      %eq3A_334 = arith.constant 15 : i32
      %eq3A_335 = arith.cmpi eq, %rem3A_333, %eq3A_334 : i32
      %convert_element_type3A_336 = arith.extui %eq3A_335 : i1 to i32
      %cond3A_337 = arith.constant 0 : i32
      %cond3A_338 = arith.cmpi ne, %convert_element_type3A_336, %cond3A_337 : i32
      scf.if %cond3A_338 {
        %mul3A_503 = arith.constant 2 : i32
        %mul3A_504 = arith.muli %mul3A_503, %add3A_260 : i32
        %add3A_505 = arith.constant 1 : i32
        %add3A_506 = arith.addi %mul3A_504, %add3A_505 : i32
        %sub3A = arith.constant 31 : i32
        %sub3A_507 = arith.subi %add3A_506, %sub3A : i32
        %add3A_508 = arith.addi %mul3A_2, %sub3A_507 : i32
        "tpu.region"() ({
          %run_scoped3A = tpu.sem_alloc : memref<!tpu.dma_semaphore, #tpu.memory_space<semaphore_mem>>
          %dma_start3A_509 = arith.constant 0 : i32
          %dma_start3A_510 = tpu.memref_slice %arg4[%add3A_508, %dma_start3A_509] : memref<16384x64xf32, #tpu.memory_space<hbm>> -> memref<32x64xf32, #tpu.memory_space<hbm>>
          %dma_start3A_511 = arith.constant 0 : i32
          %dma_start3A_512 = tpu.memref_slice %arg4[%add3A_508, %dma_start3A_511] : memref<16384x64xf32, #tpu.memory_space<hbm>> -> memref<32x64xf32, #tpu.memory_space<hbm>>
          tpu.enqueue_dma source(%arg10 : memref<32x64xf32, #tpu.memory_space<vmem>>) target(%dma_start3A_512 : memref<32x64xf32, #tpu.memory_space<hbm>>) target_semaphore(%run_scoped3A : memref<!tpu.dma_semaphore, #tpu.memory_space<semaphore_mem>>)
          %dma_wait3A_513 = arith.constant 0 : i32
          %dma_wait3A_514 = tpu.memref_slice %arg4[%add3A_508, %dma_wait3A_513] : memref<16384x64xf32, #tpu.memory_space<hbm>> -> memref<32x64xf32, #tpu.memory_space<hbm>>
          %dma_wait3A_515 = arith.constant 0 : i32
          %dma_wait3A_516 = tpu.memref_slice %arg4[%add3A_508, %dma_wait3A_515] : memref<16384x64xf32, #tpu.memory_space<hbm>> -> memref<32x64xf32, #tpu.memory_space<hbm>>
          tpu.wait_dma2 semaphore(%run_scoped3A : memref<!tpu.dma_semaphore, #tpu.memory_space<semaphore_mem>>) src(%arg10 : memref<32x64xf32, #tpu.memory_space<vmem>>) dst(%dma_wait3A_516 : memref<32x64xf32, #tpu.memory_space<hbm>>)
          tpu.yield
        }) : () -> ()
      } else {
      }
      %mul3A_339 = arith.constant 4 : i32
      %mul3A_340 = arith.muli %scan3A_181, %mul3A_339 : i32
      %add3A_341 = arith.constant 2 : i32
      %add3A_342 = arith.addi %mul3A_340, %add3A_341 : i32
      %dma_wait3A_343 = arith.constant 0 : i32
      %dma_wait3A_344 = arith.constant 0 : i32
      %dma_wait3A_345 = tpu.memref_slice %arg3[%dma_wait3A_343, %dma_wait3A_344] : memref<100000x64xbf16, #tpu.memory_space<hbm>> -> memref<400x64xbf16, #tpu.memory_space<hbm>>
      %dma_wait3A_346 = arith.constant 0 : i32
      %dma_wait3A_347 = arith.constant 0 : i32
      %dma_wait3A_348 = tpu.memref_slice %arg3[%dma_wait3A_346, %dma_wait3A_347] : memref<100000x64xbf16, #tpu.memory_space<hbm>> -> memref<400x64xbf16, #tpu.memory_space<hbm>>
      tpu.wait_dma2 semaphore(%arg13 : memref<!tpu.dma_semaphore, #tpu.memory_space<semaphore_mem>>) src(%dma_wait3A_348 : memref<400x64xbf16, #tpu.memory_space<hbm>>) dst(%arg8 : memref<400x64xbf16, #tpu.memory_space<vmem>>)
      %mul3A_349 = arith.constant 2 : i32
      %mul3A_350 = arith.muli %mul3A_349, %add3A_342 : i32
      %broadcast_in_dim3A_351 = arith.constant 0.000000e+00 : f32
      %broadcast_in_dim3A_352 = vector.broadcast %broadcast_in_dim3A_351 : f32 to vector<16xf32>
      %scan3A_353 = arith.constant 0 : i32
      %scan3A_354 = arith.constant 50 : i32
      %scan3A_355 = arith.addi %scan3A_353, %scan3A_354 : i32
      %scan3A_356 = arith.constant 1 : i32
      %scan3A_357:8 = scf.for %scan3A_503 = %scan3A_353 to %scan3A_355 step %scan3A_356 iter_args(%scan3A_504 = %broadcast_in_dim3A_352, %scan3A_505 = %broadcast_in_dim3A_352, %scan3A_506 = %broadcast_in_dim3A_352, %scan3A_507 = %broadcast_in_dim3A_352, %scan3A_508 = %broadcast_in_dim3A_352, %scan3A_509 = %broadcast_in_dim3A_352, %scan3A_510 = %broadcast_in_dim3A_352, %scan3A_511 = %broadcast_in_dim3A_352) -> (vector<16xf32>, vector<16xf32>, vector<16xf32>, vector<16xf32>, vector<16xf32>, vector<16xf32>, vector<16xf32>, vector<16xf32>)  : i32 {
        %mul3A_512 = arith.constant 4 : i32
        %mul3A_513 = arith.muli %scan3A_503, %mul3A_512 : i32
        %add3A_514 = arith.constant 0 : i32
        %add3A_515 = arith.addi %add3A_514, %mul3A_513 : i32
        %add3A_516 = arith.constant 0 : i32
        %add3A_517 = arith.addi %add3A_515, %add3A_516 : i32
        %get3A = arith.index_cast %add3A_517 : i32 to index
        %get3A_518 = arith.constant 0 : index
        %get3A_519 = tpu.vector_load %arg8[%get3A, %get3A_518] {strides = array<i32>} : memref<400x64xbf16, #tpu.memory_space<vmem>>, vector<32xbf16>,
        %bitcast3A = vector.bitcast %get3A_519 : vector<32xbf16> to vector<16xi32>
        %shift_left3A = arith.constant 16 : i32
        %shift_left3A_520 = vector.broadcast %shift_left3A : i32 to vector<16xi32>
        %shift_left3A_521 = arith.shli %bitcast3A, %shift_left3A_520 : vector<16xi32>
        %bitcast3A_522 = vector.bitcast %shift_left3A_521 : vector<16xi32> to vector<16xf32>
        %bitcast3A_523 = vector.bitcast %bitcast3A : vector<16xi32> to vector<16xf32>
        %add3A_524 = arith.addf %scan3A_504, %bitcast3A_522 : vector<16xf32>
        %add3A_525 = arith.addf %scan3A_505, %bitcast3A_523 : vector<16xf32>
        %add3A_526 = arith.constant 0 : i32
        %add3A_527 = arith.addi %add3A_515, %add3A_526 : i32
        %get3A_528 = arith.index_cast %add3A_527 : i32 to index
        %get3A_529 = arith.constant 32 : index
        %get3A_530 = tpu.vector_load %arg8[%get3A_528, %get3A_529] {strides = array<i32>} : memref<400x64xbf16, #tpu.memory_space<vmem>>, vector<32xbf16>,
        %bitcast3A_531 = vector.bitcast %get3A_530 : vector<32xbf16> to vector<16xi32>
        %shift_left3A_532 = arith.constant 16 : i32
        %shift_left3A_533 = vector.broadcast %shift_left3A_532 : i32 to vector<16xi32>
        %shift_left3A_534 = arith.shli %bitcast3A_531, %shift_left3A_533 : vector<16xi32>
        %bitcast3A_535 = vector.bitcast %shift_left3A_534 : vector<16xi32> to vector<16xf32>
        %bitcast3A_536 = vector.bitcast %bitcast3A_531 : vector<16xi32> to vector<16xf32>
        %add3A_537 = arith.addf %scan3A_506, %bitcast3A_535 : vector<16xf32>
        %add3A_538 = arith.addf %scan3A_507, %bitcast3A_536 : vector<16xf32>
        %add3A_539 = arith.constant 1 : i32
        %add3A_540 = arith.addi %add3A_515, %add3A_539 : i32
        %get3A_541 = arith.index_cast %add3A_540 : i32 to index
        %get3A_542 = arith.constant 0 : index
        %get3A_543 = tpu.vector_load %arg8[%get3A_541, %get3A_542] {strides = array<i32>} : memref<400x64xbf16, #tpu.memory_space<vmem>>, vector<32xbf16>,
        %bitcast3A_544 = vector.bitcast %get3A_543 : vector<32xbf16> to vector<16xi32>
        %shift_left3A_545 = arith.constant 16 : i32
        %shift_left3A_546 = vector.broadcast %shift_left3A_545 : i32 to vector<16xi32>
        %shift_left3A_547 = arith.shli %bitcast3A_544, %shift_left3A_546 : vector<16xi32>
        %bitcast3A_548 = vector.bitcast %shift_left3A_547 : vector<16xi32> to vector<16xf32>
        %bitcast3A_549 = vector.bitcast %bitcast3A_544 : vector<16xi32> to vector<16xf32>
        %add3A_550 = arith.addf %scan3A_508, %bitcast3A_548 : vector<16xf32>
        %add3A_551 = arith.addf %scan3A_509, %bitcast3A_549 : vector<16xf32>
        %add3A_552 = arith.constant 1 : i32
        %add3A_553 = arith.addi %add3A_515, %add3A_552 : i32
        %get3A_554 = arith.index_cast %add3A_553 : i32 to index
        %get3A_555 = arith.constant 32 : index
        %get3A_556 = tpu.vector_load %arg8[%get3A_554, %get3A_555] {strides = array<i32>} : memref<400x64xbf16, #tpu.memory_space<vmem>>, vector<32xbf16>,
        %bitcast3A_557 = vector.bitcast %get3A_556 : vector<32xbf16> to vector<16xi32>
        %shift_left3A_558 = arith.constant 16 : i32
        %shift_left3A_559 = vector.broadcast %shift_left3A_558 : i32 to vector<16xi32>
        %shift_left3A_560 = arith.shli %bitcast3A_557, %shift_left3A_559 : vector<16xi32>
        %bitcast3A_561 = vector.bitcast %shift_left3A_560 : vector<16xi32> to vector<16xf32>
        %bitcast3A_562 = vector.bitcast %bitcast3A_557 : vector<16xi32> to vector<16xf32>
        %add3A_563 = arith.addf %scan3A_510, %bitcast3A_561 : vector<16xf32>
        %add3A_564 = arith.addf %scan3A_511, %bitcast3A_562 : vector<16xf32>
        %add3A_565 = arith.constant 2 : i32
        %add3A_566 = arith.addi %add3A_515, %add3A_565 : i32
        %get3A_567 = arith.index_cast %add3A_566 : i32 to index
        %get3A_568 = arith.constant 0 : index
        %get3A_569 = tpu.vector_load %arg8[%get3A_567, %get3A_568] {strides = array<i32>} : memref<400x64xbf16, #tpu.memory_space<vmem>>, vector<32xbf16>,
        %bitcast3A_570 = vector.bitcast %get3A_569 : vector<32xbf16> to vector<16xi32>
        %shift_left3A_571 = arith.constant 16 : i32
        %shift_left3A_572 = vector.broadcast %shift_left3A_571 : i32 to vector<16xi32>
        %shift_left3A_573 = arith.shli %bitcast3A_570, %shift_left3A_572 : vector<16xi32>
        %bitcast3A_574 = vector.bitcast %shift_left3A_573 : vector<16xi32> to vector<16xf32>
        %bitcast3A_575 = vector.bitcast %bitcast3A_570 : vector<16xi32> to vector<16xf32>
        %add3A_576 = arith.addf %add3A_524, %bitcast3A_574 : vector<16xf32>
        %add3A_577 = arith.addf %add3A_525, %bitcast3A_575 : vector<16xf32>
        %add3A_578 = arith.constant 2 : i32
        %add3A_579 = arith.addi %add3A_515, %add3A_578 : i32
        %get3A_580 = arith.index_cast %add3A_579 : i32 to index
        %get3A_581 = arith.constant 32 : index
        %get3A_582 = tpu.vector_load %arg8[%get3A_580, %get3A_581] {strides = array<i32>} : memref<400x64xbf16, #tpu.memory_space<vmem>>, vector<32xbf16>,
        %bitcast3A_583 = vector.bitcast %get3A_582 : vector<32xbf16> to vector<16xi32>
        %shift_left3A_584 = arith.constant 16 : i32
        %shift_left3A_585 = vector.broadcast %shift_left3A_584 : i32 to vector<16xi32>
        %shift_left3A_586 = arith.shli %bitcast3A_583, %shift_left3A_585 : vector<16xi32>
        %bitcast3A_587 = vector.bitcast %shift_left3A_586 : vector<16xi32> to vector<16xf32>
        %bitcast3A_588 = vector.bitcast %bitcast3A_583 : vector<16xi32> to vector<16xf32>
        %add3A_589 = arith.addf %add3A_537, %bitcast3A_587 : vector<16xf32>
        %add3A_590 = arith.addf %add3A_538, %bitcast3A_588 : vector<16xf32>
        %add3A_591 = arith.constant 3 : i32
        %add3A_592 = arith.addi %add3A_515, %add3A_591 : i32
        %get3A_593 = arith.index_cast %add3A_592 : i32 to index
        %get3A_594 = arith.constant 0 : index
        %get3A_595 = tpu.vector_load %arg8[%get3A_593, %get3A_594] {strides = array<i32>} : memref<400x64xbf16, #tpu.memory_space<vmem>>, vector<32xbf16>,
        %bitcast3A_596 = vector.bitcast %get3A_595 : vector<32xbf16> to vector<16xi32>
        %shift_left3A_597 = arith.constant 16 : i32
        %shift_left3A_598 = vector.broadcast %shift_left3A_597 : i32 to vector<16xi32>
        %shift_left3A_599 = arith.shli %bitcast3A_596, %shift_left3A_598 : vector<16xi32>
        %bitcast3A_600 = vector.bitcast %shift_left3A_599 : vector<16xi32> to vector<16xf32>
        %bitcast3A_601 = vector.bitcast %bitcast3A_596 : vector<16xi32> to vector<16xf32>
        %add3A_602 = arith.addf %add3A_550, %bitcast3A_600 : vector<16xf32>
        %add3A_603 = arith.addf %add3A_551, %bitcast3A_601 : vector<16xf32>
        %add3A_604 = arith.constant 3 : i32
        %add3A_605 = arith.addi %add3A_515, %add3A_604 : i32
        %get3A_606 = arith.index_cast %add3A_605 : i32 to index
        %get3A_607 = arith.constant 32 : index
        %get3A_608 = tpu.vector_load %arg8[%get3A_606, %get3A_607] {strides = array<i32>} : memref<400x64xbf16, #tpu.memory_space<vmem>>, vector<32xbf16>,
        %bitcast3A_609 = vector.bitcast %get3A_608 : vector<32xbf16> to vector<16xi32>
        %shift_left3A_610 = arith.constant 16 : i32
        %shift_left3A_611 = vector.broadcast %shift_left3A_610 : i32 to vector<16xi32>
        %shift_left3A_612 = arith.shli %bitcast3A_609, %shift_left3A_611 : vector<16xi32>
        %bitcast3A_613 = vector.bitcast %shift_left3A_612 : vector<16xi32> to vector<16xf32>
        %bitcast3A_614 = vector.bitcast %bitcast3A_609 : vector<16xi32> to vector<16xf32>
        %add3A_615 = arith.addf %add3A_563, %bitcast3A_613 : vector<16xf32>
        %add3A_616 = arith.addf %add3A_564, %bitcast3A_614 : vector<16xf32>
        scf.yield %add3A_576, %add3A_577, %add3A_589, %add3A_590, %add3A_602, %add3A_603, %add3A_615, %add3A_616 : vector<16xf32>, vector<16xf32>, vector<16xf32>, vector<16xf32>, vector<16xf32>, vector<16xf32>, vector<16xf32>, vector<16xf32>
      }
      %scan3A_358 = arith.constant 50 : i32
      %rem3A_359 = arith.constant 32 : i32
      %rem3A_360 = arith.remsi %mul3A_350, %rem3A_359 : i32
      %add3A_361 = arith.addf %scan3A_357#0, %scan3A_357#4 : vector<16xf32>
      %swap3A_362 = arith.index_cast %rem3A_360 : i32 to index
      %swap3A_363 = arith.constant 0 : index
      %swap3A_364 = tpu.vector_load %arg10[%swap3A_362, %swap3A_363] {strides = array<i32>} : memref<32x64xf32, #tpu.memory_space<vmem>>, vector<16xf32>,
      tpu.vector_store %arg10[%swap3A_362, %swap3A_363], %add3A_361 {strides = array<i32>} : memref<32x64xf32, #tpu.memory_space<vmem>>, vector<16xf32>,
      %add3A_365 = arith.addf %scan3A_357#1, %scan3A_357#5 : vector<16xf32>
      %swap3A_366 = arith.index_cast %rem3A_360 : i32 to index
      %swap3A_367 = arith.constant 16 : index
      %swap3A_368 = tpu.vector_load %arg10[%swap3A_366, %swap3A_367] {strides = array<i32>} : memref<32x64xf32, #tpu.memory_space<vmem>>, vector<16xf32>,
      tpu.vector_store %arg10[%swap3A_366, %swap3A_367], %add3A_365 {strides = array<i32>} : memref<32x64xf32, #tpu.memory_space<vmem>>, vector<16xf32>,
      %add3A_369 = arith.addf %scan3A_357#2, %scan3A_357#6 : vector<16xf32>
      %swap3A_370 = arith.index_cast %rem3A_360 : i32 to index
      %swap3A_371 = arith.constant 32 : index
      %swap3A_372 = tpu.vector_load %arg10[%swap3A_370, %swap3A_371] {strides = array<i32>} : memref<32x64xf32, #tpu.memory_space<vmem>>, vector<16xf32>,
      tpu.vector_store %arg10[%swap3A_370, %swap3A_371], %add3A_369 {strides = array<i32>} : memref<32x64xf32, #tpu.memory_space<vmem>>, vector<16xf32>,
      %add3A_373 = arith.addf %scan3A_357#3, %scan3A_357#7 : vector<16xf32>
      %swap3A_374 = arith.index_cast %rem3A_360 : i32 to index
      %swap3A_375 = arith.constant 48 : index
      %swap3A_376 = tpu.vector_load %arg10[%swap3A_374, %swap3A_375] {strides = array<i32>} : memref<32x64xf32, #tpu.memory_space<vmem>>, vector<16xf32>,
      tpu.vector_store %arg10[%swap3A_374, %swap3A_375], %add3A_373 {strides = array<i32>} : memref<32x64xf32, #tpu.memory_space<vmem>>, vector<16xf32>,
      %mul3A_377 = arith.constant 2 : i32
      %mul3A_378 = arith.muli %mul3A_377, %add3A_342 : i32
      %add3A_379 = arith.constant 1 : i32
      %add3A_380 = arith.addi %mul3A_378, %add3A_379 : i32
      %broadcast_in_dim3A_381 = arith.constant 0.000000e+00 : f32
      %broadcast_in_dim3A_382 = vector.broadcast %broadcast_in_dim3A_381 : f32 to vector<16xf32>
      %scan3A_383 = arith.constant 0 : i32
      %scan3A_384 = arith.constant 50 : i32
      %scan3A_385 = arith.addi %scan3A_383, %scan3A_384 : i32
      %scan3A_386 = arith.constant 1 : i32
      %scan3A_387:8 = scf.for %scan3A_503 = %scan3A_383 to %scan3A_385 step %scan3A_386 iter_args(%scan3A_504 = %broadcast_in_dim3A_382, %scan3A_505 = %broadcast_in_dim3A_382, %scan3A_506 = %broadcast_in_dim3A_382, %scan3A_507 = %broadcast_in_dim3A_382, %scan3A_508 = %broadcast_in_dim3A_382, %scan3A_509 = %broadcast_in_dim3A_382, %scan3A_510 = %broadcast_in_dim3A_382, %scan3A_511 = %broadcast_in_dim3A_382) -> (vector<16xf32>, vector<16xf32>, vector<16xf32>, vector<16xf32>, vector<16xf32>, vector<16xf32>, vector<16xf32>, vector<16xf32>)  : i32 {
        %mul3A_512 = arith.constant 4 : i32
        %mul3A_513 = arith.muli %scan3A_503, %mul3A_512 : i32
        %add3A_514 = arith.constant 200 : i32
        %add3A_515 = arith.addi %add3A_514, %mul3A_513 : i32
        %add3A_516 = arith.constant 0 : i32
        %add3A_517 = arith.addi %add3A_515, %add3A_516 : i32
        %get3A = arith.index_cast %add3A_517 : i32 to index
        %get3A_518 = arith.constant 0 : index
        %get3A_519 = tpu.vector_load %arg8[%get3A, %get3A_518] {strides = array<i32>} : memref<400x64xbf16, #tpu.memory_space<vmem>>, vector<32xbf16>,
        %bitcast3A = vector.bitcast %get3A_519 : vector<32xbf16> to vector<16xi32>
        %shift_left3A = arith.constant 16 : i32
        %shift_left3A_520 = vector.broadcast %shift_left3A : i32 to vector<16xi32>
        %shift_left3A_521 = arith.shli %bitcast3A, %shift_left3A_520 : vector<16xi32>
        %bitcast3A_522 = vector.bitcast %shift_left3A_521 : vector<16xi32> to vector<16xf32>
        %bitcast3A_523 = vector.bitcast %bitcast3A : vector<16xi32> to vector<16xf32>
        %add3A_524 = arith.addf %scan3A_504, %bitcast3A_522 : vector<16xf32>
        %add3A_525 = arith.addf %scan3A_505, %bitcast3A_523 : vector<16xf32>
        %add3A_526 = arith.constant 0 : i32
        %add3A_527 = arith.addi %add3A_515, %add3A_526 : i32
        %get3A_528 = arith.index_cast %add3A_527 : i32 to index
        %get3A_529 = arith.constant 32 : index
        %get3A_530 = tpu.vector_load %arg8[%get3A_528, %get3A_529] {strides = array<i32>} : memref<400x64xbf16, #tpu.memory_space<vmem>>, vector<32xbf16>,
        %bitcast3A_531 = vector.bitcast %get3A_530 : vector<32xbf16> to vector<16xi32>
        %shift_left3A_532 = arith.constant 16 : i32
        %shift_left3A_533 = vector.broadcast %shift_left3A_532 : i32 to vector<16xi32>
        %shift_left3A_534 = arith.shli %bitcast3A_531, %shift_left3A_533 : vector<16xi32>
        %bitcast3A_535 = vector.bitcast %shift_left3A_534 : vector<16xi32> to vector<16xf32>
        %bitcast3A_536 = vector.bitcast %bitcast3A_531 : vector<16xi32> to vector<16xf32>
        %add3A_537 = arith.addf %scan3A_506, %bitcast3A_535 : vector<16xf32>
        %add3A_538 = arith.addf %scan3A_507, %bitcast3A_536 : vector<16xf32>
        %add3A_539 = arith.constant 1 : i32
        %add3A_540 = arith.addi %add3A_515, %add3A_539 : i32
        %get3A_541 = arith.index_cast %add3A_540 : i32 to index
        %get3A_542 = arith.constant 0 : index
        %get3A_543 = tpu.vector_load %arg8[%get3A_541, %get3A_542] {strides = array<i32>} : memref<400x64xbf16, #tpu.memory_space<vmem>>, vector<32xbf16>,
        %bitcast3A_544 = vector.bitcast %get3A_543 : vector<32xbf16> to vector<16xi32>
        %shift_left3A_545 = arith.constant 16 : i32
        %shift_left3A_546 = vector.broadcast %shift_left3A_545 : i32 to vector<16xi32>
        %shift_left3A_547 = arith.shli %bitcast3A_544, %shift_left3A_546 : vector<16xi32>
        %bitcast3A_548 = vector.bitcast %shift_left3A_547 : vector<16xi32> to vector<16xf32>
        %bitcast3A_549 = vector.bitcast %bitcast3A_544 : vector<16xi32> to vector<16xf32>
        %add3A_550 = arith.addf %scan3A_508, %bitcast3A_548 : vector<16xf32>
        %add3A_551 = arith.addf %scan3A_509, %bitcast3A_549 : vector<16xf32>
        %add3A_552 = arith.constant 1 : i32
        %add3A_553 = arith.addi %add3A_515, %add3A_552 : i32
        %get3A_554 = arith.index_cast %add3A_553 : i32 to index
        %get3A_555 = arith.constant 32 : index
        %get3A_556 = tpu.vector_load %arg8[%get3A_554, %get3A_555] {strides = array<i32>} : memref<400x64xbf16, #tpu.memory_space<vmem>>, vector<32xbf16>,
        %bitcast3A_557 = vector.bitcast %get3A_556 : vector<32xbf16> to vector<16xi32>
        %shift_left3A_558 = arith.constant 16 : i32
        %shift_left3A_559 = vector.broadcast %shift_left3A_558 : i32 to vector<16xi32>
        %shift_left3A_560 = arith.shli %bitcast3A_557, %shift_left3A_559 : vector<16xi32>
        %bitcast3A_561 = vector.bitcast %shift_left3A_560 : vector<16xi32> to vector<16xf32>
        %bitcast3A_562 = vector.bitcast %bitcast3A_557 : vector<16xi32> to vector<16xf32>
        %add3A_563 = arith.addf %scan3A_510, %bitcast3A_561 : vector<16xf32>
        %add3A_564 = arith.addf %scan3A_511, %bitcast3A_562 : vector<16xf32>
        %add3A_565 = arith.constant 2 : i32
        %add3A_566 = arith.addi %add3A_515, %add3A_565 : i32
        %get3A_567 = arith.index_cast %add3A_566 : i32 to index
        %get3A_568 = arith.constant 0 : index
        %get3A_569 = tpu.vector_load %arg8[%get3A_567, %get3A_568] {strides = array<i32>} : memref<400x64xbf16, #tpu.memory_space<vmem>>, vector<32xbf16>,
        %bitcast3A_570 = vector.bitcast %get3A_569 : vector<32xbf16> to vector<16xi32>
        %shift_left3A_571 = arith.constant 16 : i32
        %shift_left3A_572 = vector.broadcast %shift_left3A_571 : i32 to vector<16xi32>
        %shift_left3A_573 = arith.shli %bitcast3A_570, %shift_left3A_572 : vector<16xi32>
        %bitcast3A_574 = vector.bitcast %shift_left3A_573 : vector<16xi32> to vector<16xf32>
        %bitcast3A_575 = vector.bitcast %bitcast3A_570 : vector<16xi32> to vector<16xf32>
        %add3A_576 = arith.addf %add3A_524, %bitcast3A_574 : vector<16xf32>
        %add3A_577 = arith.addf %add3A_525, %bitcast3A_575 : vector<16xf32>
        %add3A_578 = arith.constant 2 : i32
        %add3A_579 = arith.addi %add3A_515, %add3A_578 : i32
        %get3A_580 = arith.index_cast %add3A_579 : i32 to index
        %get3A_581 = arith.constant 32 : index
        %get3A_582 = tpu.vector_load %arg8[%get3A_580, %get3A_581] {strides = array<i32>} : memref<400x64xbf16, #tpu.memory_space<vmem>>, vector<32xbf16>,
        %bitcast3A_583 = vector.bitcast %get3A_582 : vector<32xbf16> to vector<16xi32>
        %shift_left3A_584 = arith.constant 16 : i32
        %shift_left3A_585 = vector.broadcast %shift_left3A_584 : i32 to vector<16xi32>
        %shift_left3A_586 = arith.shli %bitcast3A_583, %shift_left3A_585 : vector<16xi32>
        %bitcast3A_587 = vector.bitcast %shift_left3A_586 : vector<16xi32> to vector<16xf32>
        %bitcast3A_588 = vector.bitcast %bitcast3A_583 : vector<16xi32> to vector<16xf32>
        %add3A_589 = arith.addf %add3A_537, %bitcast3A_587 : vector<16xf32>
        %add3A_590 = arith.addf %add3A_538, %bitcast3A_588 : vector<16xf32>
        %add3A_591 = arith.constant 3 : i32
        %add3A_592 = arith.addi %add3A_515, %add3A_591 : i32
        %get3A_593 = arith.index_cast %add3A_592 : i32 to index
        %get3A_594 = arith.constant 0 : index
        %get3A_595 = tpu.vector_load %arg8[%get3A_593, %get3A_594] {strides = array<i32>} : memref<400x64xbf16, #tpu.memory_space<vmem>>, vector<32xbf16>,
        %bitcast3A_596 = vector.bitcast %get3A_595 : vector<32xbf16> to vector<16xi32>
        %shift_left3A_597 = arith.constant 16 : i32
        %shift_left3A_598 = vector.broadcast %shift_left3A_597 : i32 to vector<16xi32>
        %shift_left3A_599 = arith.shli %bitcast3A_596, %shift_left3A_598 : vector<16xi32>
        %bitcast3A_600 = vector.bitcast %shift_left3A_599 : vector<16xi32> to vector<16xf32>
        %bitcast3A_601 = vector.bitcast %bitcast3A_596 : vector<16xi32> to vector<16xf32>
        %add3A_602 = arith.addf %add3A_550, %bitcast3A_600 : vector<16xf32>
        %add3A_603 = arith.addf %add3A_551, %bitcast3A_601 : vector<16xf32>
        %add3A_604 = arith.constant 3 : i32
        %add3A_605 = arith.addi %add3A_515, %add3A_604 : i32
        %get3A_606 = arith.index_cast %add3A_605 : i32 to index
        %get3A_607 = arith.constant 32 : index
        %get3A_608 = tpu.vector_load %arg8[%get3A_606, %get3A_607] {strides = array<i32>} : memref<400x64xbf16, #tpu.memory_space<vmem>>, vector<32xbf16>,
        %bitcast3A_609 = vector.bitcast %get3A_608 : vector<32xbf16> to vector<16xi32>
        %shift_left3A_610 = arith.constant 16 : i32
        %shift_left3A_611 = vector.broadcast %shift_left3A_610 : i32 to vector<16xi32>
        %shift_left3A_612 = arith.shli %bitcast3A_609, %shift_left3A_611 : vector<16xi32>
        %bitcast3A_613 = vector.bitcast %shift_left3A_612 : vector<16xi32> to vector<16xf32>
        %bitcast3A_614 = vector.bitcast %bitcast3A_609 : vector<16xi32> to vector<16xf32>
        %add3A_615 = arith.addf %add3A_563, %bitcast3A_613 : vector<16xf32>
        %add3A_616 = arith.addf %add3A_564, %bitcast3A_614 : vector<16xf32>
        scf.yield %add3A_576, %add3A_577, %add3A_589, %add3A_590, %add3A_602, %add3A_603, %add3A_615, %add3A_616 : vector<16xf32>, vector<16xf32>, vector<16xf32>, vector<16xf32>, vector<16xf32>, vector<16xf32>, vector<16xf32>, vector<16xf32>
      }
      %scan3A_388 = arith.constant 50 : i32
      %rem3A_389 = arith.constant 32 : i32
      %rem3A_390 = arith.remsi %add3A_380, %rem3A_389 : i32
      %add3A_391 = arith.addf %scan3A_387#0, %scan3A_387#4 : vector<16xf32>
      %swap3A_392 = arith.index_cast %rem3A_390 : i32 to index
      %swap3A_393 = arith.constant 0 : index
      %swap3A_394 = tpu.vector_load %arg10[%swap3A_392, %swap3A_393] {strides = array<i32>} : memref<32x64xf32, #tpu.memory_space<vmem>>, vector<16xf32>,
      tpu.vector_store %arg10[%swap3A_392, %swap3A_393], %add3A_391 {strides = array<i32>} : memref<32x64xf32, #tpu.memory_space<vmem>>, vector<16xf32>,
      %add3A_395 = arith.addf %scan3A_387#1, %scan3A_387#5 : vector<16xf32>
      %swap3A_396 = arith.index_cast %rem3A_390 : i32 to index
      %swap3A_397 = arith.constant 16 : index
      %swap3A_398 = tpu.vector_load %arg10[%swap3A_396, %swap3A_397] {strides = array<i32>} : memref<32x64xf32, #tpu.memory_space<vmem>>, vector<16xf32>,
      tpu.vector_store %arg10[%swap3A_396, %swap3A_397], %add3A_395 {strides = array<i32>} : memref<32x64xf32, #tpu.memory_space<vmem>>, vector<16xf32>,
      %add3A_399 = arith.addf %scan3A_387#2, %scan3A_387#6 : vector<16xf32>
      %swap3A_400 = arith.index_cast %rem3A_390 : i32 to index
      %swap3A_401 = arith.constant 32 : index
      %swap3A_402 = tpu.vector_load %arg10[%swap3A_400, %swap3A_401] {strides = array<i32>} : memref<32x64xf32, #tpu.memory_space<vmem>>, vector<16xf32>,
      tpu.vector_store %arg10[%swap3A_400, %swap3A_401], %add3A_399 {strides = array<i32>} : memref<32x64xf32, #tpu.memory_space<vmem>>, vector<16xf32>,
      %add3A_403 = arith.addf %scan3A_387#3, %scan3A_387#7 : vector<16xf32>
      %swap3A_404 = arith.index_cast %rem3A_390 : i32 to index
      %swap3A_405 = arith.constant 48 : index
      %swap3A_406 = tpu.vector_load %arg10[%swap3A_404, %swap3A_405] {strides = array<i32>} : memref<32x64xf32, #tpu.memory_space<vmem>>, vector<16xf32>,
      tpu.vector_store %arg10[%swap3A_404, %swap3A_405], %add3A_403 {strides = array<i32>} : memref<32x64xf32, #tpu.memory_space<vmem>>, vector<16xf32>,
      %add3A_407 = arith.constant 4 : i32
      %add3A_408 = arith.addi %add3A_342, %add3A_407 : i32
      %lt3A_409 = arith.constant 256 : i32
      %lt3A_410 = arith.cmpi slt, %add3A_408, %lt3A_409 : i32
      %convert_element_type3A_411 = arith.extui %lt3A_410 : i1 to i32
      %cond3A_412 = arith.constant 0 : i32
      %cond3A_413 = arith.cmpi ne, %convert_element_type3A_411, %cond3A_412 : i32
      scf.if %cond3A_413 {
        %add3A_503 = arith.constant 4 : i32
        %add3A_504 = arith.addi %add3A_342, %add3A_503 : i32
        %rem3A_505 = arith.constant 16 : i32
        %rem3A_506 = arith.remsi %add3A_504, %rem3A_505 : i32
        %eq3A_507 = arith.constant 0 : i32
        %eq3A_508 = arith.cmpi eq, %rem3A_506, %eq3A_507 : i32
        %convert_element_type3A_509 = arith.extui %eq3A_508 : i1 to i32
        %cond3A_510 = arith.constant 0 : i32
        %cond3A_511 = arith.cmpi ne, %convert_element_type3A_509, %cond3A_510 : i32
        scf.if %cond3A_511 {
          %add3A_562 = arith.constant 4 : i32
          %add3A_563 = arith.addi %add3A_342, %add3A_562 : i32
          %jit3A = arith.constant 16 : i32
          %div3A = arith.divsi %add3A_563, %jit3A : i32
          %sign3A = arith.constant 0 : i32
          %sign3A_564 = arith.cmpi sgt, %add3A_563, %sign3A : i32
          %sign3A_565 = arith.extui %sign3A_564 : i1 to i32
          %sign3A_566 = arith.constant 0 : i32
          %sign3A_567 = arith.cmpi slt, %add3A_563, %sign3A_566 : i32
          %sign3A_568 = arith.extui %sign3A_567 : i1 to i32
          %sign3A_569 = arith.subi %sign3A_565, %sign3A_568 : i32
          %sign3A_570 = arith.constant 0 : i32
          %sign3A_571 = arith.cmpi sgt, %jit3A, %sign3A_570 : i32
          %sign3A_572 = arith.extui %sign3A_571 : i1 to i32
          %sign3A_573 = arith.constant 0 : i32
          %sign3A_574 = arith.cmpi slt, %jit3A, %sign3A_573 : i32
          %sign3A_575 = arith.extui %sign3A_574 : i1 to i32
          %sign3A_576 = arith.subi %sign3A_572, %sign3A_575 : i32
          %ne3A = arith.cmpi ne, %sign3A_569, %sign3A_576 : i32
          %rem3A_577 = arith.remsi %add3A_563, %jit3A : i32
          %ne3A_578 = arith.constant 0 : i32
          %ne3A_579 = arith.cmpi ne, %rem3A_577, %ne3A_578 : i32
          %and3A = arith.andi %ne3A, %ne3A_579 : i1
          %sub3A = arith.constant 1 : i32
          %sub3A_580 = arith.subi %div3A, %sub3A : i32
          %select_n3A = arith.select %and3A, %sub3A_580, %div3A : i32
          %rem3A_581 = arith.constant 2 : i32
          %rem3A_582 = arith.remsi %select_n3A, %rem3A_581 : i32
          %mul3A_583 = arith.constant 32 : i32
          %mul3A_584 = arith.muli %rem3A_582, %mul3A_583 : i32
          %mul3A_585 = arith.constant 32 : i32
          %mul3A_586 = arith.muli %select_n3A, %mul3A_585 : i32
          %add3A_587 = arith.addi %mul3A_2, %mul3A_586 : i32
          "tpu.region"() ({
            %run_scoped3A = tpu.sem_alloc : memref<!tpu.dma_semaphore, #tpu.memory_space<semaphore_mem>>
            %dma_start3A_588 = arith.constant 0 : i32
            %dma_start3A_589 = tpu.memref_slice %arg5[%mul3A_584, %dma_start3A_588] : memref<64x200xi32, #tpu.memory_space<vmem>> -> memref<32x200xi32, #tpu.memory_space<vmem>>
            %dma_start3A_590 = arith.constant 0 : i32
            %dma_start3A_591 = tpu.memref_slice %arg2[%add3A_587, %dma_start3A_590] : memref<16384x200xi32, #tpu.memory_space<hbm>> -> memref<32x200xi32, #tpu.memory_space<hbm>>
            %dma_start3A_592 = arith.constant 0 : i32
            %dma_start3A_593 = tpu.memref_slice %arg5[%mul3A_584, %dma_start3A_592] : memref<64x200xi32, #tpu.memory_space<vmem>> -> memref<32x200xi32, #tpu.memory_space<vmem>>
            %dma_start3A_594 = arith.constant 0 : i32
            %dma_start3A_595 = tpu.memref_slice %arg2[%add3A_587, %dma_start3A_594] : memref<16384x200xi32, #tpu.memory_space<hbm>> -> memref<32x200xi32, #tpu.memory_space<hbm>>
            tpu.enqueue_dma source(%dma_start3A_595 : memref<32x200xi32, #tpu.memory_space<hbm>>) target(%dma_start3A_593 : memref<32x200xi32, #tpu.memory_space<vmem>>) target_semaphore(%run_scoped3A : memref<!tpu.dma_semaphore, #tpu.memory_space<semaphore_mem>>)
            %dma_wait3A_596 = arith.constant 0 : i32
            %dma_wait3A_597 = tpu.memref_slice %arg5[%mul3A_584, %dma_wait3A_596] : memref<64x200xi32, #tpu.memory_space<vmem>> -> memref<32x200xi32, #tpu.memory_space<vmem>>
            %dma_wait3A_598 = arith.constant 0 : i32
            %dma_wait3A_599 = tpu.memref_slice %arg2[%add3A_587, %dma_wait3A_598] : memref<16384x200xi32, #tpu.memory_space<hbm>> -> memref<32x200xi32, #tpu.memory_space<hbm>>
            %dma_wait3A_600 = arith.constant 0 : i32
            %dma_wait3A_601 = tpu.memref_slice %arg5[%mul3A_584, %dma_wait3A_600] : memref<64x200xi32, #tpu.memory_space<vmem>> -> memref<32x200xi32, #tpu.memory_space<vmem>>
            %dma_wait3A_602 = arith.constant 0 : i32
            %dma_wait3A_603 = tpu.memref_slice %arg2[%add3A_587, %dma_wait3A_602] : memref<16384x200xi32, #tpu.memory_space<hbm>> -> memref<32x200xi32, #tpu.memory_space<hbm>>
            tpu.wait_dma2 semaphore(%run_scoped3A : memref<!tpu.dma_semaphore, #tpu.memory_space<semaphore_mem>>) src(%dma_wait3A_603 : memref<32x200xi32, #tpu.memory_space<hbm>>) dst(%dma_wait3A_601 : memref<32x200xi32, #tpu.memory_space<vmem>>)
            tpu.yield
          }) : () -> ()
        } else {
        }
        %add3A_512 = arith.constant 4 : i32
        %add3A_513 = arith.addi %add3A_342, %add3A_512 : i32
        %mul3A_514 = arith.constant 2 : i32
        %mul3A_515 = arith.muli %mul3A_514, %add3A_513 : i32
        %add3A_516 = arith.constant 0 : i32
        %add3A_517 = arith.addi %mul3A_515, %add3A_516 : i32
        %rem3A_518 = arith.constant 64 : i32
        %rem3A_519 = arith.remsi %add3A_517, %rem3A_518 : i32
        %dma_start3A_520 = arith.constant 0 : i32
        %dma_start3A_521 = arith.constant 0 : i32
        %dma_start3A_522 = tpu.memref_slice %arg8[%dma_start3A_520, %dma_start3A_521] : memref<400x64xbf16, #tpu.memory_space<vmem>> -> memref<128x64xbf16, #tpu.memory_space<vmem>>
        %dma_start3A_523 = arith.constant 0 : i32
        %dma_start3A_524 = tpu.memref_slice %arg5[%rem3A_519, %dma_start3A_523] : memref<64x200xi32, #tpu.memory_space<vmem>> -> memref<1x128xi32, #tpu.memory_space<vmem>>
        %dma_start3A_525 = tpu.memref_squeeze %dma_start3A_524 : memref<1x128xi32, #tpu.memory_space<vmem>> -> memref<128xi32, #tpu.memory_space<vmem>>
        %dma_start3A_526 = arith.constant 0 : i32
        %dma_start3A_527 = arith.constant 0 : i32
        %dma_start3A_528 = tpu.memref_slice %arg3[%dma_start3A_526, %dma_start3A_527] : memref<100000x64xbf16, #tpu.memory_space<hbm>> -> memref<100000x64xbf16, #tpu.memory_space<hbm>>
        tpu.enqueue_indirect_dma source(%dma_start3A_528 : memref<100000x64xbf16, #tpu.memory_space<hbm>>) target(%dma_start3A_522 : memref<128x64xbf16, #tpu.memory_space<vmem>>) offsets(%dma_start3A_525 : memref<128xi32, #tpu.memory_space<vmem>>) semaphore(%arg13 : memref<!tpu.dma_semaphore, #tpu.memory_space<semaphore_mem>>)
        %dma_start3A_529 = arith.constant 128 : i32
        %dma_start3A_530 = arith.constant 0 : i32
        %dma_start3A_531 = tpu.memref_slice %arg8[%dma_start3A_529, %dma_start3A_530] : memref<400x64xbf16, #tpu.memory_space<vmem>> -> memref<72x64xbf16, #tpu.memory_space<vmem>>
        %dma_start3A_532 = arith.constant 128 : i32
        %dma_start3A_533 = tpu.memref_slice %arg5[%rem3A_519, %dma_start3A_532] : memref<64x200xi32, #tpu.memory_space<vmem>> -> memref<1x72xi32, #tpu.memory_space<vmem>>
        %dma_start3A_534 = tpu.memref_squeeze %dma_start3A_533 : memref<1x72xi32, #tpu.memory_space<vmem>> -> memref<72xi32, #tpu.memory_space<vmem>>
        %dma_start3A_535 = arith.constant 0 : i32
        %dma_start3A_536 = arith.constant 0 : i32
        %dma_start3A_537 = tpu.memref_slice %arg3[%dma_start3A_535, %dma_start3A_536] : memref<100000x64xbf16, #tpu.memory_space<hbm>> -> memref<100000x64xbf16, #tpu.memory_space<hbm>>
        tpu.enqueue_indirect_dma source(%dma_start3A_537 : memref<100000x64xbf16, #tpu.memory_space<hbm>>) target(%dma_start3A_531 : memref<72x64xbf16, #tpu.memory_space<vmem>>) offsets(%dma_start3A_534 : memref<72xi32, #tpu.memory_space<vmem>>) semaphore(%arg13 : memref<!tpu.dma_semaphore, #tpu.memory_space<semaphore_mem>>)
        %mul3A_538 = arith.constant 2 : i32
        %mul3A_539 = arith.muli %mul3A_538, %add3A_513 : i32
        %add3A_540 = arith.constant 1 : i32
        %add3A_541 = arith.addi %mul3A_539, %add3A_540 : i32
        %rem3A_542 = arith.constant 64 : i32
        %rem3A_543 = arith.remsi %add3A_541, %rem3A_542 : i32
        %dma_start3A_544 = arith.constant 200 : i32
        %dma_start3A_545 = arith.constant 0 : i32
        %dma_start3A_546 = tpu.memref_slice %arg8[%dma_start3A_544, %dma_start3A_545] : memref<400x64xbf16, #tpu.memory_space<vmem>> -> memref<128x64xbf16, #tpu.memory_space<vmem>>
        %dma_start3A_547 = arith.constant 0 : i32
        %dma_start3A_548 = tpu.memref_slice %arg5[%rem3A_543, %dma_start3A_547] : memref<64x200xi32, #tpu.memory_space<vmem>> -> memref<1x128xi32, #tpu.memory_space<vmem>>
        %dma_start3A_549 = tpu.memref_squeeze %dma_start3A_548 : memref<1x128xi32, #tpu.memory_space<vmem>> -> memref<128xi32, #tpu.memory_space<vmem>>
        %dma_start3A_550 = arith.constant 0 : i32
        %dma_start3A_551 = arith.constant 0 : i32
        %dma_start3A_552 = tpu.memref_slice %arg3[%dma_start3A_550, %dma_start3A_551] : memref<100000x64xbf16, #tpu.memory_space<hbm>> -> memref<100000x64xbf16, #tpu.memory_space<hbm>>
        tpu.enqueue_indirect_dma source(%dma_start3A_552 : memref<100000x64xbf16, #tpu.memory_space<hbm>>) target(%dma_start3A_546 : memref<128x64xbf16, #tpu.memory_space<vmem>>) offsets(%dma_start3A_549 : memref<128xi32, #tpu.memory_space<vmem>>) semaphore(%arg13 : memref<!tpu.dma_semaphore, #tpu.memory_space<semaphore_mem>>)
        %dma_start3A_553 = arith.constant 328 : i32
        %dma_start3A_554 = arith.constant 0 : i32
        %dma_start3A_555 = tpu.memref_slice %arg8[%dma_start3A_553, %dma_start3A_554] : memref<400x64xbf16, #tpu.memory_space<vmem>> -> memref<72x64xbf16, #tpu.memory_space<vmem>>
        %dma_start3A_556 = arith.constant 128 : i32
        %dma_start3A_557 = tpu.memref_slice %arg5[%rem3A_543, %dma_start3A_556] : memref<64x200xi32, #tpu.memory_space<vmem>> -> memref<1x72xi32, #tpu.memory_space<vmem>>
        %dma_start3A_558 = tpu.memref_squeeze %dma_start3A_557 : memref<1x72xi32, #tpu.memory_space<vmem>> -> memref<72xi32, #tpu.memory_space<vmem>>
        %dma_start3A_559 = arith.constant 0 : i32
        %dma_start3A_560 = arith.constant 0 : i32
        %dma_start3A_561 = tpu.memref_slice %arg3[%dma_start3A_559, %dma_start3A_560] : memref<100000x64xbf16, #tpu.memory_space<hbm>> -> memref<100000x64xbf16, #tpu.memory_space<hbm>>
        tpu.enqueue_indirect_dma source(%dma_start3A_561 : memref<100000x64xbf16, #tpu.memory_space<hbm>>) target(%dma_start3A_555 : memref<72x64xbf16, #tpu.memory_space<vmem>>) offsets(%dma_start3A_558 : memref<72xi32, #tpu.memory_space<vmem>>) semaphore(%arg13 : memref<!tpu.dma_semaphore, #tpu.memory_space<semaphore_mem>>)
      } else {
      }
      %rem3A_414 = arith.constant 16 : i32
      %rem3A_415 = arith.remsi %add3A_342, %rem3A_414 : i32
      %eq3A_416 = arith.constant 15 : i32
      %eq3A_417 = arith.cmpi eq, %rem3A_415, %eq3A_416 : i32
      %convert_element_type3A_418 = arith.extui %eq3A_417 : i1 to i32
      %cond3A_419 = arith.constant 0 : i32
      %cond3A_420 = arith.cmpi ne, %convert_element_type3A_418, %cond3A_419 : i32
      scf.if %cond3A_420 {
        %mul3A_503 = arith.constant 2 : i32
        %mul3A_504 = arith.muli %mul3A_503, %add3A_342 : i32
        %add3A_505 = arith.constant 1 : i32
        %add3A_506 = arith.addi %mul3A_504, %add3A_505 : i32
        %sub3A = arith.constant 31 : i32
        %sub3A_507 = arith.subi %add3A_506, %sub3A : i32
        %add3A_508 = arith.addi %mul3A_2, %sub3A_507 : i32
        "tpu.region"() ({
          %run_scoped3A = tpu.sem_alloc : memref<!tpu.dma_semaphore, #tpu.memory_space<semaphore_mem>>
          %dma_start3A_509 = arith.constant 0 : i32
          %dma_start3A_510 = tpu.memref_slice %arg4[%add3A_508, %dma_start3A_509] : memref<16384x64xf32, #tpu.memory_space<hbm>> -> memref<32x64xf32, #tpu.memory_space<hbm>>
          %dma_start3A_511 = arith.constant 0 : i32
          %dma_start3A_512 = tpu.memref_slice %arg4[%add3A_508, %dma_start3A_511] : memref<16384x64xf32, #tpu.memory_space<hbm>> -> memref<32x64xf32, #tpu.memory_space<hbm>>
          tpu.enqueue_dma source(%arg10 : memref<32x64xf32, #tpu.memory_space<vmem>>) target(%dma_start3A_512 : memref<32x64xf32, #tpu.memory_space<hbm>>) target_semaphore(%run_scoped3A : memref<!tpu.dma_semaphore, #tpu.memory_space<semaphore_mem>>)
          %dma_wait3A_513 = arith.constant 0 : i32
          %dma_wait3A_514 = tpu.memref_slice %arg4[%add3A_508, %dma_wait3A_513] : memref<16384x64xf32, #tpu.memory_space<hbm>> -> memref<32x64xf32, #tpu.memory_space<hbm>>
          %dma_wait3A_515 = arith.constant 0 : i32
          %dma_wait3A_516 = tpu.memref_slice %arg4[%add3A_508, %dma_wait3A_515] : memref<16384x64xf32, #tpu.memory_space<hbm>> -> memref<32x64xf32, #tpu.memory_space<hbm>>
          tpu.wait_dma2 semaphore(%run_scoped3A : memref<!tpu.dma_semaphore, #tpu.memory_space<semaphore_mem>>) src(%arg10 : memref<32x64xf32, #tpu.memory_space<vmem>>) dst(%dma_wait3A_516 : memref<32x64xf32, #tpu.memory_space<hbm>>)
          tpu.yield
        }) : () -> ()
      } else {
      }
      %mul3A_421 = arith.constant 4 : i32
      %mul3A_422 = arith.muli %scan3A_181, %mul3A_421 : i32
      %add3A_423 = arith.constant 3 : i32
      %add3A_424 = arith.addi %mul3A_422, %add3A_423 : i32
      %dma_wait3A_425 = arith.constant 0 : i32
      %dma_wait3A_426 = arith.constant 0 : i32
      %dma_wait3A_427 = tpu.memref_slice %arg3[%dma_wait3A_425, %dma_wait3A_426] : memref<100000x64xbf16, #tpu.memory_space<hbm>> -> memref<400x64xbf16, #tpu.memory_space<hbm>>
      %dma_wait3A_428 = arith.constant 0 : i32
      %dma_wait3A_429 = arith.constant 0 : i32
      %dma_wait3A_430 = tpu.memref_slice %arg3[%dma_wait3A_428, %dma_wait3A_429] : memref<100000x64xbf16, #tpu.memory_space<hbm>> -> memref<400x64xbf16, #tpu.memory_space<hbm>>
      tpu.wait_dma2 semaphore(%arg14 : memref<!tpu.dma_semaphore, #tpu.memory_space<semaphore_mem>>) src(%dma_wait3A_430 : memref<400x64xbf16, #tpu.memory_space<hbm>>) dst(%arg9 : memref<400x64xbf16, #tpu.memory_space<vmem>>)
      %mul3A_431 = arith.constant 2 : i32
      %mul3A_432 = arith.muli %mul3A_431, %add3A_424 : i32
      %broadcast_in_dim3A_433 = arith.constant 0.000000e+00 : f32
      %broadcast_in_dim3A_434 = vector.broadcast %broadcast_in_dim3A_433 : f32 to vector<16xf32>
      %scan3A_435 = arith.constant 0 : i32
      %scan3A_436 = arith.constant 50 : i32
      %scan3A_437 = arith.addi %scan3A_435, %scan3A_436 : i32
      %scan3A_438 = arith.constant 1 : i32
      %scan3A_439:8 = scf.for %scan3A_503 = %scan3A_435 to %scan3A_437 step %scan3A_438 iter_args(%scan3A_504 = %broadcast_in_dim3A_434, %scan3A_505 = %broadcast_in_dim3A_434, %scan3A_506 = %broadcast_in_dim3A_434, %scan3A_507 = %broadcast_in_dim3A_434, %scan3A_508 = %broadcast_in_dim3A_434, %scan3A_509 = %broadcast_in_dim3A_434, %scan3A_510 = %broadcast_in_dim3A_434, %scan3A_511 = %broadcast_in_dim3A_434) -> (vector<16xf32>, vector<16xf32>, vector<16xf32>, vector<16xf32>, vector<16xf32>, vector<16xf32>, vector<16xf32>, vector<16xf32>)  : i32 {
        %mul3A_512 = arith.constant 4 : i32
        %mul3A_513 = arith.muli %scan3A_503, %mul3A_512 : i32
        %add3A_514 = arith.constant 0 : i32
        %add3A_515 = arith.addi %add3A_514, %mul3A_513 : i32
        %add3A_516 = arith.constant 0 : i32
        %add3A_517 = arith.addi %add3A_515, %add3A_516 : i32
        %get3A = arith.index_cast %add3A_517 : i32 to index
        %get3A_518 = arith.constant 0 : index
        %get3A_519 = tpu.vector_load %arg9[%get3A, %get3A_518] {strides = array<i32>} : memref<400x64xbf16, #tpu.memory_space<vmem>>, vector<32xbf16>,
        %bitcast3A = vector.bitcast %get3A_519 : vector<32xbf16> to vector<16xi32>
        %shift_left3A = arith.constant 16 : i32
        %shift_left3A_520 = vector.broadcast %shift_left3A : i32 to vector<16xi32>
        %shift_left3A_521 = arith.shli %bitcast3A, %shift_left3A_520 : vector<16xi32>
        %bitcast3A_522 = vector.bitcast %shift_left3A_521 : vector<16xi32> to vector<16xf32>
        %bitcast3A_523 = vector.bitcast %bitcast3A : vector<16xi32> to vector<16xf32>
        %add3A_524 = arith.addf %scan3A_504, %bitcast3A_522 : vector<16xf32>
        %add3A_525 = arith.addf %scan3A_505, %bitcast3A_523 : vector<16xf32>
        %add3A_526 = arith.constant 0 : i32
        %add3A_527 = arith.addi %add3A_515, %add3A_526 : i32
        %get3A_528 = arith.index_cast %add3A_527 : i32 to index
        %get3A_529 = arith.constant 32 : index
        %get3A_530 = tpu.vector_load %arg9[%get3A_528, %get3A_529] {strides = array<i32>} : memref<400x64xbf16, #tpu.memory_space<vmem>>, vector<32xbf16>,
        %bitcast3A_531 = vector.bitcast %get3A_530 : vector<32xbf16> to vector<16xi32>
        %shift_left3A_532 = arith.constant 16 : i32
        %shift_left3A_533 = vector.broadcast %shift_left3A_532 : i32 to vector<16xi32>
        %shift_left3A_534 = arith.shli %bitcast3A_531, %shift_left3A_533 : vector<16xi32>
        %bitcast3A_535 = vector.bitcast %shift_left3A_534 : vector<16xi32> to vector<16xf32>
        %bitcast3A_536 = vector.bitcast %bitcast3A_531 : vector<16xi32> to vector<16xf32>
        %add3A_537 = arith.addf %scan3A_506, %bitcast3A_535 : vector<16xf32>
        %add3A_538 = arith.addf %scan3A_507, %bitcast3A_536 : vector<16xf32>
        %add3A_539 = arith.constant 1 : i32
        %add3A_540 = arith.addi %add3A_515, %add3A_539 : i32
        %get3A_541 = arith.index_cast %add3A_540 : i32 to index
        %get3A_542 = arith.constant 0 : index
        %get3A_543 = tpu.vector_load %arg9[%get3A_541, %get3A_542] {strides = array<i32>} : memref<400x64xbf16, #tpu.memory_space<vmem>>, vector<32xbf16>,
        %bitcast3A_544 = vector.bitcast %get3A_543 : vector<32xbf16> to vector<16xi32>
        %shift_left3A_545 = arith.constant 16 : i32
        %shift_left3A_546 = vector.broadcast %shift_left3A_545 : i32 to vector<16xi32>
        %shift_left3A_547 = arith.shli %bitcast3A_544, %shift_left3A_546 : vector<16xi32>
        %bitcast3A_548 = vector.bitcast %shift_left3A_547 : vector<16xi32> to vector<16xf32>
        %bitcast3A_549 = vector.bitcast %bitcast3A_544 : vector<16xi32> to vector<16xf32>
        %add3A_550 = arith.addf %scan3A_508, %bitcast3A_548 : vector<16xf32>
        %add3A_551 = arith.addf %scan3A_509, %bitcast3A_549 : vector<16xf32>
        %add3A_552 = arith.constant 1 : i32
        %add3A_553 = arith.addi %add3A_515, %add3A_552 : i32
        %get3A_554 = arith.index_cast %add3A_553 : i32 to index
        %get3A_555 = arith.constant 32 : index
        %get3A_556 = tpu.vector_load %arg9[%get3A_554, %get3A_555] {strides = array<i32>} : memref<400x64xbf16, #tpu.memory_space<vmem>>, vector<32xbf16>,
        %bitcast3A_557 = vector.bitcast %get3A_556 : vector<32xbf16> to vector<16xi32>
        %shift_left3A_558 = arith.constant 16 : i32
        %shift_left3A_559 = vector.broadcast %shift_left3A_558 : i32 to vector<16xi32>
        %shift_left3A_560 = arith.shli %bitcast3A_557, %shift_left3A_559 : vector<16xi32>
        %bitcast3A_561 = vector.bitcast %shift_left3A_560 : vector<16xi32> to vector<16xf32>
        %bitcast3A_562 = vector.bitcast %bitcast3A_557 : vector<16xi32> to vector<16xf32>
        %add3A_563 = arith.addf %scan3A_510, %bitcast3A_561 : vector<16xf32>
        %add3A_564 = arith.addf %scan3A_511, %bitcast3A_562 : vector<16xf32>
        %add3A_565 = arith.constant 2 : i32
        %add3A_566 = arith.addi %add3A_515, %add3A_565 : i32
        %get3A_567 = arith.index_cast %add3A_566 : i32 to index
        %get3A_568 = arith.constant 0 : index
        %get3A_569 = tpu.vector_load %arg9[%get3A_567, %get3A_568] {strides = array<i32>} : memref<400x64xbf16, #tpu.memory_space<vmem>>, vector<32xbf16>,
        %bitcast3A_570 = vector.bitcast %get3A_569 : vector<32xbf16> to vector<16xi32>
        %shift_left3A_571 = arith.constant 16 : i32
        %shift_left3A_572 = vector.broadcast %shift_left3A_571 : i32 to vector<16xi32>
        %shift_left3A_573 = arith.shli %bitcast3A_570, %shift_left3A_572 : vector<16xi32>
        %bitcast3A_574 = vector.bitcast %shift_left3A_573 : vector<16xi32> to vector<16xf32>
        %bitcast3A_575 = vector.bitcast %bitcast3A_570 : vector<16xi32> to vector<16xf32>
        %add3A_576 = arith.addf %add3A_524, %bitcast3A_574 : vector<16xf32>
        %add3A_577 = arith.addf %add3A_525, %bitcast3A_575 : vector<16xf32>
        %add3A_578 = arith.constant 2 : i32
        %add3A_579 = arith.addi %add3A_515, %add3A_578 : i32
        %get3A_580 = arith.index_cast %add3A_579 : i32 to index
        %get3A_581 = arith.constant 32 : index
        %get3A_582 = tpu.vector_load %arg9[%get3A_580, %get3A_581] {strides = array<i32>} : memref<400x64xbf16, #tpu.memory_space<vmem>>, vector<32xbf16>,
        %bitcast3A_583 = vector.bitcast %get3A_582 : vector<32xbf16> to vector<16xi32>
        %shift_left3A_584 = arith.constant 16 : i32
        %shift_left3A_585 = vector.broadcast %shift_left3A_584 : i32 to vector<16xi32>
        %shift_left3A_586 = arith.shli %bitcast3A_583, %shift_left3A_585 : vector<16xi32>
        %bitcast3A_587 = vector.bitcast %shift_left3A_586 : vector<16xi32> to vector<16xf32>
        %bitcast3A_588 = vector.bitcast %bitcast3A_583 : vector<16xi32> to vector<16xf32>
        %add3A_589 = arith.addf %add3A_537, %bitcast3A_587 : vector<16xf32>
        %add3A_590 = arith.addf %add3A_538, %bitcast3A_588 : vector<16xf32>
        %add3A_591 = arith.constant 3 : i32
        %add3A_592 = arith.addi %add3A_515, %add3A_591 : i32
        %get3A_593 = arith.index_cast %add3A_592 : i32 to index
        %get3A_594 = arith.constant 0 : index
        %get3A_595 = tpu.vector_load %arg9[%get3A_593, %get3A_594] {strides = array<i32>} : memref<400x64xbf16, #tpu.memory_space<vmem>>, vector<32xbf16>,
        %bitcast3A_596 = vector.bitcast %get3A_595 : vector<32xbf16> to vector<16xi32>
        %shift_left3A_597 = arith.constant 16 : i32
        %shift_left3A_598 = vector.broadcast %shift_left3A_597 : i32 to vector<16xi32>
        %shift_left3A_599 = arith.shli %bitcast3A_596, %shift_left3A_598 : vector<16xi32>
        %bitcast3A_600 = vector.bitcast %shift_left3A_599 : vector<16xi32> to vector<16xf32>
        %bitcast3A_601 = vector.bitcast %bitcast3A_596 : vector<16xi32> to vector<16xf32>
        %add3A_602 = arith.addf %add3A_550, %bitcast3A_600 : vector<16xf32>
        %add3A_603 = arith.addf %add3A_551, %bitcast3A_601 : vector<16xf32>
        %add3A_604 = arith.constant 3 : i32
        %add3A_605 = arith.addi %add3A_515, %add3A_604 : i32
        %get3A_606 = arith.index_cast %add3A_605 : i32 to index
        %get3A_607 = arith.constant 32 : index
        %get3A_608 = tpu.vector_load %arg9[%get3A_606, %get3A_607] {strides = array<i32>} : memref<400x64xbf16, #tpu.memory_space<vmem>>, vector<32xbf16>,
        %bitcast3A_609 = vector.bitcast %get3A_608 : vector<32xbf16> to vector<16xi32>
        %shift_left3A_610 = arith.constant 16 : i32
        %shift_left3A_611 = vector.broadcast %shift_left3A_610 : i32 to vector<16xi32>
        %shift_left3A_612 = arith.shli %bitcast3A_609, %shift_left3A_611 : vector<16xi32>
        %bitcast3A_613 = vector.bitcast %shift_left3A_612 : vector<16xi32> to vector<16xf32>
        %bitcast3A_614 = vector.bitcast %bitcast3A_609 : vector<16xi32> to vector<16xf32>
        %add3A_615 = arith.addf %add3A_563, %bitcast3A_613 : vector<16xf32>
        %add3A_616 = arith.addf %add3A_564, %bitcast3A_614 : vector<16xf32>
        scf.yield %add3A_576, %add3A_577, %add3A_589, %add3A_590, %add3A_602, %add3A_603, %add3A_615, %add3A_616 : vector<16xf32>, vector<16xf32>, vector<16xf32>, vector<16xf32>, vector<16xf32>, vector<16xf32>, vector<16xf32>, vector<16xf32>
      }
      %scan3A_440 = arith.constant 50 : i32
      %rem3A_441 = arith.constant 32 : i32
      %rem3A_442 = arith.remsi %mul3A_432, %rem3A_441 : i32
      %add3A_443 = arith.addf %scan3A_439#0, %scan3A_439#4 : vector<16xf32>
      %swap3A_444 = arith.index_cast %rem3A_442 : i32 to index
      %swap3A_445 = arith.constant 0 : index
      %swap3A_446 = tpu.vector_load %arg10[%swap3A_444, %swap3A_445] {strides = array<i32>} : memref<32x64xf32, #tpu.memory_space<vmem>>, vector<16xf32>,
      tpu.vector_store %arg10[%swap3A_444, %swap3A_445], %add3A_443 {strides = array<i32>} : memref<32x64xf32, #tpu.memory_space<vmem>>, vector<16xf32>,
      %add3A_447 = arith.addf %scan3A_439#1, %scan3A_439#5 : vector<16xf32>
      %swap3A_448 = arith.index_cast %rem3A_442 : i32 to index
      %swap3A_449 = arith.constant 16 : index
      %swap3A_450 = tpu.vector_load %arg10[%swap3A_448, %swap3A_449] {strides = array<i32>} : memref<32x64xf32, #tpu.memory_space<vmem>>, vector<16xf32>,
      tpu.vector_store %arg10[%swap3A_448, %swap3A_449], %add3A_447 {strides = array<i32>} : memref<32x64xf32, #tpu.memory_space<vmem>>, vector<16xf32>,
      %add3A_451 = arith.addf %scan3A_439#2, %scan3A_439#6 : vector<16xf32>
      %swap3A_452 = arith.index_cast %rem3A_442 : i32 to index
      %swap3A_453 = arith.constant 32 : index
      %swap3A_454 = tpu.vector_load %arg10[%swap3A_452, %swap3A_453] {strides = array<i32>} : memref<32x64xf32, #tpu.memory_space<vmem>>, vector<16xf32>,
      tpu.vector_store %arg10[%swap3A_452, %swap3A_453], %add3A_451 {strides = array<i32>} : memref<32x64xf32, #tpu.memory_space<vmem>>, vector<16xf32>,
      %add3A_455 = arith.addf %scan3A_439#3, %scan3A_439#7 : vector<16xf32>
      %swap3A_456 = arith.index_cast %rem3A_442 : i32 to index
      %swap3A_457 = arith.constant 48 : index
      %swap3A_458 = tpu.vector_load %arg10[%swap3A_456, %swap3A_457] {strides = array<i32>} : memref<32x64xf32, #tpu.memory_space<vmem>>, vector<16xf32>,
      tpu.vector_store %arg10[%swap3A_456, %swap3A_457], %add3A_455 {strides = array<i32>} : memref<32x64xf32, #tpu.memory_space<vmem>>, vector<16xf32>,
      %mul3A_459 = arith.constant 2 : i32
      %mul3A_460 = arith.muli %mul3A_459, %add3A_424 : i32
      %add3A_461 = arith.constant 1 : i32
      %add3A_462 = arith.addi %mul3A_460, %add3A_461 : i32
      %broadcast_in_dim3A_463 = arith.constant 0.000000e+00 : f32
      %broadcast_in_dim3A_464 = vector.broadcast %broadcast_in_dim3A_463 : f32 to vector<16xf32>
      %scan3A_465 = arith.constant 0 : i32
      %scan3A_466 = arith.constant 50 : i32
      %scan3A_467 = arith.addi %scan3A_465, %scan3A_466 : i32
      %scan3A_468 = arith.constant 1 : i32
      %scan3A_469:8 = scf.for %scan3A_503 = %scan3A_465 to %scan3A_467 step %scan3A_468 iter_args(%scan3A_504 = %broadcast_in_dim3A_464, %scan3A_505 = %broadcast_in_dim3A_464, %scan3A_506 = %broadcast_in_dim3A_464, %scan3A_507 = %broadcast_in_dim3A_464, %scan3A_508 = %broadcast_in_dim3A_464, %scan3A_509 = %broadcast_in_dim3A_464, %scan3A_510 = %broadcast_in_dim3A_464, %scan3A_511 = %broadcast_in_dim3A_464) -> (vector<16xf32>, vector<16xf32>, vector<16xf32>, vector<16xf32>, vector<16xf32>, vector<16xf32>, vector<16xf32>, vector<16xf32>)  : i32 {
        %mul3A_512 = arith.constant 4 : i32
        %mul3A_513 = arith.muli %scan3A_503, %mul3A_512 : i32
        %add3A_514 = arith.constant 200 : i32
        %add3A_515 = arith.addi %add3A_514, %mul3A_513 : i32
        %add3A_516 = arith.constant 0 : i32
        %add3A_517 = arith.addi %add3A_515, %add3A_516 : i32
        %get3A = arith.index_cast %add3A_517 : i32 to index
        %get3A_518 = arith.constant 0 : index
        %get3A_519 = tpu.vector_load %arg9[%get3A, %get3A_518] {strides = array<i32>} : memref<400x64xbf16, #tpu.memory_space<vmem>>, vector<32xbf16>,
        %bitcast3A = vector.bitcast %get3A_519 : vector<32xbf16> to vector<16xi32>
        %shift_left3A = arith.constant 16 : i32
        %shift_left3A_520 = vector.broadcast %shift_left3A : i32 to vector<16xi32>
        %shift_left3A_521 = arith.shli %bitcast3A, %shift_left3A_520 : vector<16xi32>
        %bitcast3A_522 = vector.bitcast %shift_left3A_521 : vector<16xi32> to vector<16xf32>
        %bitcast3A_523 = vector.bitcast %bitcast3A : vector<16xi32> to vector<16xf32>
        %add3A_524 = arith.addf %scan3A_504, %bitcast3A_522 : vector<16xf32>
        %add3A_525 = arith.addf %scan3A_505, %bitcast3A_523 : vector<16xf32>
        %add3A_526 = arith.constant 0 : i32
        %add3A_527 = arith.addi %add3A_515, %add3A_526 : i32
        %get3A_528 = arith.index_cast %add3A_527 : i32 to index
        %get3A_529 = arith.constant 32 : index
        %get3A_530 = tpu.vector_load %arg9[%get3A_528, %get3A_529] {strides = array<i32>} : memref<400x64xbf16, #tpu.memory_space<vmem>>, vector<32xbf16>,
        %bitcast3A_531 = vector.bitcast %get3A_530 : vector<32xbf16> to vector<16xi32>
        %shift_left3A_532 = arith.constant 16 : i32
        %shift_left3A_533 = vector.broadcast %shift_left3A_532 : i32 to vector<16xi32>
        %shift_left3A_534 = arith.shli %bitcast3A_531, %shift_left3A_533 : vector<16xi32>
        %bitcast3A_535 = vector.bitcast %shift_left3A_534 : vector<16xi32> to vector<16xf32>
        %bitcast3A_536 = vector.bitcast %bitcast3A_531 : vector<16xi32> to vector<16xf32>
        %add3A_537 = arith.addf %scan3A_506, %bitcast3A_535 : vector<16xf32>
        %add3A_538 = arith.addf %scan3A_507, %bitcast3A_536 : vector<16xf32>
        %add3A_539 = arith.constant 1 : i32
        %add3A_540 = arith.addi %add3A_515, %add3A_539 : i32
        %get3A_541 = arith.index_cast %add3A_540 : i32 to index
        %get3A_542 = arith.constant 0 : index
        %get3A_543 = tpu.vector_load %arg9[%get3A_541, %get3A_542] {strides = array<i32>} : memref<400x64xbf16, #tpu.memory_space<vmem>>, vector<32xbf16>,
        %bitcast3A_544 = vector.bitcast %get3A_543 : vector<32xbf16> to vector<16xi32>
        %shift_left3A_545 = arith.constant 16 : i32
        %shift_left3A_546 = vector.broadcast %shift_left3A_545 : i32 to vector<16xi32>
        %shift_left3A_547 = arith.shli %bitcast3A_544, %shift_left3A_546 : vector<16xi32>
        %bitcast3A_548 = vector.bitcast %shift_left3A_547 : vector<16xi32> to vector<16xf32>
        %bitcast3A_549 = vector.bitcast %bitcast3A_544 : vector<16xi32> to vector<16xf32>
        %add3A_550 = arith.addf %scan3A_508, %bitcast3A_548 : vector<16xf32>
        %add3A_551 = arith.addf %scan3A_509, %bitcast3A_549 : vector<16xf32>
        %add3A_552 = arith.constant 1 : i32
        %add3A_553 = arith.addi %add3A_515, %add3A_552 : i32
        %get3A_554 = arith.index_cast %add3A_553 : i32 to index
        %get3A_555 = arith.constant 32 : index
        %get3A_556 = tpu.vector_load %arg9[%get3A_554, %get3A_555] {strides = array<i32>} : memref<400x64xbf16, #tpu.memory_space<vmem>>, vector<32xbf16>,
        %bitcast3A_557 = vector.bitcast %get3A_556 : vector<32xbf16> to vector<16xi32>
        %shift_left3A_558 = arith.constant 16 : i32
        %shift_left3A_559 = vector.broadcast %shift_left3A_558 : i32 to vector<16xi32>
        %shift_left3A_560 = arith.shli %bitcast3A_557, %shift_left3A_559 : vector<16xi32>
        %bitcast3A_561 = vector.bitcast %shift_left3A_560 : vector<16xi32> to vector<16xf32>
        %bitcast3A_562 = vector.bitcast %bitcast3A_557 : vector<16xi32> to vector<16xf32>
        %add3A_563 = arith.addf %scan3A_510, %bitcast3A_561 : vector<16xf32>
        %add3A_564 = arith.addf %scan3A_511, %bitcast3A_562 : vector<16xf32>
        %add3A_565 = arith.constant 2 : i32
        %add3A_566 = arith.addi %add3A_515, %add3A_565 : i32
        %get3A_567 = arith.index_cast %add3A_566 : i32 to index
        %get3A_568 = arith.constant 0 : index
        %get3A_569 = tpu.vector_load %arg9[%get3A_567, %get3A_568] {strides = array<i32>} : memref<400x64xbf16, #tpu.memory_space<vmem>>, vector<32xbf16>,
        %bitcast3A_570 = vector.bitcast %get3A_569 : vector<32xbf16> to vector<16xi32>
        %shift_left3A_571 = arith.constant 16 : i32
        %shift_left3A_572 = vector.broadcast %shift_left3A_571 : i32 to vector<16xi32>
        %shift_left3A_573 = arith.shli %bitcast3A_570, %shift_left3A_572 : vector<16xi32>
        %bitcast3A_574 = vector.bitcast %shift_left3A_573 : vector<16xi32> to vector<16xf32>
        %bitcast3A_575 = vector.bitcast %bitcast3A_570 : vector<16xi32> to vector<16xf32>
        %add3A_576 = arith.addf %add3A_524, %bitcast3A_574 : vector<16xf32>
        %add3A_577 = arith.addf %add3A_525, %bitcast3A_575 : vector<16xf32>
        %add3A_578 = arith.constant 2 : i32
        %add3A_579 = arith.addi %add3A_515, %add3A_578 : i32
        %get3A_580 = arith.index_cast %add3A_579 : i32 to index
        %get3A_581 = arith.constant 32 : index
        %get3A_582 = tpu.vector_load %arg9[%get3A_580, %get3A_581] {strides = array<i32>} : memref<400x64xbf16, #tpu.memory_space<vmem>>, vector<32xbf16>,
        %bitcast3A_583 = vector.bitcast %get3A_582 : vector<32xbf16> to vector<16xi32>
        %shift_left3A_584 = arith.constant 16 : i32
        %shift_left3A_585 = vector.broadcast %shift_left3A_584 : i32 to vector<16xi32>
        %shift_left3A_586 = arith.shli %bitcast3A_583, %shift_left3A_585 : vector<16xi32>
        %bitcast3A_587 = vector.bitcast %shift_left3A_586 : vector<16xi32> to vector<16xf32>
        %bitcast3A_588 = vector.bitcast %bitcast3A_583 : vector<16xi32> to vector<16xf32>
        %add3A_589 = arith.addf %add3A_537, %bitcast3A_587 : vector<16xf32>
        %add3A_590 = arith.addf %add3A_538, %bitcast3A_588 : vector<16xf32>
        %add3A_591 = arith.constant 3 : i32
        %add3A_592 = arith.addi %add3A_515, %add3A_591 : i32
        %get3A_593 = arith.index_cast %add3A_592 : i32 to index
        %get3A_594 = arith.constant 0 : index
        %get3A_595 = tpu.vector_load %arg9[%get3A_593, %get3A_594] {strides = array<i32>} : memref<400x64xbf16, #tpu.memory_space<vmem>>, vector<32xbf16>,
        %bitcast3A_596 = vector.bitcast %get3A_595 : vector<32xbf16> to vector<16xi32>
        %shift_left3A_597 = arith.constant 16 : i32
        %shift_left3A_598 = vector.broadcast %shift_left3A_597 : i32 to vector<16xi32>
        %shift_left3A_599 = arith.shli %bitcast3A_596, %shift_left3A_598 : vector<16xi32>
        %bitcast3A_600 = vector.bitcast %shift_left3A_599 : vector<16xi32> to vector<16xf32>
        %bitcast3A_601 = vector.bitcast %bitcast3A_596 : vector<16xi32> to vector<16xf32>
        %add3A_602 = arith.addf %add3A_550, %bitcast3A_600 : vector<16xf32>
        %add3A_603 = arith.addf %add3A_551, %bitcast3A_601 : vector<16xf32>
        %add3A_604 = arith.constant 3 : i32
        %add3A_605 = arith.addi %add3A_515, %add3A_604 : i32
        %get3A_606 = arith.index_cast %add3A_605 : i32 to index
        %get3A_607 = arith.constant 32 : index
        %get3A_608 = tpu.vector_load %arg9[%get3A_606, %get3A_607] {strides = array<i32>} : memref<400x64xbf16, #tpu.memory_space<vmem>>, vector<32xbf16>,
        %bitcast3A_609 = vector.bitcast %get3A_608 : vector<32xbf16> to vector<16xi32>
        %shift_left3A_610 = arith.constant 16 : i32
        %shift_left3A_611 = vector.broadcast %shift_left3A_610 : i32 to vector<16xi32>
        %shift_left3A_612 = arith.shli %bitcast3A_609, %shift_left3A_611 : vector<16xi32>
        %bitcast3A_613 = vector.bitcast %shift_left3A_612 : vector<16xi32> to vector<16xf32>
        %bitcast3A_614 = vector.bitcast %bitcast3A_609 : vector<16xi32> to vector<16xf32>
        %add3A_615 = arith.addf %add3A_563, %bitcast3A_613 : vector<16xf32>
        %add3A_616 = arith.addf %add3A_564, %bitcast3A_614 : vector<16xf32>
        scf.yield %add3A_576, %add3A_577, %add3A_589, %add3A_590, %add3A_602, %add3A_603, %add3A_615, %add3A_616 : vector<16xf32>, vector<16xf32>, vector<16xf32>, vector<16xf32>, vector<16xf32>, vector<16xf32>, vector<16xf32>, vector<16xf32>
      }
      %scan3A_470 = arith.constant 50 : i32
      %rem3A_471 = arith.constant 32 : i32
      %rem3A_472 = arith.remsi %add3A_462, %rem3A_471 : i32
      %add3A_473 = arith.addf %scan3A_469#0, %scan3A_469#4 : vector<16xf32>
      %swap3A_474 = arith.index_cast %rem3A_472 : i32 to index
      %swap3A_475 = arith.constant 0 : index
      %swap3A_476 = tpu.vector_load %arg10[%swap3A_474, %swap3A_475] {strides = array<i32>} : memref<32x64xf32, #tpu.memory_space<vmem>>, vector<16xf32>,
      tpu.vector_store %arg10[%swap3A_474, %swap3A_475], %add3A_473 {strides = array<i32>} : memref<32x64xf32, #tpu.memory_space<vmem>>, vector<16xf32>,
      %add3A_477 = arith.addf %scan3A_469#1, %scan3A_469#5 : vector<16xf32>
      %swap3A_478 = arith.index_cast %rem3A_472 : i32 to index
      %swap3A_479 = arith.constant 16 : index
      %swap3A_480 = tpu.vector_load %arg10[%swap3A_478, %swap3A_479] {strides = array<i32>} : memref<32x64xf32, #tpu.memory_space<vmem>>, vector<16xf32>,
      tpu.vector_store %arg10[%swap3A_478, %swap3A_479], %add3A_477 {strides = array<i32>} : memref<32x64xf32, #tpu.memory_space<vmem>>, vector<16xf32>,
      %add3A_481 = arith.addf %scan3A_469#2, %scan3A_469#6 : vector<16xf32>
      %swap3A_482 = arith.index_cast %rem3A_472 : i32 to index
      %swap3A_483 = arith.constant 32 : index
      %swap3A_484 = tpu.vector_load %arg10[%swap3A_482, %swap3A_483] {strides = array<i32>} : memref<32x64xf32, #tpu.memory_space<vmem>>, vector<16xf32>,
      tpu.vector_store %arg10[%swap3A_482, %swap3A_483], %add3A_481 {strides = array<i32>} : memref<32x64xf32, #tpu.memory_space<vmem>>, vector<16xf32>,
      %add3A_485 = arith.addf %scan3A_469#3, %scan3A_469#7 : vector<16xf32>
      %swap3A_486 = arith.index_cast %rem3A_472 : i32 to index
      %swap3A_487 = arith.constant 48 : index
      %swap3A_488 = tpu.vector_load %arg10[%swap3A_486, %swap3A_487] {strides = array<i32>} : memref<32x64xf32, #tpu.memory_space<vmem>>, vector<16xf32>,
      tpu.vector_store %arg10[%swap3A_486, %swap3A_487], %add3A_485 {strides = array<i32>} : memref<32x64xf32, #tpu.memory_space<vmem>>, vector<16xf32>,
      %add3A_489 = arith.constant 4 : i32
      %add3A_490 = arith.addi %add3A_424, %add3A_489 : i32
      %lt3A_491 = arith.constant 256 : i32
      %lt3A_492 = arith.cmpi slt, %add3A_490, %lt3A_491 : i32
      %convert_element_type3A_493 = arith.extui %lt3A_492 : i1 to i32
      %cond3A_494 = arith.constant 0 : i32
      %cond3A_495 = arith.cmpi ne, %convert_element_type3A_493, %cond3A_494 : i32
      scf.if %cond3A_495 {
        %add3A_503 = arith.constant 4 : i32
        %add3A_504 = arith.addi %add3A_424, %add3A_503 : i32
        %rem3A_505 = arith.constant 16 : i32
        %rem3A_506 = arith.remsi %add3A_504, %rem3A_505 : i32
        %eq3A_507 = arith.constant 0 : i32
        %eq3A_508 = arith.cmpi eq, %rem3A_506, %eq3A_507 : i32
        %convert_element_type3A_509 = arith.extui %eq3A_508 : i1 to i32
        %cond3A_510 = arith.constant 0 : i32
        %cond3A_511 = arith.cmpi ne, %convert_element_type3A_509, %cond3A_510 : i32
        scf.if %cond3A_511 {
          %add3A_562 = arith.constant 4 : i32
          %add3A_563 = arith.addi %add3A_424, %add3A_562 : i32
          %jit3A = arith.constant 16 : i32
          %div3A = arith.divsi %add3A_563, %jit3A : i32
          %sign3A = arith.constant 0 : i32
          %sign3A_564 = arith.cmpi sgt, %add3A_563, %sign3A : i32
          %sign3A_565 = arith.extui %sign3A_564 : i1 to i32
          %sign3A_566 = arith.constant 0 : i32
          %sign3A_567 = arith.cmpi slt, %add3A_563, %sign3A_566 : i32
          %sign3A_568 = arith.extui %sign3A_567 : i1 to i32
          %sign3A_569 = arith.subi %sign3A_565, %sign3A_568 : i32
          %sign3A_570 = arith.constant 0 : i32
          %sign3A_571 = arith.cmpi sgt, %jit3A, %sign3A_570 : i32
          %sign3A_572 = arith.extui %sign3A_571 : i1 to i32
          %sign3A_573 = arith.constant 0 : i32
          %sign3A_574 = arith.cmpi slt, %jit3A, %sign3A_573 : i32
          %sign3A_575 = arith.extui %sign3A_574 : i1 to i32
          %sign3A_576 = arith.subi %sign3A_572, %sign3A_575 : i32
          %ne3A = arith.cmpi ne, %sign3A_569, %sign3A_576 : i32
          %rem3A_577 = arith.remsi %add3A_563, %jit3A : i32
          %ne3A_578 = arith.constant 0 : i32
          %ne3A_579 = arith.cmpi ne, %rem3A_577, %ne3A_578 : i32
          %and3A = arith.andi %ne3A, %ne3A_579 : i1
          %sub3A = arith.constant 1 : i32
          %sub3A_580 = arith.subi %div3A, %sub3A : i32
          %select_n3A = arith.select %and3A, %sub3A_580, %div3A : i32
          %rem3A_581 = arith.constant 2 : i32
          %rem3A_582 = arith.remsi %select_n3A, %rem3A_581 : i32
          %mul3A_583 = arith.constant 32 : i32
          %mul3A_584 = arith.muli %rem3A_582, %mul3A_583 : i32
          %mul3A_585 = arith.constant 32 : i32
          %mul3A_586 = arith.muli %select_n3A, %mul3A_585 : i32
          %add3A_587 = arith.addi %mul3A_2, %mul3A_586 : i32
          "tpu.region"() ({
            %run_scoped3A = tpu.sem_alloc : memref<!tpu.dma_semaphore, #tpu.memory_space<semaphore_mem>>
            %dma_start3A_588 = arith.constant 0 : i32
            %dma_start3A_589 = tpu.memref_slice %arg5[%mul3A_584, %dma_start3A_588] : memref<64x200xi32, #tpu.memory_space<vmem>> -> memref<32x200xi32, #tpu.memory_space<vmem>>
            %dma_start3A_590 = arith.constant 0 : i32
            %dma_start3A_591 = tpu.memref_slice %arg2[%add3A_587, %dma_start3A_590] : memref<16384x200xi32, #tpu.memory_space<hbm>> -> memref<32x200xi32, #tpu.memory_space<hbm>>
            %dma_start3A_592 = arith.constant 0 : i32
            %dma_start3A_593 = tpu.memref_slice %arg5[%mul3A_584, %dma_start3A_592] : memref<64x200xi32, #tpu.memory_space<vmem>> -> memref<32x200xi32, #tpu.memory_space<vmem>>
            %dma_start3A_594 = arith.constant 0 : i32
            %dma_start3A_595 = tpu.memref_slice %arg2[%add3A_587, %dma_start3A_594] : memref<16384x200xi32, #tpu.memory_space<hbm>> -> memref<32x200xi32, #tpu.memory_space<hbm>>
            tpu.enqueue_dma source(%dma_start3A_595 : memref<32x200xi32, #tpu.memory_space<hbm>>) target(%dma_start3A_593 : memref<32x200xi32, #tpu.memory_space<vmem>>) target_semaphore(%run_scoped3A : memref<!tpu.dma_semaphore, #tpu.memory_space<semaphore_mem>>)
            %dma_wait3A_596 = arith.constant 0 : i32
            %dma_wait3A_597 = tpu.memref_slice %arg5[%mul3A_584, %dma_wait3A_596] : memref<64x200xi32, #tpu.memory_space<vmem>> -> memref<32x200xi32, #tpu.memory_space<vmem>>
            %dma_wait3A_598 = arith.constant 0 : i32
            %dma_wait3A_599 = tpu.memref_slice %arg2[%add3A_587, %dma_wait3A_598] : memref<16384x200xi32, #tpu.memory_space<hbm>> -> memref<32x200xi32, #tpu.memory_space<hbm>>
            %dma_wait3A_600 = arith.constant 0 : i32
            %dma_wait3A_601 = tpu.memref_slice %arg5[%mul3A_584, %dma_wait3A_600] : memref<64x200xi32, #tpu.memory_space<vmem>> -> memref<32x200xi32, #tpu.memory_space<vmem>>
            %dma_wait3A_602 = arith.constant 0 : i32
            %dma_wait3A_603 = tpu.memref_slice %arg2[%add3A_587, %dma_wait3A_602] : memref<16384x200xi32, #tpu.memory_space<hbm>> -> memref<32x200xi32, #tpu.memory_space<hbm>>
            tpu.wait_dma2 semaphore(%run_scoped3A : memref<!tpu.dma_semaphore, #tpu.memory_space<semaphore_mem>>) src(%dma_wait3A_603 : memref<32x200xi32, #tpu.memory_space<hbm>>) dst(%dma_wait3A_601 : memref<32x200xi32, #tpu.memory_space<vmem>>)
            tpu.yield
          }) : () -> ()
        } else {
        }
        %add3A_512 = arith.constant 4 : i32
        %add3A_513 = arith.addi %add3A_424, %add3A_512 : i32
        %mul3A_514 = arith.constant 2 : i32
        %mul3A_515 = arith.muli %mul3A_514, %add3A_513 : i32
        %add3A_516 = arith.constant 0 : i32
        %add3A_517 = arith.addi %mul3A_515, %add3A_516 : i32
        %rem3A_518 = arith.constant 64 : i32
        %rem3A_519 = arith.remsi %add3A_517, %rem3A_518 : i32
        %dma_start3A_520 = arith.constant 0 : i32
        %dma_start3A_521 = arith.constant 0 : i32
        %dma_start3A_522 = tpu.memref_slice %arg9[%dma_start3A_520, %dma_start3A_521] : memref<400x64xbf16, #tpu.memory_space<vmem>> -> memref<128x64xbf16, #tpu.memory_space<vmem>>
        %dma_start3A_523 = arith.constant 0 : i32
        %dma_start3A_524 = tpu.memref_slice %arg5[%rem3A_519, %dma_start3A_523] : memref<64x200xi32, #tpu.memory_space<vmem>> -> memref<1x128xi32, #tpu.memory_space<vmem>>
        %dma_start3A_525 = tpu.memref_squeeze %dma_start3A_524 : memref<1x128xi32, #tpu.memory_space<vmem>> -> memref<128xi32, #tpu.memory_space<vmem>>
        %dma_start3A_526 = arith.constant 0 : i32
        %dma_start3A_527 = arith.constant 0 : i32
        %dma_start3A_528 = tpu.memref_slice %arg3[%dma_start3A_526, %dma_start3A_527] : memref<100000x64xbf16, #tpu.memory_space<hbm>> -> memref<100000x64xbf16, #tpu.memory_space<hbm>>
        tpu.enqueue_indirect_dma source(%dma_start3A_528 : memref<100000x64xbf16, #tpu.memory_space<hbm>>) target(%dma_start3A_522 : memref<128x64xbf16, #tpu.memory_space<vmem>>) offsets(%dma_start3A_525 : memref<128xi32, #tpu.memory_space<vmem>>) semaphore(%arg14 : memref<!tpu.dma_semaphore, #tpu.memory_space<semaphore_mem>>)
        %dma_start3A_529 = arith.constant 128 : i32
        %dma_start3A_530 = arith.constant 0 : i32
        %dma_start3A_531 = tpu.memref_slice %arg9[%dma_start3A_529, %dma_start3A_530] : memref<400x64xbf16, #tpu.memory_space<vmem>> -> memref<72x64xbf16, #tpu.memory_space<vmem>>
        %dma_start3A_532 = arith.constant 128 : i32
        %dma_start3A_533 = tpu.memref_slice %arg5[%rem3A_519, %dma_start3A_532] : memref<64x200xi32, #tpu.memory_space<vmem>> -> memref<1x72xi32, #tpu.memory_space<vmem>>
        %dma_start3A_534 = tpu.memref_squeeze %dma_start3A_533 : memref<1x72xi32, #tpu.memory_space<vmem>> -> memref<72xi32, #tpu.memory_space<vmem>>
        %dma_start3A_535 = arith.constant 0 : i32
        %dma_start3A_536 = arith.constant 0 : i32
        %dma_start3A_537 = tpu.memref_slice %arg3[%dma_start3A_535, %dma_start3A_536] : memref<100000x64xbf16, #tpu.memory_space<hbm>> -> memref<100000x64xbf16, #tpu.memory_space<hbm>>
        tpu.enqueue_indirect_dma source(%dma_start3A_537 : memref<100000x64xbf16, #tpu.memory_space<hbm>>) target(%dma_start3A_531 : memref<72x64xbf16, #tpu.memory_space<vmem>>) offsets(%dma_start3A_534 : memref<72xi32, #tpu.memory_space<vmem>>) semaphore(%arg14 : memref<!tpu.dma_semaphore, #tpu.memory_space<semaphore_mem>>)
        %mul3A_538 = arith.constant 2 : i32
        %mul3A_539 = arith.muli %mul3A_538, %add3A_513 : i32
        %add3A_540 = arith.constant 1 : i32
        %add3A_541 = arith.addi %mul3A_539, %add3A_540 : i32
        %rem3A_542 = arith.constant 64 : i32
        %rem3A_543 = arith.remsi %add3A_541, %rem3A_542 : i32
        %dma_start3A_544 = arith.constant 200 : i32
        %dma_start3A_545 = arith.constant 0 : i32
        %dma_start3A_546 = tpu.memref_slice %arg9[%dma_start3A_544, %dma_start3A_545] : memref<400x64xbf16, #tpu.memory_space<vmem>> -> memref<128x64xbf16, #tpu.memory_space<vmem>>
        %dma_start3A_547 = arith.constant 0 : i32
        %dma_start3A_548 = tpu.memref_slice %arg5[%rem3A_543, %dma_start3A_547] : memref<64x200xi32, #tpu.memory_space<vmem>> -> memref<1x128xi32, #tpu.memory_space<vmem>>
        %dma_start3A_549 = tpu.memref_squeeze %dma_start3A_548 : memref<1x128xi32, #tpu.memory_space<vmem>> -> memref<128xi32, #tpu.memory_space<vmem>>
        %dma_start3A_550 = arith.constant 0 : i32
        %dma_start3A_551 = arith.constant 0 : i32
        %dma_start3A_552 = tpu.memref_slice %arg3[%dma_start3A_550, %dma_start3A_551] : memref<100000x64xbf16, #tpu.memory_space<hbm>> -> memref<100000x64xbf16, #tpu.memory_space<hbm>>
        tpu.enqueue_indirect_dma source(%dma_start3A_552 : memref<100000x64xbf16, #tpu.memory_space<hbm>>) target(%dma_start3A_546 : memref<128x64xbf16, #tpu.memory_space<vmem>>) offsets(%dma_start3A_549 : memref<128xi32, #tpu.memory_space<vmem>>) semaphore(%arg14 : memref<!tpu.dma_semaphore, #tpu.memory_space<semaphore_mem>>)
        %dma_start3A_553 = arith.constant 328 : i32
        %dma_start3A_554 = arith.constant 0 : i32
        %dma_start3A_555 = tpu.memref_slice %arg9[%dma_start3A_553, %dma_start3A_554] : memref<400x64xbf16, #tpu.memory_space<vmem>> -> memref<72x64xbf16, #tpu.memory_space<vmem>>
        %dma_start3A_556 = arith.constant 128 : i32
        %dma_start3A_557 = tpu.memref_slice %arg5[%rem3A_543, %dma_start3A_556] : memref<64x200xi32, #tpu.memory_space<vmem>> -> memref<1x72xi32, #tpu.memory_space<vmem>>
        %dma_start3A_558 = tpu.memref_squeeze %dma_start3A_557 : memref<1x72xi32, #tpu.memory_space<vmem>> -> memref<72xi32, #tpu.memory_space<vmem>>
        %dma_start3A_559 = arith.constant 0 : i32
        %dma_start3A_560 = arith.constant 0 : i32
        %dma_start3A_561 = tpu.memref_slice %arg3[%dma_start3A_559, %dma_start3A_560] : memref<100000x64xbf16, #tpu.memory_space<hbm>> -> memref<100000x64xbf16, #tpu.memory_space<hbm>>
        tpu.enqueue_indirect_dma source(%dma_start3A_561 : memref<100000x64xbf16, #tpu.memory_space<hbm>>) target(%dma_start3A_555 : memref<72x64xbf16, #tpu.memory_space<vmem>>) offsets(%dma_start3A_558 : memref<72xi32, #tpu.memory_space<vmem>>) semaphore(%arg14 : memref<!tpu.dma_semaphore, #tpu.memory_space<semaphore_mem>>)
      } else {
      }
      %rem3A_496 = arith.constant 16 : i32
      %rem3A_497 = arith.remsi %add3A_424, %rem3A_496 : i32
      %eq3A_498 = arith.constant 15 : i32
      %eq3A_499 = arith.cmpi eq, %rem3A_497, %eq3A_498 : i32
      %convert_element_type3A_500 = arith.extui %eq3A_499 : i1 to i32
      %cond3A_501 = arith.constant 0 : i32
      %cond3A_502 = arith.cmpi ne, %convert_element_type3A_500, %cond3A_501 : i32
      scf.if %cond3A_502 {
        %mul3A_503 = arith.constant 2 : i32
        %mul3A_504 = arith.muli %mul3A_503, %add3A_424 : i32
        %add3A_505 = arith.constant 1 : i32
        %add3A_506 = arith.addi %mul3A_504, %add3A_505 : i32
        %sub3A = arith.constant 31 : i32
        %sub3A_507 = arith.subi %add3A_506, %sub3A : i32
        %add3A_508 = arith.addi %mul3A_2, %sub3A_507 : i32
        "tpu.region"() ({
          %run_scoped3A = tpu.sem_alloc : memref<!tpu.dma_semaphore, #tpu.memory_space<semaphore_mem>>
          %dma_start3A_509 = arith.constant 0 : i32
          %dma_start3A_510 = tpu.memref_slice %arg4[%add3A_508, %dma_start3A_509] : memref<16384x64xf32, #tpu.memory_space<hbm>> -> memref<32x64xf32, #tpu.memory_space<hbm>>
          %dma_start3A_511 = arith.constant 0 : i32
          %dma_start3A_512 = tpu.memref_slice %arg4[%add3A_508, %dma_start3A_511] : memref<16384x64xf32, #tpu.memory_space<hbm>> -> memref<32x64xf32, #tpu.memory_space<hbm>>
          tpu.enqueue_dma source(%arg10 : memref<32x64xf32, #tpu.memory_space<vmem>>) target(%dma_start3A_512 : memref<32x64xf32, #tpu.memory_space<hbm>>) target_semaphore(%run_scoped3A : memref<!tpu.dma_semaphore, #tpu.memory_space<semaphore_mem>>)
          %dma_wait3A_513 = arith.constant 0 : i32
          %dma_wait3A_514 = tpu.memref_slice %arg4[%add3A_508, %dma_wait3A_513] : memref<16384x64xf32, #tpu.memory_space<hbm>> -> memref<32x64xf32, #tpu.memory_space<hbm>>
          %dma_wait3A_515 = arith.constant 0 : i32
          %dma_wait3A_516 = tpu.memref_slice %arg4[%add3A_508, %dma_wait3A_515] : memref<16384x64xf32, #tpu.memory_space<hbm>> -> memref<32x64xf32, #tpu.memory_space<hbm>>
          tpu.wait_dma2 semaphore(%run_scoped3A : memref<!tpu.dma_semaphore, #tpu.memory_space<semaphore_mem>>) src(%arg10 : memref<32x64xf32, #tpu.memory_space<vmem>>) dst(%dma_wait3A_516 : memref<32x64xf32, #tpu.memory_space<hbm>>)
          tpu.yield
        }) : () -> ()
      } else {
      }
    }
    %scan3A_180 = arith.constant 64 : i32
    return
  }
}

module attributes {stable_mosaic.version = 14 : i64} {
  func.func @_mlp_body(%arg0: i32, %arg1: memref<2048x64xf32, #tpu.memory_space<vmem>>, %arg2: memref<128x64xf32, #tpu.memory_space<vmem>>, %arg3: memref<1x128xf32, #tpu.memory_space<vmem>>, %arg4: memref<50x128xf32, #tpu.memory_space<vmem>>, %arg5: memref<1x50xf32, #tpu.memory_space<vmem>>, %arg6: memref<2048x50xf32, #tpu.memory_space<vmem>>) attributes {dimension_semantics = [#tpu.dimension_semantics<arbitrary>], iteration_bounds = array<i64: 8>, scalar_prefetch = 0 : i64, scratch_operands = 0 : i64, tpu.core_type = #tpu.core_type<tc>, window_params = [{transform_indices = @transform_0, window_bounds = array<i64: 2048, 64>}, {pipeline_mode = #tpu.pipeline_mode<synchronous>, transform_indices = @transform_1, window_bounds = array<i64: 128, 64>}, {pipeline_mode = #tpu.pipeline_mode<synchronous>, transform_indices = @transform_2, window_bounds = array<i64: 1, 128>}, {pipeline_mode = #tpu.pipeline_mode<synchronous>, transform_indices = @transform_3, window_bounds = array<i64: 50, 128>}, {pipeline_mode = #tpu.pipeline_mode<synchronous>, transform_indices = @transform_4, window_bounds = array<i64: 1, 50>}, {transform_indices = @transform_5, window_bounds = array<i64: 2048, 50>}]} {
    %get3A = arith.constant 0 : index
    %get3A_0 = arith.constant 0 : index
    %get3A_1 = vector.load %arg1[%get3A, %get3A_0] : memref<2048x64xf32, #tpu.memory_space<vmem>>, vector<2048x64xf32>
    %mul3A = arith.constant 5.000000e-03 : f32
    %mul3A_2 = vector.broadcast %mul3A : f32 to vector<2048x64xf32>
    %mul3A_3 = arith.mulf %get3A_1, %mul3A_2 : vector<2048x64xf32>
    %get3A_4 = arith.constant 0 : index
    %get3A_5 = arith.constant 0 : index
    %get3A_6 = vector.load %arg2[%get3A_4, %get3A_5] : memref<128x64xf32, #tpu.memory_space<vmem>>, vector<128x64xf32>
    %dot_general3A = arith.constant dense<0.000000e+00> : vector<2048x128xf32>
    %dot_general3A_7 = tpu.matmul %mul3A_3, %get3A_6, %dot_general3A {dimension_numbers = #tpu.dot_dimension_numbers<[1], [1], [0], [0], [0, 0, 1, 0], [], []>, transpose_lhs_hint = false} : vector<2048x64xf32>, vector<128x64xf32>, vector<2048x128xf32> -> vector<2048x128xf32>
    %get3A_8 = arith.constant 0 : index
    %get3A_9 = arith.constant 0 : index
    %get3A_10 = vector.load %arg3[%get3A_8, %get3A_9] : memref<1x128xf32, #tpu.memory_space<vmem>>, vector<1x128xf32>
    %add3A = vector.broadcast %get3A_10 : vector<1x128xf32> to vector<2048x128xf32>
    %add3A_11 = arith.addf %dot_general3A_7, %add3A : vector<2048x128xf32>
    %max3A = arith.constant 0.000000e+00 : f32
    %max3A_12 = vector.broadcast %max3A : f32 to vector<2048x128xf32>
    %max3A_13 = arith.maximumf %add3A_11, %max3A_12 : vector<2048x128xf32>
    %get3A_14 = arith.constant 0 : index
    %get3A_15 = arith.constant 0 : index
    %get3A_16 = vector.load %arg4[%get3A_14, %get3A_15] : memref<50x128xf32, #tpu.memory_space<vmem>>, vector<50x128xf32>
    %dot_general3A_17 = arith.constant dense<0.000000e+00> : vector<2048x50xf32>
    %dot_general3A_18 = tpu.matmul %max3A_13, %get3A_16, %dot_general3A_17 {dimension_numbers = #tpu.dot_dimension_numbers<[1], [1], [0], [0], [0, 0, 1, 0], [], []>, transpose_lhs_hint = false} : vector<2048x128xf32>, vector<50x128xf32>, vector<2048x50xf32> -> vector<2048x50xf32>
    %get3A_19 = arith.constant 0 : index
    %get3A_20 = arith.constant 0 : index
    %get3A_21 = vector.load %arg5[%get3A_19, %get3A_20] : memref<1x50xf32, #tpu.memory_space<vmem>>, vector<1x50xf32>
    %add3A_22 = vector.broadcast %get3A_21 : vector<1x50xf32> to vector<2048x50xf32>
    %add3A_23 = arith.addf %dot_general3A_18, %add3A_22 : vector<2048x50xf32>
    %swap3A = arith.constant 0 : index
    %swap3A_24 = arith.constant 0 : index
    %swap3A_25 = vector.load %arg6[%swap3A, %swap3A_24] : memref<2048x50xf32, #tpu.memory_space<vmem>>, vector<2048x50xf32>
    tpu.vector_store %arg6[%swap3A, %swap3A_24], %add3A_23 {strides = array<i32>} : memref<2048x50xf32, #tpu.memory_space<vmem>>, vector<2048x50xf32>,
    return
  }
  func.func @transform_0(%arg0: i32) -> (i32, i32) {
    %c0_i32 = arith.constant 0 : i32
    %c0_i32_0 = arith.constant 0 : i32
    return %arg0, %c0_i32 : i32, i32
  }
  func.func @transform_1(%arg0: i32) -> (i32, i32) {
    %c0_i32 = arith.constant 0 : i32
    %c0_i32_0 = arith.constant 0 : i32
    %c0_i32_1 = arith.constant 0 : i32
    return %c0_i32, %c0_i32_0 : i32, i32
  }
  func.func @transform_2(%arg0: i32) -> (i32, i32) {
    %c0_i32 = arith.constant 0 : i32
    %c0_i32_0 = arith.constant 0 : i32
    %c0_i32_1 = arith.constant 0 : i32
    return %c0_i32, %c0_i32_0 : i32, i32
  }
  func.func @transform_3(%arg0: i32) -> (i32, i32) {
    %c0_i32 = arith.constant 0 : i32
    %c0_i32_0 = arith.constant 0 : i32
    %c0_i32_1 = arith.constant 0 : i32
    return %c0_i32, %c0_i32_0 : i32, i32
  }
  func.func @transform_4(%arg0: i32) -> (i32, i32) {
    %c0_i32 = arith.constant 0 : i32
    %c0_i32_0 = arith.constant 0 : i32
    %c0_i32_1 = arith.constant 0 : i32
    return %c0_i32, %c0_i32_0 : i32, i32
  }
  func.func @transform_5(%arg0: i32) -> (i32, i32) {
    %c0_i32 = arith.constant 0 : i32
    %c0_i32_0 = arith.constant 0 : i32
    return %arg0, %c0_i32 : i32, i32
  }
}

</mosaic_0001>

<sc_bundles>
// kernel: kernel.4.cloned.1.call-start
scs
__scs_entry_jumppad:
0x0: {  	(pc) =	sbr.rel $0x88, $3  }
0x1: {  	(tag) =	ssettag $0x0;
	lr =	simm.s32 $0x1  }
0x2: {  	[smem:$0x3F9B] =	sst lr;
	_ =	strace $0xD0000000  }
0x3: {  	_ = 	snop  }
0x4: {  	_ = 	snop  }
0x5: {  	_ = 	snop  }
0x6: {  	_ = 	snop  }
0x7: {  	_ = 	snop  }
__scs_overlays_trampoline_lowered:
0x8: {  	[smem:$0x3FAA] =	sst s0  }
0x9: {  	[smem:$0x3FAB] =	sst s1  }
0xa: {  	[smem:$0x3FAC] =	sst s2  }
0xb: {  	[smem:$0x3FAD] =	sst s3  }
0xc: {  	[smem:$0x3FAE] =	sst s4  }
0xd: {  	[smem:$0x3FAF] =	sst s5  }
0xe: {  	[smem:$0x3FB0] =	sst s6  }
0xf: {  	[smem:$0x3FB1] =	sst s7  }
0x10: {  	[smem:$0x3FB2] =	sst s8  }
0x11: {  	[smem:$0x3FB3] =	sst s9;
	s0 =	simm.s32 @!p0 $0x0  }
0x12: {  	s1 =	sld [smem:$0x3F99];
	s0 =	simm.s32 @p0 $0x1  }
0x13: {  	[smem:$0x3FB4] =	sst s0;
	s0 =	simm.s32 @!p1 $0x0  }
0x14: {  	s2 =	sld [smem:$0x3F98];
	s0 =	simm.s32 @p1 $0x1  }
0x15: {  	[smem:$0x3FB5] =	sst s0;
	s0 =	simm.s32 @!p2 $0x0  }
0x16: {  	s3 =	sld [smem:$0x3FDB];
	s0 =	simm.s32 @p2 $0x1  }
0x17: {  	s4 =	simm.s32 $0x1BF5;
	[smem:$0x3FB7] =	sst s0  }
0x18: {  	s0 =	sld [smem:$0x3F9A];
	_ =	swait.ge [sflag:s4], $0x0  }
0x19: {  	s7 =	sld [smem:$0x3F9B]  }
0x1a: {  	s8 =	sadd.s32 $0xFFFFE003, lr  }
0x1b: {  	s9 =	sadd.s32 $0xFFFFFEF7, lr;
	s5 =	simm.s32 $0xFFFFFFFF;
	p2 =	slt.u32 s8, $0xFFFFF086  }
0x1c: {  	p1 =	slt.u32 s9, $0xF7A;
	s5 =	simm.s32 @!p2 $0x0  }
0x1d: {  	s5 =	simm.s32 @p1 $0x1;
	p0 =	seq.s32 s7, s2  }
0x1e: {  	s7 =	smul.u32 @!p0 $0xF7A, s2;
	p2 =	seq.s32 @!p0 s5, $0x0  }
0x1f: {  	s9 =	smul.u32 $0xF7A, s1;
	s8 =	simm.s32 @!p0 $0x1BF5;
	p2 =	por !p2, p0  }
0x20: {  	[sflag:s8] =	ssyncset.s32 @!p0 $0xFFFFF086;
	s6 =	sadd.s32 @!p0 s3, s7;
	s7 =	simm.s32 @!p0 $0x108  }
0x21: {  	s3 =	sadd.s32 s3, s9;
	s6 =	sadd.s32 @!p0 $0x88, s6;
	s7 =	simm.s32 @p2 $0x1082  }
0x22: {  	[simem:s7], [sflag:s8] =	dma.local @!p0 [hbm:s6], $0xF7A  }
0x23: {  	s9 =	sor.u32 $0xD0000000, s2;
	s6 =	simm.s32 $0x108;
	_ =	swait.ge @!p0 [sflag:s8], $0x0  }
0x24: {  	s3 =	sadd.s32 $0x88, s3;
	s6 =	simm.s32 @!p1 $0x1082;
	[sflag:s4] =	ssyncset.s32 $0xFFFFF086  }
0x25: {  	[simem:s6], [sflag:s4] =	dma.local [hbm:s3], $0xF7A  }
0x26: {  	[smem:$0x3F9B] =	sst s1;
	(tag) =	ssettag s2;
	_ =	strace s9  }
0x27: {  	s1 =	sld [smem:$0x3FAB]  }
0x28: {  	s2 =	sld [smem:$0x3FAC]  }
0x29: {  	s4 =	sld [smem:$0x3FAE]  }
0x2a: {  	p0 =	seq.s32 s5, $0x0;
	s5 =	sld [smem:$0x3FAF]  }
0x2b: {  	s6 =	sld [smem:$0x3FB0]  }
0x2c: {  	s7 =	sld [smem:$0x3FB1]  }
0x2d: {  	s3 =	simm.s32 $0x108;
	s8 =	sld [smem:$0x3FB2]  }
0x2e: {  	s3 =	simm.s32 @!p0 $0x1082;
	s9 =	sld [smem:$0x3FB3]  }
0x2f: {  	lr =	sadd.s32 s0, s3;
	s0 =	sld [smem:$0x3FAA]  }
0x30: {  	s3 =	sld [smem:$0x3FAD]  }
0x31: {  	[smem:$0x3FB6] =	sst s10  }
0x32: {  	s10 =	sld [smem:$0x3FB4];
	_ =	sdelay $0x3  }
0x33: {  	p0 =	seq.s32 s10, $0x1;
	s10 =	sld [smem:$0x3FB6];
	_ =	sdelay $0x3  }
0x34: {  	[smem:$0x3FB6] =	sst s10  }
0x35: {  	s10 =	sld [smem:$0x3FB5];
	_ =	sdelay $0x3  }
0x36: {  	p1 =	seq.s32 s10, $0x1;
	s10 =	sld [smem:$0x3FB6];
	_ =	sdelay $0x3  }
0x37: {  	[smem:$0x3FB6] =	sst s10  }
0x38: {  	s10 =	sld [smem:$0x3FB7]  }
0x39: {  	_ = 	snop;
	(pc) =	sbr.ind lr, $3  }
0x3a: {  	_ = 	snop  }
0x3b: {  	_ = 	snop  }
0x3c: {  	p2 =	seq.s32 s10, $0x1;
	s10 =	sld [smem:$0x3FB6]  }
0x3d: {  	_ =	shalt  }
0x3e: {  	_ =	shalt  }
0x3f: {  	_ =	shalt  }
0x40: {  	_ =	shalt  }
0x41: {  	_ =	shalt  }
0x42: {  	_ =	shalt  }
0x43: {  	_ =	shalt  }
0x44: {  	_ =	shalt  }
0x45: {  	_ =	shalt  }
0x46: {  	_ =	shalt  }
0x47: {  	_ =	shalt  }
0x48: {  	_ =	shalt  }
0x49: {  	_ =	shalt  }
0x4a: {  	_ =	shalt  }
0x4b: {  	_ =	shalt  }
0x4c: {  	_ =	shalt  }
0x4d: {  	_ =	shalt  }
0x4e: {  	_ =	shalt  }
0x4f: {  	_ =	shalt  }
0x50: {  	_ =	shalt  }
0x51: {  	_ =	shalt  }
0x52: {  	_ =	shalt  }
0x53: {  	_ =	shalt  }
0x54: {  	_ =	shalt  }
0x55: {  	_ =	shalt  }
0x56: {  	_ =	shalt  }
0x57: {  	_ =	shalt  }
0x58: {  	_ =	shalt  }
0x59: {  	_ =	shalt  }
0x5a: {  	_ =	shalt  }
0x5b: {  	_ =	shalt  }
0x5c: {  	_ =	shalt  }
0x5d: {  	_ =	shalt  }
0x5e: {  	_ =	shalt  }
0x5f: {  	_ =	shalt  }
0x60: {  	_ =	shalt  }
0x61: {  	_ =	shalt  }
0x62: {  	_ =	shalt  }
0x63: {  	_ =	shalt  }
0x64: {  	_ =	shalt  }
0x65: {  	_ =	shalt  }
0x66: {  	_ =	shalt  }
0x67: {  	_ =	shalt  }
0x68: {  	_ =	shalt  }
0x69: {  	_ =	shalt  }
0x6a: {  	_ =	shalt  }
0x6b: {  	_ =	shalt  }
0x6c: {  	_ =	shalt  }
0x6d: {  	_ =	shalt  }
0x6e: {  	_ =	shalt  }
0x6f: {  	_ =	shalt  }
0x70: {  	_ =	shalt  }
0x71: {  	_ =	shalt  }
0x72: {  	_ =	shalt  }
0x73: {  	_ =	shalt  }
0x74: {  	_ =	shalt  }
0x75: {  	_ =	shalt  }
0x76: {  	_ =	shalt  }
0x77: {  	_ =	shalt  }
0x78: {  	_ =	shalt  }
0x79: {  	_ =	shalt  }
0x7a: {  	_ =	shalt  }
0x7b: {  	_ =	shalt  }
0x7c: {  	_ =	shalt  }
0x7d: {  	_ =	shalt  }
0x7e: {  	_ =	shalt  }
0x7f: {  	_ =	shalt  }
0x80: {  	_ =	shalt  }
0x81: {  	_ =	shalt  }
0x82: {  	_ =	shalt  }
0x83: {  	_ =	shalt  }
0x84: {  	_ =	shalt  }
0x85: {  	_ =	shalt  }
0x86: {  	_ =	shalt  }
0x87: {  	_ =	shalt  }
.Lfunc_end0:
.L_simem_size_0:
called_computation_lowered:
.L_overlay_start_0:
0x88: {  	s2 =	sld [smem:$0x3FD9]  }
0x89: {  	s3 =	sld [smem:$0x3FFE];
	_ =	sdelay $0x1  }
0x8a: {  	s1 =	srdreg.scid  }
0x8b: {  	s0 =	sand.u32 $0x1, s1  }
0x8c: {  	s16 =	sshll.u32 s0, $0xA;
	s2 =	sadd.s32 s3, s2  }
0x8d: {  	s2 =	sadd.s32 s2, s16  }
0x8e: {  	[smem:$0x3FC2] =	sst s2  }
0x8f: {  	_ = 	snop  }
0x90: {  	(tm) =	ssettm $0x1  }
0x91: {  	s17 =	sld [smem:$0x3FFB];
	_ =	sdelay $0x3  }
0x92: {  	_ =	strace s17  }
0x93: {  	s2 =	sld [smem:$0x3FFC];
	_ =	sdelay $0x3  }
0x94: {  	_ =	strace s2  }
0x95: {  	s2 =	sld [smem:$0x3FFD];
	_ =	sdelay $0x3  }
0x96: {  	_ =	strace s2  }
0x97: {  	_ =	strace $0x8FFFFFFF  }
0x98: {  	s18 =	sld [smem:$0x3FDB];
	_ =	sdelay $0x1  }
0x99: {  	s19 =	simm.s32 $_scs_section_size  }
0x9a: {  	s4 =	simm.s32 $_size__tile_overlayer_lowered;
	s5 =	simm.s32 $_tile_overlayer_lowered  }
0x9b: {  	s22 =	simm.s32 $0x1BFF;
	s21 =	sshll.u32 s5, $0x1;
	s2 =	sadd.s32 s19, s18  }
0x9c: {  	s6 =	simm.s32 $0x0;
	s20 =	sshll.u32 s4, $0x1;
	s4 =	sadd.s32 s21, s2  }
0x9d: {  	[timem:s6], [sflag:s22] =	dma.local [hbm:s4], s20  }
0x9e: {  	_ =	swait.ge [sflag:s22], s20  }
0x9f: {  	s3 =	ssub.s32 $0x0, s20;
	[sflag:s22] =	ssyncset.done $0x0  }
0xa0: {  	[sflag:s22] =	ssyncadd.s32 s3;
	_ =	sdelay $0x1  }
0xa1: {  	s23 =	simm.s32 $0x1B8B  }
0xa2: {  	_ =	swait.ge [sflag:s23], $0x1  }
0xa3: {  	[sflag:s23] =	ssyncset.done $0x0  }
0xa4: {  	s25 =	simm.s32 $0x1B8E;
	s24 =	sld [smem:$0x3FFE];
	[sflag:s23] =	ssyncadd.s32 $0xFFFFFFFF  }
0xa5: {  	s26 =	simm.s32 $execute0_lowered;
	[smem:$0x3FD2] =	sst s25  }
0xa6: {  	s4 =	sshll.u32 s26, $0x1;
	_ =	strace $0x80000046;
	[dreg:$0x1] =	wrdreg $0xFFFFFFFF  }
0xa7: {  	s28 =	simm.s32 $_size_execute0_lowered;
	s2 =	sadd.s32 s2, s4;
	[dreg:$0x0] =	wrdreg $0x0  }
0xa8: {  	s4 =	sshll.u32 s28, $0x1;
	[dreg:$0x2] =	wrdreg s2  }
0xa9: {  	[dreg:$0x3] =	wrdreg s4  }
0xaa: {  	[dreg:$0x4] =	wrdreg $0xC0  }
0xab: {  	_ =	task [dreg:s6], $0x5FFFF  }
0xac: {  	[dreg:$0x1] =	wrdreg $0xFFFFFFFF  }
0xad: {  	[dreg:$0x0] =	wrdreg $0x60  }
0xae: {  	[dreg:$0x2] =	wrdreg s24  }
0xaf: {  	[dreg:$0x3] =	wrdreg $0x9  }
0xb0: {  	_ =	task.clear_ibuf [dreg:s6], $0x4FFFF;
	_ =	strace $0x90000046  }
0xb1: {  	s29 =	simm.s32 $0x9;
	_ =	strace $0x80000048  }
0xb2: {  	_ =	swait.ge [sflag:s29], $0x1  }
0xb3: {  	[sflag:s29] =	ssyncadd.s32 $0xFFFFFFFF  }
0xb4: {  	_ =	strace $0x90000048  }
0xb5: {  	_ =	sfence  }
0xb6: {  	s30 =	sld [smem:$0x0];
	_ =	sdelay $0x2  }
0xb7: {  	s31 =	sshll.u32 s1, $0xD;
	s1 =	sshrl.u32 s1, $0x2  }
0xb8: {  	s3 =	sand.u32 $0x4000, s31;
	s1 =	sadd.s32 s1, s30  }
0xb9: {  	s0 =	sor.u32 s3, s0;
	s1 =	sshll.u32 s1, $0x11  }
0xba: {  	s0 =	sor.u32 s1, s0  }
0xbb: {  	s0 =	sadd.s32 $0x8F2B, s0  }
0xbc: {  	[sflag:s0] =	ssyncadd.remote.s32 $0x1  }
0xbd: {  	_ =	sfence.sel $0xFFFF  }
0xbe: {  	[dreg:$0x0] =	wrdreg $0xFFFFFFFF;
	(pc) =	sbr.abs _section_cstart, $3  }
0xbf: {  	[dreg:$0x1] =	wrdreg $0xFFFFFFFF  }
0xc0: {  	_ =	task.clear_ibuf [dreg:s6], $0x2FFFF;
	_ =	strace $0x9FFFFFFF  }
0xc1: {  	(tm) =	ssettm $0x7FFFFFFF  }
tec
execute0_lowered:
.L_overlay_start_1:
0x0: {  	(tag) =	ssettag $0x1  }
0x1: {  	s0 =	rddreg [dreg:$0x0];
	s1 =	srdreg.scid  }
0x2: {  	s2 =	simm.s32 $0x0;
	s3 =	stileid.u32;
	s10 =	simm.s32 $0x5  }
0x3: {  	s11 =	simm.s32 $0x80;
	s13 =	simm.s32 $0x48;
	s17 =	simm.s32 $0x530  }
0x4: {  	s18 =	simm.s32 $0xD800;
	s19 =	simm.s32 $0x578;
	s20 =	simm.s32 $0xE100  }
0x5: {  	s21 =	simm.s32 $0x5F8;
	s22 =	simm.s32 $0xF100;
	s23 =	simm.s32 $0x1  }
0x6: {  	s24 =	simm.s32 $0x2;
	s25 =	simm.s32 $0x3;
	s26 =	simm.s32 $0x4  }
0x7: {  	s28 =	simm.s32 $0x0;
	s1 =	sand.u32 $0x1, s1;
	[smem:$0x7FF] =	sst s2  }
0x8: {  	s3 =	sshll.u32 s3, $0xA;
	s5 =	sadd.s32 $0x1E00, s0;
	s4 =	sshll.u32 s1, $0x9  }
0x9: {  	s6 =	sadd.s32 $0xC7A00, s0;
	s1 =	ssub.s32 $0x2, s1;
	s3 =	sor.u32 s4, s3  }
0xa: {  	_ =	strace $0x80000047;
	s7 =	sshrl.u32 s1, $0x1;
	s8 =	smul.u32 $0x19, s3  }
0xb: {  	s4 =	sadd.s32 $0x63A00, s0;
	s30 =	ssub.s32 s1, s7;
	s31 =	sshll.u32 s3, $0x3  }
0xc: {  	s9 =	sadd.s32 $0x1FFFFF10, s31;
	s7 =	sadd.s32 s4, s8;
	s8 =	smax.u32 s30, $0x1  }
.LBB2_1:
0xd: {  	[tilespmem:s2], [sflag:$0x5] =	stream.linear.gather [hbm4b:s7+s2], $0x1900, $0x38;
	[tilespmem:$0x10200] =	vst v63  }
0xe: {  	_ =	swait.ge [sflag:s10], $0x1900  }
0xf: {  	[sflag:s10] =	ssyncset.done $0x0  }
0x10: {  	s0 =	simm.s32 $0x3200;
	[sflag:s10] =	ssyncadd.s32 $0xFFFFE700  }
0x11: {  	[tilespmem:s0], [sflag:$0x1] =	stream.indirect.gather [hbm4b:s5+s11], $0x20, s2, s11, $0xb8;
	[tilespmem:$0x10200] =	vst v63  }
0x12: {  	s15 =	simm.s32 $0x4200  }
0x13: {  	[tilespmem:s15], [sflag:$0x1] =	stream.indirect.gather [hbm4b:s5+s13], $0x20, s11, s13, $0xb8;
	[tilespmem:$0x10200] =	vst v63  }
0x14: {  	s16 =	simm.s32 $0xC8;
	s1 =	simm.s32 $0x4B00  }
0x15: {  	[tilespmem:s1], [sflag:$0x1] =	stream.indirect.gather [hbm4b:s5+s11], $0x20, s16, s11, $0xb8;
	[tilespmem:$0x10200] =	vst v63  }
0x16: {  	s30 =	simm.s32 $0x148;
	s31 =	simm.s32 $0x5B00  }
0x17: {  	[tilespmem:s31], [sflag:$0x1] =	stream.indirect.gather [hbm4b:s5+s13], $0x20, s30, s13, $0xb8;
	[tilespmem:$0x10200] =	vst v63  }
0x18: {  	s12 =	simm.s32 $0x190;
	s14 =	simm.s32 $0x6400  }
0x19: {  	[tilespmem:s14], [sflag:$0x2] =	stream.indirect.gather [hbm4b:s5+s11], $0x20, s12, s11, $0xb8;
	[tilespmem:$0x10200] =	vst v63  }
0x1a: {  	s15 =	simm.s32 $0x210;
	s16 =	simm.s32 $0x7400  }
0x1b: {  	[tilespmem:s16], [sflag:$0x2] =	stream.indirect.gather [hbm4b:s5+s13], $0x20, s15, s13, $0xb8;
	[tilespmem:$0x10200] =	vst v63  }
0x1c: {  	s30 =	simm.s32 $0x258;
	s31 =	simm.s32 $0x7D00  }
0x1d: {  	[tilespmem:s31], [sflag:$0x2] =	stream.indirect.gather [hbm4b:s5+s11], $0x20, s30, s11, $0xb8;
	[tilespmem:$0x10200] =	vst v63  }
0x1e: {  	s12 =	simm.s32 $0x2D8;
	s14 =	simm.s32 $0x8D00  }
0x1f: {  	[tilespmem:s14], [sflag:$0x2] =	stream.indirect.gather [hbm4b:s5+s13], $0x20, s12, s13, $0xb8;
	[tilespmem:$0x10200] =	vst v63  }
0x20: {  	s15 =	simm.s32 $0x320;
	s16 =	simm.s32 $0x9600  }
0x21: {  	[tilespmem:s16], [sflag:$0x3] =	stream.indirect.gather [hbm4b:s5+s11], $0x20, s15, s11, $0xb8;
	[tilespmem:$0x10200] =	vst v63  }
0x22: {  	s30 =	simm.s32 $0x3A0;
	s31 =	simm.s32 $0xA600  }
0x23: {  	[tilespmem:s31], [sflag:$0x3] =	stream.indirect.gather [hbm4b:s5+s13], $0x20, s30, s13, $0xb8;
	[tilespmem:$0x10200] =	vst v63  }
0x24: {  	s12 =	simm.s32 $0x3E8;
	s14 =	simm.s32 $0xAF00  }
0x25: {  	[tilespmem:s14], [sflag:$0x3] =	stream.indirect.gather [hbm4b:s5+s11], $0x20, s12, s11, $0xb8;
	[tilespmem:$0x10200] =	vst v63  }
0x26: {  	s15 =	simm.s32 $0x468;
	s16 =	simm.s32 $0xBF00  }
0x27: {  	[tilespmem:s16], [sflag:$0x3] =	stream.indirect.gather [hbm4b:s5+s13], $0x20, s15, s13, $0xb8;
	[tilespmem:$0x10200] =	vst v63  }
0x28: {  	s30 =	simm.s32 $0x4B0;
	s31 =	simm.s32 $0xC800  }
0x29: {  	[tilespmem:s31], [sflag:$0x4] =	stream.indirect.gather [hbm4b:s5+s11], $0x20, s30, s11, $0xb8;
	[tilespmem:$0x10200] =	vst v63  }
0x2a: {  	_ = 	snop  }
0x2b: {  	[tilespmem:s18], [sflag:$0x4] =	stream.indirect.gather [hbm4b:s5+s13], $0x20, s17, s13, $0xb8;
	[tilespmem:$0x10200] =	vst v63  }
0x2c: {  	_ = 	snop  }
0x2d: {  	[tilespmem:s20], [sflag:$0x4] =	stream.indirect.gather [hbm4b:s5+s11], $0x20, s19, s11, $0xb8;
	[tilespmem:$0x10200] =	vst v63  }
0x2e: {  	s29 =	simm.s32 $0x0  }
0x2f: {  	[tilespmem:s22], [sflag:$0x4] =	stream.indirect.gather [hbm4b:s5+s13], $0x20, s21, s13, $0xb8;
	[tilespmem:$0x10200] =	vst v63  }
.LBB2_2:
0x30: {  	_ =	swait.ge [sflag:s23], $0x3200  }
0x31: {  	[sflag:s23] =	ssyncset.done $0x0  }
0x32: {  	s1 =	simm.s32 $0x0;
	[sflag:s23] =	ssyncadd.s32 $0xFFFFCE00  }
0x33: {  	v0 =	vld [tilespmem:s1+$0x3200]  }
0x34: {  	v10 =	vld [tilespmem:s1+$0x3220]  }
0x35: {  	v1 =	vld [tilespmem:s1+$0x3210]  }
0x36: {  	v3 =	vld [tilespmem:s1+$0x3240]  }
0x37: {  	v4 =	vld [tilespmem:s1+$0x3250]  }
0x38: {  	v11 =	vimm.f32 $0.0e+00;
	v13 =	vld [tilespmem:s1+$0x3230];
	v2 =	vshll.u32 v0, $0x10  }
0x39: {  	v14 =	vld [tilespmem:s1+$0x3260];
	v0 =	vadd.f32 v0, v11;
	v12 =	vshll.u32 v10, $0x10;
	v16 =	vadd.f32 v10, v11  }
0x3a: {  	s0 =	simm.s32 $0x80;
	v5 =	vld [tilespmem:s1+$0x3270];
	v6 =	vadd.f32 v2, v11;
	v2 =	vshll.u32 v1, $0x10;
	v1 =	vadd.f32 v1, v11  }
0x3b: {  	v7 =	vshll.u32 v3, $0x10;
	v15 =	vadd.f32 v12, v11;
	v8 =	vadd.f32 v2, v11;
	v2 =	vld [tilespmem:s0+$0x3200]  }
0x3c: {  	v7 =	vadd.f32 v7, v6;
	v6 =	vadd.f32 v3, v0;
	v0 =	vshll.u32 v4, $0x10;
	v3 =	vld [tilespmem:s0+$0x3210]  }
0x3d: {  	v9 =	vadd.f32 v0, v8;
	v8 =	vadd.f32 v4, v1;
	v0 =	vld [tilespmem:s0+$0x3240];
	v4 =	vshll.u32 v13, $0x10  }
0x3e: {  	v10 =	vshll.u32 v14, $0x10;
	v1 =	vld [tilespmem:s0+$0x3250];
	v13 =	vadd.f32 v13, v11;
	v12 =	vadd.f32 v4, v11  }
0x3f: {  	s1 =	simm.s32 $0x400;
	v10 =	vadd.f32 v10, v15;
	v4 =	vld [tilespmem:s0+$0x3220];
	v11 =	vadd.f32 v14, v16;
	v14 =	vshll.u32 v5, $0x10  }
.LBB2_3:
0x40: {  	p0 =	sne.s32 s1, $0x6200;
	v15 =	vshll.u32 v2, $0x10;
	v16 =	vld [tilespmem:s0+$0x3230];
	v12 =	vadd.f32 v14, v12;
	v13 =	vadd.f32 v5, v13  }
0x41: {  	v6 =	vadd.f32 v2, v6;
	v7 =	vadd.f32 v15, v7;
	v2 =	vshll.u32 v3, $0x10;
	v14 =	vld [tilespmem:s0+$0x3260]  }
0x42: {  	v8 =	vadd.f32 v3, v8;
	v9 =	vadd.f32 v2, v9;
	v3 =	vshll.u32 v0, $0x10;
	v5 =	vld [tilespmem:s0+$0x3270];
	s0 =	sshra.s32 s1, $0x2  }
.Ltmp0:
0x43: {  	v6 =	vadd.f32 v0, v6;
	v2 =	vld [tilespmem:s0+$0x3200];
	v7 =	vadd.f32 v3, v7;
	v0 =	vshll.u32 v1, $0x10;
	(pc) =	sbr.rel @p0 .LBB2_3-.Ltmp0, $4  }
0x44: {  	v8 =	vadd.f32 v1, v8;
	v3 =	vld [tilespmem:s0+$0x3210];
	v15 =	vshll.u32 v4, $0x10;
	v9 =	vadd.f32 v0, v9  }
0x45: {  	v11 =	vadd.f32 v4, v11;
	v0 =	vld [tilespmem:s0+$0x3240];
	v10 =	vadd.f32 v15, v10;
	v4 =	vshll.u32 v16, $0x10  }
0x46: {  	v13 =	vadd.f32 v16, v13;
	v1 =	vld [tilespmem:s0+$0x3250];
	v12 =	vadd.f32 v4, v12;
	v15 =	vshll.u32 v14, $0x10  }
0x47: {  	s1 =	sadd.s32 $0x200, s1;
	v11 =	vadd.f32 v14, v11;
	v4 =	vld [tilespmem:s0+$0x3220];
	v10 =	vadd.f32 v15, v10;
	v14 =	vshll.u32 v5, $0x10  }
0x48: {  	v15 =	vshll.u32 v2, $0x10;
	v16 =	vld [tilespmem:s0+$0x3230];
	v12 =	vadd.f32 v14, v12;
	v5 =	vadd.f32 v5, v13  }
0x49: {  	v14 =	vld [tilespmem:s0+$0x3260];
	v2 =	vadd.f32 v2, v6;
	v7 =	vadd.f32 v15, v7;
	v13 =	vshll.u32 v3, $0x10  }
0x4a: {  	v3 =	vadd.f32 v3, v8;
	v6 =	vadd.f32 v13, v9;
	v9 =	vshll.u32 v0, $0x10  }
0x4b: {  	v8 =	vld [tilespmem:s0+$0x3270];
	v0 =	vadd.f32 v0, v2;
	v7 =	vadd.f32 v9, v7;
	v9 =	vshll.u32 v1, $0x10  }
0x4c: {  	v1 =	vadd.f32 v1, v3;
	v2 =	vshll.u32 v4, $0x10;
	v3 =	vadd.f32 v4, v11  }
0x4d: {  	v6 =	vadd.f32 v9, v6;
	v2 =	vadd.f32 v2, v10;
	v4 =	vshll.u32 v16, $0x10  }
0x4e: {  	v9 =	vshll.u32 v14, $0x10;
	v5 =	vadd.f32 v16, v5;
	v3 =	vadd.f32 v14, v3  }
0x4f: {  	v4 =	vadd.f32 v4, v12;
	v2 =	vadd.f32 v9, v2  }
0x50: {  	s30 =	sshll.u32 s29, $0x9;
	v9 =	vshll.u32 v8, $0x10;
	v5 =	vadd.f32 v8, v5;
	v0 =	vadd.f32 v3, v0  }
0x51: {  	s31 =	sand.u32 $0x600, s30;
	v4 =	vadd.f32 v9, v4;
	v2 =	vadd.f32 v2, v7  }
0x52: {  	[tilespmem:s31+$0xFA10] =	vst v0;
	v0 =	vadd.f32 v5, v1  }
0x53: {  	[tilespmem:s31+$0xFA00] =	vst v2;
	v2 =	vadd.f32 v4, v6  }
0x54: {  	[tilespmem:s31+$0xFA30] =	vst v0  }
0x55: {  	s1 =	simm.s32 $0x0;
	[tilespmem:s31+$0xFA20] =	vst v2  }
0x56: {  	v0 =	vld [tilespmem:s1+$0x4B00]  }
0x57: {  	v9 =	vld [tilespmem:s1+$0x4B20]  }
0x58: {  	v1 =	vld [tilespmem:s1+$0x4B10]  }
0x59: {  	v3 =	vld [tilespmem:s1+$0x4B40]  }
0x5a: {  	v4 =	vld [tilespmem:s1+$0x4B50]  }
0x5b: {  	v11 =	vimm.f32 $0.0e+00;
	v13 =	vld [tilespmem:s1+$0x4B30];
	v2 =	vshll.u32 v0, $0x10  }
0x5c: {  	v14 =	vld [tilespmem:s1+$0x4B60];
	v0 =	vadd.f32 v0, v11;
	v12 =	vshll.u32 v9, $0x10;
	v9 =	vadd.f32 v9, v11  }
0x5d: {  	s0 =	simm.s32 $0x80;
	v5 =	vld [tilespmem:s1+$0x4B70];
	v6 =	vadd.f32 v2, v11;
	v2 =	vshll.u32 v1, $0x10;
	v1 =	vadd.f32 v1, v11  }
0x5e: {  	v7 =	vshll.u32 v3, $0x10;
	v15 =	vadd.f32 v12, v11;
	v8 =	vadd.f32 v2, v11;
	v2 =	vld [tilespmem:s0+$0x4B00]  }
0x5f: {  	v7 =	vadd.f32 v7, v6;
	v6 =	vadd.f32 v3, v0;
	v0 =	vshll.u32 v4, $0x10;
	v3 =	vld [tilespmem:s0+$0x4B10]  }
0x60: {  	v10 =	vadd.f32 v0, v8;
	v8 =	vadd.f32 v4, v1;
	v0 =	vld [tilespmem:s0+$0x4B40];
	v4 =	vshll.u32 v13, $0x10  }
0x61: {  	v1 =	vld [tilespmem:s0+$0x4B50];
	v13 =	vadd.f32 v13, v11;
	v12 =	vadd.f32 v4, v11;
	v11 =	vshll.u32 v14, $0x10  }
0x62: {  	s1 =	simm.s32 $0x400;
	v9 =	vadd.f32 v14, v9;
	v4 =	vld [tilespmem:s0+$0x4B20];
	v14 =	vshll.u32 v5, $0x10;
	v11 =	vadd.f32 v11, v15  }
.LBB2_5:
0x63: {  	p0 =	sne.s32 s1, $0x6200;
	v15 =	vshll.u32 v2, $0x10;
	v16 =	vld [tilespmem:s0+$0x4B30];
	v12 =	vadd.f32 v14, v12;
	v13 =	vadd.f32 v5, v13  }
0x64: {  	v6 =	vadd.f32 v2, v6;
	v7 =	vadd.f32 v15, v7;
	v2 =	vshll.u32 v3, $0x10;
	v14 =	vld [tilespmem:s0+$0x4B60]  }
0x65: {  	v8 =	vadd.f32 v3, v8;
	v10 =	vadd.f32 v2, v10;
	v3 =	vshll.u32 v0, $0x10;
	v5 =	vld [tilespmem:s0+$0x4B70];
	s0 =	sshra.s32 s1, $0x2  }
.Ltmp1:
0x66: {  	v6 =	vadd.f32 v0, v6;
	v2 =	vld [tilespmem:s0+$0x4B00];
	v7 =	vadd.f32 v3, v7;
	v0 =	vshll.u32 v1, $0x10;
	(pc) =	sbr.rel @p0 .LBB2_5-.Ltmp1, $4  }
0x67: {  	v8 =	vadd.f32 v1, v8;
	v3 =	vld [tilespmem:s0+$0x4B10];
	v15 =	vshll.u32 v4, $0x10;
	v10 =	vadd.f32 v0, v10  }
0x68: {  	v9 =	vadd.f32 v4, v9;
	v0 =	vld [tilespmem:s0+$0x4B40];
	v11 =	vadd.f32 v15, v11;
	v4 =	vshll.u32 v16, $0x10  }
0x69: {  	v13 =	vadd.f32 v16, v13;
	v1 =	vld [tilespmem:s0+$0x4B50];
	v12 =	vadd.f32 v4, v12;
	v15 =	vshll.u32 v14, $0x10  }
0x6a: {  	s1 =	sadd.s32 $0x200, s1;
	v9 =	vadd.f32 v14, v9;
	v4 =	vld [tilespmem:s0+$0x4B20];
	v11 =	vadd.f32 v15, v11;
	v14 =	vshll.u32 v5, $0x10  }
0x6b: {  	v15 =	vshll.u32 v2, $0x10;
	v16 =	vld [tilespmem:s0+$0x4B30];
	v12 =	vadd.f32 v14, v12;
	v5 =	vadd.f32 v5, v13  }
0x6c: {  	v14 =	vld [tilespmem:s0+$0x4B60];
	v2 =	vadd.f32 v2, v6;
	v7 =	vadd.f32 v15, v7;
	v13 =	vshll.u32 v3, $0x10  }
0x6d: {  	v3 =	vadd.f32 v3, v8;
	v6 =	vadd.f32 v13, v10;
	v10 =	vshll.u32 v0, $0x10  }
0x6e: {  	v8 =	vld [tilespmem:s0+$0x4B70];
	v0 =	vadd.f32 v0, v2;
	v7 =	vadd.f32 v10, v7;
	v10 =	vshll.u32 v1, $0x10  }
0x6f: {  	s30 =	sshll.u32 s29, $0x2;
	v1 =	vadd.f32 v1, v3;
	v2 =	vshll.u32 v4, $0x10;
	v3 =	vadd.f32 v4, v9  }
0x70: {  	p0 =	seq.s32 s29, $0x3F;
	s0 =	sadd.s32 $0x4, s30;
	v6 =	vadd.f32 v10, v6;
	v2 =	vadd.f32 v2, v11;
	v4 =	vshll.u32 v16, $0x10  }
0x71: {  	s1 =	sand.u32 @!p0 $0xC, s0;
	v9 =	vshll.u32 v14, $0x10;
	v5 =	vadd.f32 v16, v5;
	v3 =	vadd.f32 v14, v3  }
0x72: {  	p2 =	seq.s32 @!p0 s1, $0x0;
	v4 =	vadd.f32 v4, v12;
	v2 =	vadd.f32 v9, v2  }
0x73: {  	p1 =	por !p2, p0;
	v9 =	vshll.u32 v8, $0x10;
	v5 =	vadd.f32 v8, v5;
	v0 =	vadd.f32 v3, v0  }
0x74: {  	s1 =	sshll.u32 @!p1 s0, $0x1;
	v4 =	vadd.f32 v9, v4;
	v2 =	vadd.f32 v2, v7  }
0x75: {  	s12 =	sadd.s32 @!p1 s3, s1;
	[tilespmem:s31+$0xFA50] =	vst v0;
	v0 =	vadd.f32 v5, v1  }
0x76: {  	p2 =	por p2, p0;
	s14 =	sshll.u32 @!p1 s0, $0x1B;
	s12 =	smul.u32 @!p1 $0x19, s12;
	[tilespmem:s31+$0xFA40] =	vst v2;
	v2 =	vadd.f32 v4, v6  }
0x77: {  	s15 =	simm.s32 @!p1 $0x0;
	s0 =	sshll.u32 @!p2 s0, $0x1;
	s14 =	sshra.s32 @!p1 s14, $0x1F;
	[tilespmem:s31+$0xFA70] =	vst v0  }
0x78: {  	s1 =	smov.u32 @p1 s0;
	s14 =	sand.u32 @!p1 $0x1900, s14;
	s12 =	sadd.s32 @!p1 s4, s12;
	[tilespmem:s31+$0xFA60] =	vst v2  }
0x79: {  	[tilespmem:s14], [sflag:$0x6] =	stream.linear.gather @!p1 [hbm4b:s12+s15], $0x1900, $0x38;
	[tilespmem:$0x10200] =	vst v63  }
0x7a: {  	s0 =	sand.u32 @!p0 $0x38, s1;
	s12 =	simm.s32 @!p1 $0x6  }
0x7b: {  	s0 =	smul.u32 @!p0 $0x320, s0;
	_ =	swait.ge @!p1 [sflag:s12], $0x1900  }
0x7c: {  	s1 =	simm.s32 @!p0 $0x80;
	[sflag:s12] =	ssyncset.done @!p1 $0x0  }
0x7d: {  	s0 =	sshrl.u32 @!p0 s0, $0x2;
	[sflag:s12] =	ssyncadd.s32 @!p1 $0xFFFFE700;
	s12 =	simm.s32 @!p0 $0x3200  }
0x7e: {  	[tilespmem:s12], [sflag:$0x1] =	stream.indirect.gather @!p0 [hbm4b:s5+s1], $0x20, s0, s1, $0xb8;
	[tilespmem:$0x10200] =	vst v63  }
0x7f: {  	s14 =	simm.s32 @!p0 $0x48;
	s15 =	simm.s32 @!p0 $0x4200;
	s12 =	sadd.s32 @!p0 $0x80, s0  }
0x80: {  	[tilespmem:s15], [sflag:$0x1] =	stream.indirect.gather @!p0 [hbm4b:s5+s14], $0x20, s12, s14, $0xb8;
	[tilespmem:$0x10200] =	vst v63  }
0x81: {  	s12 =	sadd.s32 @!p0 $0xC8, s0;
	s15 =	simm.s32 @!p0 $0x4B00  }
0x82: {  	[tilespmem:s15], [sflag:$0x1] =	stream.indirect.gather @!p0 [hbm4b:s5+s1], $0x20, s12, s1, $0xb8;
	[tilespmem:$0x10200] =	vst v63  }
0x83: {  	s0 =	sadd.s32 @!p0 $0x148, s0;
	s1 =	simm.s32 @!p0 $0x5B00  }
0x84: {  	[tilespmem:s1], [sflag:$0x1] =	stream.indirect.gather @!p0 [hbm4b:s5+s14], $0x20, s0, s14, $0xb8;
	[tilespmem:$0x10200] =	vst v63  }
0x85: {  	_ =	swait.ge [sflag:s24], $0x3200  }
0x86: {  	[sflag:s24] =	ssyncset.done $0x0  }
0x87: {  	s16 =	simm.s32 $0x0;
	[sflag:s24] =	ssyncadd.s32 $0xFFFFCE00  }
0x88: {  	v0 =	vld [tilespmem:s16+$0x6400]  }
0x89: {  	v10 =	vld [tilespmem:s16+$0x6420]  }
0x8a: {  	v1 =	vld [tilespmem:s16+$0x6410]  }
0x8b: {  	v3 =	vld [tilespmem:s16+$0x6440]  }
0x8c: {  	v4 =	vld [tilespmem:s16+$0x6450]  }
0x8d: {  	v11 =	vimm.f32 $0.0e+00;
	v13 =	vld [tilespmem:s16+$0x6430];
	v2 =	vshll.u32 v0, $0x10  }
0x8e: {  	v14 =	vld [tilespmem:s16+$0x6460];
	v0 =	vadd.f32 v0, v11;
	v12 =	vshll.u32 v10, $0x10;
	v63 =	vadd.f32 v10, v11  }
0x8f: {  	s0 =	simm.s32 $0x80;
	v5 =	vld [tilespmem:s16+$0x6470];
	v6 =	vadd.f32 v2, v11;
	v2 =	vshll.u32 v1, $0x10;
	v1 =	vadd.f32 v1, v11  }
0x90: {  	v7 =	vshll.u32 v3, $0x10;
	v15 =	vadd.f32 v12, v11;
	v8 =	vadd.f32 v2, v11;
	v2 =	vld [tilespmem:s0+$0x6400]  }
0x91: {  	v7 =	vadd.f32 v7, v6;
	v6 =	vadd.f32 v3, v0;
	v0 =	vshll.u32 v4, $0x10;
	v3 =	vld [tilespmem:s0+$0x6410]  }
0x92: {  	v9 =	vadd.f32 v0, v8;
	v8 =	vadd.f32 v4, v1;
	v0 =	vld [tilespmem:s0+$0x6440];
	v4 =	vshll.u32 v13, $0x10  }
0x93: {  	v10 =	vshll.u32 v14, $0x10;
	v1 =	vld [tilespmem:s0+$0x6450];
	v13 =	vadd.f32 v13, v11;
	v12 =	vadd.f32 v4, v11  }
0x94: {  	s1 =	simm.s32 $0x400;
	v10 =	vadd.f32 v10, v15;
	v4 =	vld [tilespmem:s0+$0x6420];
	v11 =	vadd.f32 v14, v63;
	v14 =	vshll.u32 v5, $0x10  }
.LBB2_7:
0x95: {  	p1 =	sne.s32 s1, $0x6200;
	v15 =	vshll.u32 v2, $0x10;
	v16 =	vld [tilespmem:s0+$0x6430];
	v12 =	vadd.f32 v14, v12;
	v13 =	vadd.f32 v5, v13  }
0x96: {  	v6 =	vadd.f32 v2, v6;
	v7 =	vadd.f32 v15, v7;
	v2 =	vshll.u32 v3, $0x10;
	v14 =	vld [tilespmem:s0+$0x6460]  }
0x97: {  	v8 =	vadd.f32 v3, v8;
	v9 =	vadd.f32 v2, v9;
	v3 =	vshll.u32 v0, $0x10;
	v5 =	vld [tilespmem:s0+$0x6470];
	s0 =	sshra.s32 s1, $0x2  }
.Ltmp2:
0x98: {  	v6 =	vadd.f32 v0, v6;
	v2 =	vld [tilespmem:s0+$0x6400];
	v7 =	vadd.f32 v3, v7;
	v0 =	vshll.u32 v1, $0x10;
	(pc) =	sbr.rel @p1 .LBB2_7-.Ltmp2, $4  }
0x99: {  	v8 =	vadd.f32 v1, v8;
	v3 =	vld [tilespmem:s0+$0x6410];
	v15 =	vshll.u32 v4, $0x10;
	v9 =	vadd.f32 v0, v9  }
0x9a: {  	v11 =	vadd.f32 v4, v11;
	v0 =	vld [tilespmem:s0+$0x6440];
	v10 =	vadd.f32 v15, v10;
	v4 =	vshll.u32 v16, $0x10  }
0x9b: {  	v13 =	vadd.f32 v16, v13;
	v1 =	vld [tilespmem:s0+$0x6450];
	v12 =	vadd.f32 v4, v12;
	v15 =	vshll.u32 v14, $0x10  }
0x9c: {  	s1 =	sadd.s32 $0x200, s1;
	v11 =	vadd.f32 v14, v11;
	v4 =	vld [tilespmem:s0+$0x6420];
	v10 =	vadd.f32 v15, v10;
	v14 =	vshll.u32 v5, $0x10  }
0x9d: {  	v15 =	vshll.u32 v2, $0x10;
	v16 =	vld [tilespmem:s0+$0x6430];
	v12 =	vadd.f32 v14, v12;
	v5 =	vadd.f32 v5, v13  }
0x9e: {  	v14 =	vld [tilespmem:s0+$0x6460];
	v2 =	vadd.f32 v2, v6;
	v7 =	vadd.f32 v15, v7;
	v13 =	vshll.u32 v3, $0x10  }
0x9f: {  	v3 =	vadd.f32 v3, v8;
	v6 =	vadd.f32 v13, v9;
	v9 =	vshll.u32 v0, $0x10  }
0xa0: {  	v8 =	vld [tilespmem:s0+$0x6470];
	v0 =	vadd.f32 v0, v2;
	v7 =	vadd.f32 v9, v7;
	v9 =	vshll.u32 v1, $0x10  }
0xa1: {  	v1 =	vadd.f32 v1, v3;
	v2 =	vshll.u32 v4, $0x10;
	v3 =	vadd.f32 v4, v11  }
0xa2: {  	v6 =	vadd.f32 v9, v6;
	v2 =	vadd.f32 v2, v10;
	v4 =	vshll.u32 v16, $0x10  }
0xa3: {  	v9 =	vshll.u32 v14, $0x10;
	v5 =	vadd.f32 v16, v5;
	v3 =	vadd.f32 v14, v3  }
0xa4: {  	v4 =	vadd.f32 v4, v12;
	v2 =	vadd.f32 v9, v2  }
0xa5: {  	v9 =	vshll.u32 v8, $0x10;
	v5 =	vadd.f32 v8, v5;
	v0 =	vadd.f32 v3, v0  }
0xa6: {  	v4 =	vadd.f32 v9, v4;
	v2 =	vadd.f32 v2, v7  }
0xa7: {  	[tilespmem:s31+$0xFA90] =	vst v0;
	v0 =	vadd.f32 v5, v1  }
0xa8: {  	[tilespmem:s31+$0xFA80] =	vst v2;
	v2 =	vadd.f32 v4, v6  }
0xa9: {  	[tilespmem:s31+$0xFAB0] =	vst v0  }
0xaa: {  	s1 =	simm.s32 $0x0;
	[tilespmem:s31+$0xFAA0] =	vst v2  }
0xab: {  	v0 =	vld [tilespmem:s1+$0x7D00]  }
0xac: {  	v10 =	vld [tilespmem:s1+$0x7D20]  }
0xad: {  	v1 =	vld [tilespmem:s1+$0x7D10]  }
0xae: {  	v3 =	vld [tilespmem:s1+$0x7D40]  }
0xaf: {  	v4 =	vld [tilespmem:s1+$0x7D50]  }
0xb0: {  	v11 =	vimm.f32 $0.0e+00;
	v13 =	vld [tilespmem:s1+$0x7D30];
	v2 =	vshll.u32 v0, $0x10  }
0xb1: {  	v14 =	vld [tilespmem:s1+$0x7D60];
	v0 =	vadd.f32 v0, v11;
	v12 =	vshll.u32 v10, $0x10;
	v63 =	vadd.f32 v10, v11  }
0xb2: {  	s0 =	simm.s32 $0x80;
	v5 =	vld [tilespmem:s1+$0x7D70];
	v6 =	vadd.f32 v2, v11;
	v2 =	vshll.u32 v1, $0x10;
	v1 =	vadd.f32 v1, v11  }
0xb3: {  	v7 =	vshll.u32 v3, $0x10;
	v15 =	vadd.f32 v12, v11;
	v8 =	vadd.f32 v2, v11;
	v2 =	vld [tilespmem:s0+$0x7D00]  }
0xb4: {  	v7 =	vadd.f32 v7, v6;
	v6 =	vadd.f32 v3, v0;
	v0 =	vshll.u32 v4, $0x10;
	v3 =	vld [tilespmem:s0+$0x7D10]  }
0xb5: {  	v9 =	vadd.f32 v0, v8;
	v8 =	vadd.f32 v4, v1;
	v0 =	vld [tilespmem:s0+$0x7D40];
	v4 =	vshll.u32 v13, $0x10  }
0xb6: {  	v10 =	vshll.u32 v14, $0x10;
	v1 =	vld [tilespmem:s0+$0x7D50];
	v13 =	vadd.f32 v13, v11;
	v12 =	vadd.f32 v4, v11  }
0xb7: {  	s1 =	simm.s32 $0x400;
	v10 =	vadd.f32 v10, v15;
	v4 =	vld [tilespmem:s0+$0x7D20];
	v11 =	vadd.f32 v14, v63;
	v14 =	vshll.u32 v5, $0x10  }
.LBB2_9:
0xb8: {  	p1 =	sne.s32 s1, $0x6200;
	v15 =	vshll.u32 v2, $0x10;
	v16 =	vld [tilespmem:s0+$0x7D30];
	v12 =	vadd.f32 v14, v12;
	v13 =	vadd.f32 v5, v13  }
0xb9: {  	v6 =	vadd.f32 v2, v6;
	v7 =	vadd.f32 v15, v7;
	v2 =	vshll.u32 v3, $0x10;
	v14 =	vld [tilespmem:s0+$0x7D60]  }
0xba: {  	v8 =	vadd.f32 v3, v8;
	v9 =	vadd.f32 v2, v9;
	v3 =	vshll.u32 v0, $0x10;
	v5 =	vld [tilespmem:s0+$0x7D70];
	s0 =	sshra.s32 s1, $0x2  }
.Ltmp3:
0xbb: {  	v6 =	vadd.f32 v0, v6;
	v2 =	vld [tilespmem:s0+$0x7D00];
	v7 =	vadd.f32 v3, v7;
	v0 =	vshll.u32 v1, $0x10;
	(pc) =	sbr.rel @p1 .LBB2_9-.Ltmp3, $4  }
0xbc: {  	v8 =	vadd.f32 v1, v8;
	v3 =	vld [tilespmem:s0+$0x7D10];
	v15 =	vshll.u32 v4, $0x10;
	v9 =	vadd.f32 v0, v9  }
0xbd: {  	v11 =	vadd.f32 v4, v11;
	v0 =	vld [tilespmem:s0+$0x7D40];
	v10 =	vadd.f32 v15, v10;
	v4 =	vshll.u32 v16, $0x10  }
0xbe: {  	v13 =	vadd.f32 v16, v13;
	v1 =	vld [tilespmem:s0+$0x7D50];
	v12 =	vadd.f32 v4, v12;
	v15 =	vshll.u32 v14, $0x10  }
0xbf: {  	s1 =	sadd.s32 $0x200, s1;
	v11 =	vadd.f32 v14, v11;
	v4 =	vld [tilespmem:s0+$0x7D20];
	v10 =	vadd.f32 v15, v10;
	v14 =	vshll.u32 v5, $0x10  }
0xc0: {  	v15 =	vshll.u32 v2, $0x10;
	v16 =	vld [tilespmem:s0+$0x7D30];
	v12 =	vadd.f32 v14, v12;
	v5 =	vadd.f32 v5, v13  }
0xc1: {  	v14 =	vld [tilespmem:s0+$0x7D60];
	v2 =	vadd.f32 v2, v6;
	v7 =	vadd.f32 v15, v7;
	v13 =	vshll.u32 v3, $0x10  }
0xc2: {  	v3 =	vadd.f32 v3, v8;
	v6 =	vadd.f32 v13, v9;
	v9 =	vshll.u32 v0, $0x10  }
0xc3: {  	v8 =	vld [tilespmem:s0+$0x7D70];
	v0 =	vadd.f32 v0, v2;
	v7 =	vadd.f32 v9, v7;
	v9 =	vshll.u32 v1, $0x10  }
0xc4: {  	v1 =	vadd.f32 v1, v3;
	v2 =	vshll.u32 v4, $0x10;
	v3 =	vadd.f32 v4, v11  }
0xc5: {  	v6 =	vadd.f32 v9, v6;
	v2 =	vadd.f32 v2, v10;
	v4 =	vshll.u32 v16, $0x10  }
0xc6: {  	v9 =	vshll.u32 v14, $0x10;
	v5 =	vadd.f32 v16, v5;
	v3 =	vadd.f32 v14, v3  }
0xc7: {  	v4 =	vadd.f32 v4, v12;
	v2 =	vadd.f32 v9, v2  }
0xc8: {  	s0 =	sshll.u32 @!p0 s29, $0x3;
	v9 =	vshll.u32 v8, $0x10;
	v5 =	vadd.f32 v8, v5;
	v0 =	vadd.f32 v3, v0  }
0xc9: {  	s1 =	sadd.s32 @!p0 $0xA, s0;
	v4 =	vadd.f32 v9, v4;
	v2 =	vadd.f32 v2, v7  }
0xca: {  	s1 =	sand.u32 @!p0 $0x3A, s1;
	[tilespmem:s31+$0xFAD0] =	vst v0;
	v0 =	vadd.f32 v5, v1  }
0xcb: {  	s1 =	smul.u32 @!p0 $0x320, s1;
	[tilespmem:s31+$0xFAC0] =	vst v2;
	v2 =	vadd.f32 v4, v6  }
0xcc: {  	[tilespmem:s31+$0xFAF0] =	vst v0  }
0xcd: {  	s12 =	simm.s32 @!p0 $0x80;
	s14 =	simm.s32 @!p0 $0x6400;
	s1 =	sshrl.u32 @!p0 s1, $0x2;
	[tilespmem:s31+$0xFAE0] =	vst v2  }
0xce: {  	[tilespmem:s14], [sflag:$0x2] =	stream.indirect.gather @!p0 [hbm4b:s5+s12], $0x20, s1, s12, $0xb8;
	[tilespmem:$0x10200] =	vst v63  }
0xcf: {  	s15 =	simm.s32 @!p0 $0x48;
	s16 =	simm.s32 @!p0 $0x7400;
	s14 =	sadd.s32 @!p0 $0x80, s1  }
0xd0: {  	[tilespmem:s16], [sflag:$0x2] =	stream.indirect.gather @!p0 [hbm4b:s5+s15], $0x20, s14, s15, $0xb8;
	[tilespmem:$0x10200] =	vst v63  }
0xd1: {  	s14 =	sadd.s32 @!p0 $0xC8, s1;
	s16 =	simm.s32 @!p0 $0x7D00  }
0xd2: {  	[tilespmem:s16], [sflag:$0x2] =	stream.indirect.gather @!p0 [hbm4b:s5+s12], $0x20, s14, s12, $0xb8;
	[tilespmem:$0x10200] =	vst v63  }
0xd3: {  	s1 =	sadd.s32 @!p0 $0x148, s1;
	s12 =	simm.s32 @!p0 $0x8D00  }
0xd4: {  	[tilespmem:s12], [sflag:$0x2] =	stream.indirect.gather @!p0 [hbm4b:s5+s15], $0x20, s1, s15, $0xb8;
	[tilespmem:$0x10200] =	vst v63  }
0xd5: {  	_ =	swait.ge [sflag:s25], $0x3200  }
0xd6: {  	[sflag:s25] =	ssyncset.done $0x0  }
0xd7: {  	s16 =	simm.s32 $0x0;
	[sflag:s25] =	ssyncadd.s32 $0xFFFFCE00  }
0xd8: {  	v0 =	vld [tilespmem:s16+$0x9600]  }
0xd9: {  	v10 =	vld [tilespmem:s16+$0x9620]  }
0xda: {  	v1 =	vld [tilespmem:s16+$0x9610]  }
0xdb: {  	v3 =	vld [tilespmem:s16+$0x9640]  }
0xdc: {  	v4 =	vld [tilespmem:s16+$0x9650]  }
0xdd: {  	v11 =	vimm.f32 $0.0e+00;
	v13 =	vld [tilespmem:s16+$0x9630];
	v2 =	vshll.u32 v0, $0x10  }
0xde: {  	v14 =	vld [tilespmem:s16+$0x9660];
	v0 =	vadd.f32 v0, v11;
	v12 =	vshll.u32 v10, $0x10;
	v63 =	vadd.f32 v10, v11  }
0xdf: {  	s1 =	simm.s32 $0x80;
	v5 =	vld [tilespmem:s16+$0x9670];
	v6 =	vadd.f32 v2, v11;
	v2 =	vshll.u32 v1, $0x10;
	v1 =	vadd.f32 v1, v11  }
0xe0: {  	v7 =	vshll.u32 v3, $0x10;
	v15 =	vadd.f32 v12, v11;
	v8 =	vadd.f32 v2, v11;
	v2 =	vld [tilespmem:s1+$0x9600]  }
0xe1: {  	v7 =	vadd.f32 v7, v6;
	v6 =	vadd.f32 v3, v0;
	v0 =	vshll.u32 v4, $0x10;
	v3 =	vld [tilespmem:s1+$0x9610]  }
0xe2: {  	v9 =	vadd.f32 v0, v8;
	v8 =	vadd.f32 v4, v1;
	v0 =	vld [tilespmem:s1+$0x9640];
	v4 =	vshll.u32 v13, $0x10  }
0xe3: {  	v10 =	vshll.u32 v14, $0x10;
	v1 =	vld [tilespmem:s1+$0x9650];
	v13 =	vadd.f32 v13, v11;
	v12 =	vadd.f32 v4, v11  }
0xe4: {  	s12 =	simm.s32 $0x400;
	v10 =	vadd.f32 v10, v15;
	v4 =	vld [tilespmem:s1+$0x9620];
	v11 =	vadd.f32 v14, v63;
	v14 =	vshll.u32 v5, $0x10  }
.LBB2_11:
0xe5: {  	p1 =	sne.s32 s12, $0x6200;
	v15 =	vshll.u32 v2, $0x10;
	v16 =	vld [tilespmem:s1+$0x9630];
	v12 =	vadd.f32 v14, v12;
	v13 =	vadd.f32 v5, v13  }
0xe6: {  	v6 =	vadd.f32 v2, v6;
	v7 =	vadd.f32 v15, v7;
	v2 =	vshll.u32 v3, $0x10;
	v14 =	vld [tilespmem:s1+$0x9660]  }
0xe7: {  	v8 =	vadd.f32 v3, v8;
	v9 =	vadd.f32 v2, v9;
	v3 =	vshll.u32 v0, $0x10;
	v5 =	vld [tilespmem:s1+$0x9670];
	s1 =	sshra.s32 s12, $0x2  }
.Ltmp4:
0xe8: {  	v6 =	vadd.f32 v0, v6;
	v2 =	vld [tilespmem:s1+$0x9600];
	v7 =	vadd.f32 v3, v7;
	v0 =	vshll.u32 v1, $0x10;
	(pc) =	sbr.rel @p1 .LBB2_11-.Ltmp4, $4  }
0xe9: {  	v8 =	vadd.f32 v1, v8;
	v3 =	vld [tilespmem:s1+$0x9610];
	v15 =	vshll.u32 v4, $0x10;
	v9 =	vadd.f32 v0, v9  }
0xea: {  	v11 =	vadd.f32 v4, v11;
	v0 =	vld [tilespmem:s1+$0x9640];
	v10 =	vadd.f32 v15, v10;
	v4 =	vshll.u32 v16, $0x10  }
0xeb: {  	v13 =	vadd.f32 v16, v13;
	v1 =	vld [tilespmem:s1+$0x9650];
	v12 =	vadd.f32 v4, v12;
	v15 =	vshll.u32 v14, $0x10  }
0xec: {  	s12 =	sadd.s32 $0x200, s12;
	v11 =	vadd.f32 v14, v11;
	v4 =	vld [tilespmem:s1+$0x9620];
	v10 =	vadd.f32 v15, v10;
	v14 =	vshll.u32 v5, $0x10  }
0xed: {  	v15 =	vshll.u32 v2, $0x10;
	v16 =	vld [tilespmem:s1+$0x9630];
	v12 =	vadd.f32 v14, v12;
	v5 =	vadd.f32 v5, v13  }
0xee: {  	v14 =	vld [tilespmem:s1+$0x9660];
	v2 =	vadd.f32 v2, v6;
	v7 =	vadd.f32 v15, v7;
	v13 =	vshll.u32 v3, $0x10  }
0xef: {  	v3 =	vadd.f32 v3, v8;
	v6 =	vadd.f32 v13, v9;
	v9 =	vshll.u32 v0, $0x10  }
0xf0: {  	v8 =	vld [tilespmem:s1+$0x9670];
	v0 =	vadd.f32 v0, v2;
	v7 =	vadd.f32 v9, v7;
	v9 =	vshll.u32 v1, $0x10  }
0xf1: {  	v1 =	vadd.f32 v1, v3;
	v2 =	vshll.u32 v4, $0x10;
	v3 =	vadd.f32 v4, v11  }
0xf2: {  	v6 =	vadd.f32 v9, v6;
	v2 =	vadd.f32 v2, v10;
	v4 =	vshll.u32 v16, $0x10  }
0xf3: {  	v9 =	vshll.u32 v14, $0x10;
	v5 =	vadd.f32 v16, v5;
	v3 =	vadd.f32 v14, v3  }
0xf4: {  	v4 =	vadd.f32 v4, v12;
	v2 =	vadd.f32 v9, v2  }
0xf5: {  	v9 =	vshll.u32 v8, $0x10;
	v5 =	vadd.f32 v8, v5;
	v0 =	vadd.f32 v3, v0  }
0xf6: {  	v4 =	vadd.f32 v9, v4;
	v2 =	vadd.f32 v2, v7  }
0xf7: {  	[tilespmem:s31+$0xFB10] =	vst v0;
	v0 =	vadd.f32 v5, v1  }
0xf8: {  	[tilespmem:s31+$0xFB00] =	vst v2;
	v2 =	vadd.f32 v4, v6  }
0xf9: {  	[tilespmem:s31+$0xFB30] =	vst v0  }
0xfa: {  	s12 =	simm.s32 $0x0;
	[tilespmem:s31+$0xFB20] =	vst v2  }
0xfb: {  	v0 =	vld [tilespmem:s12+$0xAF00]  }
0xfc: {  	v10 =	vld [tilespmem:s12+$0xAF20]  }
0xfd: {  	v1 =	vld [tilespmem:s12+$0xAF10]  }
0xfe: {  	v3 =	vld [tilespmem:s12+$0xAF40]  }
0xff: {  	v4 =	vld [tilespmem:s12+$0xAF50]  }
0x100: {  	v11 =	vimm.f32 $0.0e+00;
	v13 =	vld [tilespmem:s12+$0xAF30];
	v2 =	vshll.u32 v0, $0x10  }
0x101: {  	v14 =	vld [tilespmem:s12+$0xAF60];
	v0 =	vadd.f32 v0, v11;
	v12 =	vshll.u32 v10, $0x10;
	v63 =	vadd.f32 v10, v11  }
0x102: {  	s1 =	simm.s32 $0x80;
	v5 =	vld [tilespmem:s12+$0xAF70];
	v6 =	vadd.f32 v2, v11;
	v2 =	vshll.u32 v1, $0x10;
	v1 =	vadd.f32 v1, v11  }
0x103: {  	v7 =	vshll.u32 v3, $0x10;
	v15 =	vadd.f32 v12, v11;
	v8 =	vadd.f32 v2, v11;
	v2 =	vld [tilespmem:s1+$0xAF00]  }
0x104: {  	v7 =	vadd.f32 v7, v6;
	v6 =	vadd.f32 v3, v0;
	v0 =	vshll.u32 v4, $0x10;
	v3 =	vld [tilespmem:s1+$0xAF10]  }
0x105: {  	v9 =	vadd.f32 v0, v8;
	v8 =	vadd.f32 v4, v1;
	v0 =	vld [tilespmem:s1+$0xAF40];
	v4 =	vshll.u32 v13, $0x10  }
0x106: {  	v10 =	vshll.u32 v14, $0x10;
	v1 =	vld [tilespmem:s1+$0xAF50];
	v13 =	vadd.f32 v13, v11;
	v12 =	vadd.f32 v4, v11  }
0x107: {  	s12 =	simm.s32 $0x400;
	v10 =	vadd.f32 v10, v15;
	v4 =	vld [tilespmem:s1+$0xAF20];
	v11 =	vadd.f32 v14, v63;
	v14 =	vshll.u32 v5, $0x10  }
.LBB2_13:
0x108: {  	p1 =	sne.s32 s12, $0x6200;
	v15 =	vshll.u32 v2, $0x10;
	v16 =	vld [tilespmem:s1+$0xAF30];
	v12 =	vadd.f32 v14, v12;
	v13 =	vadd.f32 v5, v13  }
0x109: {  	v6 =	vadd.f32 v2, v6;
	v7 =	vadd.f32 v15, v7;
	v2 =	vshll.u32 v3, $0x10;
	v14 =	vld [tilespmem:s1+$0xAF60]  }
0x10a: {  	v8 =	vadd.f32 v3, v8;
	v9 =	vadd.f32 v2, v9;
	v3 =	vshll.u32 v0, $0x10;
	v5 =	vld [tilespmem:s1+$0xAF70];
	s1 =	sshra.s32 s12, $0x2  }
.Ltmp5:
0x10b: {  	v6 =	vadd.f32 v0, v6;
	v2 =	vld [tilespmem:s1+$0xAF00];
	v7 =	vadd.f32 v3, v7;
	v0 =	vshll.u32 v1, $0x10;
	(pc) =	sbr.rel @p1 .LBB2_13-.Ltmp5, $4  }
0x10c: {  	v8 =	vadd.f32 v1, v8;
	v3 =	vld [tilespmem:s1+$0xAF10];
	v15 =	vshll.u32 v4, $0x10;
	v9 =	vadd.f32 v0, v9  }
0x10d: {  	v11 =	vadd.f32 v4, v11;
	v0 =	vld [tilespmem:s1+$0xAF40];
	v10 =	vadd.f32 v15, v10;
	v4 =	vshll.u32 v16, $0x10  }
0x10e: {  	v13 =	vadd.f32 v16, v13;
	v1 =	vld [tilespmem:s1+$0xAF50];
	v12 =	vadd.f32 v4, v12;
	v15 =	vshll.u32 v14, $0x10  }
0x10f: {  	s12 =	sadd.s32 $0x200, s12;
	v11 =	vadd.f32 v14, v11;
	v4 =	vld [tilespmem:s1+$0xAF20];
	v10 =	vadd.f32 v15, v10;
	v14 =	vshll.u32 v5, $0x10  }
0x110: {  	v15 =	vshll.u32 v2, $0x10;
	v16 =	vld [tilespmem:s1+$0xAF30];
	v12 =	vadd.f32 v14, v12;
	v5 =	vadd.f32 v5, v13  }
0x111: {  	v14 =	vld [tilespmem:s1+$0xAF60];
	v2 =	vadd.f32 v2, v6;
	v7 =	vadd.f32 v15, v7;
	v13 =	vshll.u32 v3, $0x10  }
0x112: {  	v3 =	vadd.f32 v3, v8;
	v6 =	vadd.f32 v13, v9;
	v9 =	vshll.u32 v0, $0x10  }
0x113: {  	v8 =	vld [tilespmem:s1+$0xAF70];
	v0 =	vadd.f32 v0, v2;
	v7 =	vadd.f32 v9, v7;
	v9 =	vshll.u32 v1, $0x10  }
0x114: {  	v1 =	vadd.f32 v1, v3;
	v2 =	vshll.u32 v4, $0x10;
	v3 =	vadd.f32 v4, v11  }
0x115: {  	v6 =	vadd.f32 v9, v6;
	v2 =	vadd.f32 v2, v10;
	v4 =	vshll.u32 v16, $0x10  }
0x116: {  	v9 =	vshll.u32 v14, $0x10;
	v5 =	vadd.f32 v16, v5;
	v3 =	vadd.f32 v14, v3  }
0x117: {  	v4 =	vadd.f32 v4, v12;
	v2 =	vadd.f32 v9, v2  }
0x118: {  	v9 =	vshll.u32 v8, $0x10;
	v5 =	vadd.f32 v8, v5;
	v0 =	vadd.f32 v3, v0  }
0x119: {  	s1 =	sadd.s32 @!p0 $0xC, s0;
	v4 =	vadd.f32 v9, v4;
	v2 =	vadd.f32 v2, v7  }
0x11a: {  	s1 =	sand.u32 @!p0 $0x3C, s1;
	[tilespmem:s31+$0xFB50] =	vst v0;
	v0 =	vadd.f32 v5, v1  }
0x11b: {  	s1 =	smul.u32 @!p0 $0x320, s1;
	[tilespmem:s31+$0xFB40] =	vst v2;
	v2 =	vadd.f32 v4, v6  }
0x11c: {  	[tilespmem:s31+$0xFB70] =	vst v0  }
0x11d: {  	s12 =	simm.s32 @!p0 $0x80;
	s14 =	simm.s32 @!p0 $0x9600;
	s1 =	sshrl.u32 @!p0 s1, $0x2;
	[tilespmem:s31+$0xFB60] =	vst v2  }
0x11e: {  	[tilespmem:s14], [sflag:$0x3] =	stream.indirect.gather @!p0 [hbm4b:s5+s12], $0x20, s1, s12, $0xb8;
	[tilespmem:$0x10200] =	vst v63  }
0x11f: {  	s15 =	simm.s32 @!p0 $0x48;
	s16 =	simm.s32 @!p0 $0xA600;
	s14 =	sadd.s32 @!p0 $0x80, s1  }
0x120: {  	[tilespmem:s16], [sflag:$0x3] =	stream.indirect.gather @!p0 [hbm4b:s5+s15], $0x20, s14, s15, $0xb8;
	[tilespmem:$0x10200] =	vst v63  }
0x121: {  	s14 =	sadd.s32 @!p0 $0xC8, s1;
	s16 =	simm.s32 @!p0 $0xAF00  }
0x122: {  	[tilespmem:s16], [sflag:$0x3] =	stream.indirect.gather @!p0 [hbm4b:s5+s12], $0x20, s14, s12, $0xb8;
	[tilespmem:$0x10200] =	vst v63  }
0x123: {  	s1 =	sadd.s32 @!p0 $0x148, s1;
	s12 =	simm.s32 @!p0 $0xBF00  }
0x124: {  	[tilespmem:s12], [sflag:$0x3] =	stream.indirect.gather @!p0 [hbm4b:s5+s15], $0x20, s1, s15, $0xb8;
	[tilespmem:$0x10200] =	vst v63  }
0x125: {  	_ =	swait.ge [sflag:s26], $0x3200  }
0x126: {  	[sflag:s26] =	ssyncset.done $0x0  }
0x127: {  	s31 =	simm.s32 $0x0;
	[sflag:s26] =	ssyncadd.s32 $0xFFFFCE00  }
0x128: {  	v0 =	vld [tilespmem:s31+$0xC800]  }
0x129: {  	v10 =	vld [tilespmem:s31+$0xC820]  }
0x12a: {  	v1 =	vld [tilespmem:s31+$0xC810]  }
0x12b: {  	v3 =	vld [tilespmem:s31+$0xC840]  }
0x12c: {  	v4 =	vld [tilespmem:s31+$0xC850]  }
0x12d: {  	v11 =	vimm.f32 $0.0e+00;
	v13 =	vld [tilespmem:s31+$0xC830];
	v2 =	vshll.u32 v0, $0x10  }
0x12e: {  	v14 =	vld [tilespmem:s31+$0xC860];
	v0 =	vadd.f32 v0, v11;
	v12 =	vshll.u32 v10, $0x10;
	v63 =	vadd.f32 v10, v11  }
0x12f: {  	s1 =	simm.s32 $0x80;
	v5 =	vld [tilespmem:s31+$0xC870];
	v6 =	vadd.f32 v2, v11;
	v2 =	vshll.u32 v1, $0x10;
	v1 =	vadd.f32 v1, v11  }
0x130: {  	v7 =	vshll.u32 v3, $0x10;
	v15 =	vadd.f32 v12, v11;
	v8 =	vadd.f32 v2, v11;
	v2 =	vld [tilespmem:s1+$0xC800]  }
0x131: {  	v7 =	vadd.f32 v7, v6;
	v6 =	vadd.f32 v3, v0;
	v0 =	vshll.u32 v4, $0x10;
	v3 =	vld [tilespmem:s1+$0xC810]  }
0x132: {  	v9 =	vadd.f32 v0, v8;
	v8 =	vadd.f32 v4, v1;
	v0 =	vld [tilespmem:s1+$0xC840];
	v4 =	vshll.u32 v13, $0x10  }
0x133: {  	v10 =	vshll.u32 v14, $0x10;
	v1 =	vld [tilespmem:s1+$0xC850];
	v13 =	vadd.f32 v13, v11;
	v12 =	vadd.f32 v4, v11  }
0x134: {  	s12 =	simm.s32 $0x400;
	v10 =	vadd.f32 v10, v15;
	v4 =	vld [tilespmem:s1+$0xC820];
	v11 =	vadd.f32 v14, v63;
	v14 =	vshll.u32 v5, $0x10  }
.LBB2_15:
0x135: {  	p1 =	sne.s32 s12, $0x6200;
	v15 =	vshll.u32 v2, $0x10;
	v16 =	vld [tilespmem:s1+$0xC830];
	v12 =	vadd.f32 v14, v12;
	v13 =	vadd.f32 v5, v13  }
0x136: {  	v6 =	vadd.f32 v2, v6;
	v7 =	vadd.f32 v15, v7;
	v2 =	vshll.u32 v3, $0x10;
	v14 =	vld [tilespmem:s1+$0xC860]  }
0x137: {  	v8 =	vadd.f32 v3, v8;
	v9 =	vadd.f32 v2, v9;
	v3 =	vshll.u32 v0, $0x10;
	v5 =	vld [tilespmem:s1+$0xC870];
	s1 =	sshra.s32 s12, $0x2  }
.Ltmp6:
0x138: {  	v6 =	vadd.f32 v0, v6;
	v2 =	vld [tilespmem:s1+$0xC800];
	v7 =	vadd.f32 v3, v7;
	v0 =	vshll.u32 v1, $0x10;
	(pc) =	sbr.rel @p1 .LBB2_15-.Ltmp6, $4  }
0x139: {  	v8 =	vadd.f32 v1, v8;
	v3 =	vld [tilespmem:s1+$0xC810];
	v15 =	vshll.u32 v4, $0x10;
	v9 =	vadd.f32 v0, v9  }
0x13a: {  	v11 =	vadd.f32 v4, v11;
	v0 =	vld [tilespmem:s1+$0xC840];
	v10 =	vadd.f32 v15, v10;
	v4 =	vshll.u32 v16, $0x10  }
0x13b: {  	v13 =	vadd.f32 v16, v13;
	v1 =	vld [tilespmem:s1+$0xC850];
	v12 =	vadd.f32 v4, v12;
	v15 =	vshll.u32 v14, $0x10  }
0x13c: {  	s12 =	sadd.s32 $0x200, s12;
	v11 =	vadd.f32 v14, v11;
	v4 =	vld [tilespmem:s1+$0xC820];
	v10 =	vadd.f32 v15, v10;
	v14 =	vshll.u32 v5, $0x10  }
0x13d: {  	v15 =	vshll.u32 v2, $0x10;
	v16 =	vld [tilespmem:s1+$0xC830];
	v12 =	vadd.f32 v14, v12;
	v5 =	vadd.f32 v5, v13  }
0x13e: {  	v14 =	vld [tilespmem:s1+$0xC860];
	v2 =	vadd.f32 v2, v6;
	v7 =	vadd.f32 v15, v7;
	v13 =	vshll.u32 v3, $0x10  }
0x13f: {  	v3 =	vadd.f32 v3, v8;
	v6 =	vadd.f32 v13, v9;
	v9 =	vshll.u32 v0, $0x10  }
0x140: {  	v8 =	vld [tilespmem:s1+$0xC870];
	v0 =	vadd.f32 v0, v2;
	v7 =	vadd.f32 v9, v7;
	v9 =	vshll.u32 v1, $0x10  }
0x141: {  	v1 =	vadd.f32 v1, v3;
	v2 =	vshll.u32 v4, $0x10;
	v3 =	vadd.f32 v4, v11  }
0x142: {  	v6 =	vadd.f32 v9, v6;
	v2 =	vadd.f32 v2, v10;
	v4 =	vshll.u32 v16, $0x10  }
0x143: {  	v9 =	vshll.u32 v14, $0x10;
	v5 =	vadd.f32 v16, v5;
	v3 =	vadd.f32 v14, v3  }
0x144: {  	s30 =	sor.u32 $0x3, s30;
	v4 =	vadd.f32 v4, v12;
	v2 =	vadd.f32 v9, v2  }
0x145: {  	s16 =	sshll.u32 s30, $0x7;
	v9 =	vshll.u32 v8, $0x10;
	v5 =	vadd.f32 v8, v5;
	v0 =	vadd.f32 v3, v0  }
0x146: {  	s31 =	sand.u32 $0x780, s16;
	v4 =	vadd.f32 v9, v4;
	v2 =	vadd.f32 v2, v7  }
0x147: {  	[tilespmem:s31+$0xFA10] =	vst v0;
	v0 =	vadd.f32 v5, v1  }
0x148: {  	[tilespmem:s31+$0xFA00] =	vst v2;
	v2 =	vadd.f32 v4, v6  }
0x149: {  	[tilespmem:s31+$0xFA30] =	vst v0  }
0x14a: {  	s12 =	simm.s32 $0x0;
	[tilespmem:s31+$0xFA20] =	vst v2  }
0x14b: {  	v0 =	vld [tilespmem:s12+$0xE100]  }
0x14c: {  	v10 =	vld [tilespmem:s12+$0xE120]  }
0x14d: {  	v1 =	vld [tilespmem:s12+$0xE110]  }
0x14e: {  	v3 =	vld [tilespmem:s12+$0xE140]  }
0x14f: {  	v4 =	vld [tilespmem:s12+$0xE150]  }
0x150: {  	v11 =	vimm.f32 $0.0e+00;
	v13 =	vld [tilespmem:s12+$0xE130];
	v2 =	vshll.u32 v0, $0x10  }
0x151: {  	v14 =	vld [tilespmem:s12+$0xE160];
	v0 =	vadd.f32 v0, v11;
	v12 =	vshll.u32 v10, $0x10;
	v63 =	vadd.f32 v10, v11  }
0x152: {  	s1 =	simm.s32 $0x80;
	v5 =	vld [tilespmem:s12+$0xE170];
	v6 =	vadd.f32 v2, v11;
	v2 =	vshll.u32 v1, $0x10;
	v1 =	vadd.f32 v1, v11  }
0x153: {  	v7 =	vshll.u32 v3, $0x10;
	v15 =	vadd.f32 v12, v11;
	v8 =	vadd.f32 v2, v11;
	v2 =	vld [tilespmem:s1+$0xE100]  }
0x154: {  	v7 =	vadd.f32 v7, v6;
	v6 =	vadd.f32 v3, v0;
	v0 =	vshll.u32 v4, $0x10;
	v3 =	vld [tilespmem:s1+$0xE110]  }
0x155: {  	v9 =	vadd.f32 v0, v8;
	v8 =	vadd.f32 v4, v1;
	v0 =	vld [tilespmem:s1+$0xE140];
	v4 =	vshll.u32 v13, $0x10  }
0x156: {  	v10 =	vshll.u32 v14, $0x10;
	v1 =	vld [tilespmem:s1+$0xE150];
	v13 =	vadd.f32 v13, v11;
	v12 =	vadd.f32 v4, v11  }
0x157: {  	s12 =	simm.s32 $0x400;
	v10 =	vadd.f32 v10, v15;
	v4 =	vld [tilespmem:s1+$0xE120];
	v11 =	vadd.f32 v14, v63;
	v14 =	vshll.u32 v5, $0x10  }
.LBB2_17:
0x158: {  	p1 =	sne.s32 s12, $0x6200;
	v15 =	vshll.u32 v2, $0x10;
	v16 =	vld [tilespmem:s1+$0xE130];
	v12 =	vadd.f32 v14, v12;
	v13 =	vadd.f32 v5, v13  }
0x159: {  	v6 =	vadd.f32 v2, v6;
	v7 =	vadd.f32 v15, v7;
	v2 =	vshll.u32 v3, $0x10;
	v14 =	vld [tilespmem:s1+$0xE160]  }
0x15a: {  	v8 =	vadd.f32 v3, v8;
	v9 =	vadd.f32 v2, v9;
	v3 =	vshll.u32 v0, $0x10;
	v5 =	vld [tilespmem:s1+$0xE170];
	s1 =	sshra.s32 s12, $0x2  }
.Ltmp7:
0x15b: {  	v6 =	vadd.f32 v0, v6;
	v2 =	vld [tilespmem:s1+$0xE100];
	v7 =	vadd.f32 v3, v7;
	v0 =	vshll.u32 v1, $0x10;
	(pc) =	sbr.rel @p1 .LBB2_17-.Ltmp7, $4  }
0x15c: {  	v8 =	vadd.f32 v1, v8;
	v3 =	vld [tilespmem:s1+$0xE110];
	v15 =	vshll.u32 v4, $0x10;
	v9 =	vadd.f32 v0, v9  }
0x15d: {  	v11 =	vadd.f32 v4, v11;
	v0 =	vld [tilespmem:s1+$0xE140];
	v10 =	vadd.f32 v15, v10;
	v4 =	vshll.u32 v16, $0x10  }
0x15e: {  	v13 =	vadd.f32 v16, v13;
	v1 =	vld [tilespmem:s1+$0xE150];
	v12 =	vadd.f32 v4, v12;
	v15 =	vshll.u32 v14, $0x10  }
0x15f: {  	s12 =	sadd.s32 $0x200, s12;
	v11 =	vadd.f32 v14, v11;
	v4 =	vld [tilespmem:s1+$0xE120];
	v10 =	vadd.f32 v15, v10;
	v14 =	vshll.u32 v5, $0x10  }
0x160: {  	v15 =	vshll.u32 v2, $0x10;
	v16 =	vld [tilespmem:s1+$0xE130];
	v12 =	vadd.f32 v14, v12;
	v5 =	vadd.f32 v5, v13  }
0x161: {  	v48 =	vld [tilespmem:s1+$0xE160];
	v49 =	vadd.f32 v2, v6;
	v7 =	vadd.f32 v15, v7;
	v47 =	vshll.u32 v3, $0x10  }
0x162: {  	v52 =	vadd.f32 v3, v8;
	v50 =	vadd.f32 v47, v9;
	v51 =	vshll.u32 v0, $0x10  }
0x163: {  	v53 =	vld [tilespmem:s1+$0xE170];
	v55 =	vadd.f32 v0, v49;
	v7 =	vadd.f32 v51, v7;
	v54 =	vshll.u32 v1, $0x10  }
0x164: {  	v57 =	vadd.f32 v1, v52;
	v56 =	vshll.u32 v4, $0x10;
	v58 =	vadd.f32 v4, v11  }
0x165: {  	v6 =	vadd.f32 v54, v50;
	v2 =	vadd.f32 v56, v10;
	v59 =	vshll.u32 v16, $0x10  }
0x166: {  	v60 =	vshll.u32 v48, $0x10;
	v5 =	vadd.f32 v16, v5;
	v3 =	vadd.f32 v48, v58  }
0x167: {  	v4 =	vadd.f32 v59, v12;
	v2 =	vadd.f32 v60, v2  }
0x168: {  	v61 =	vshll.u32 v53, $0x10;
	v5 =	vadd.f32 v53, v5;
	v0 =	vadd.f32 v3, v55  }
0x169: {  	s0 =	sadd.s32 @!p0 $0xE, s0;
	v4 =	vadd.f32 v61, v4;
	v2 =	vadd.f32 v2, v7  }
0x16a: {  	s0 =	sand.u32 @!p0 $0x3E, s0;
	v63 =	vadd.f32 v5, v57;
	[tilespmem:s31+$0xFA50] =	vst v0  }
0x16b: {  	s0 =	smul.u32 @!p0 $0x320, s0;
	v62 =	vadd.f32 v4, v6;
	[tilespmem:s31+$0xFA40] =	vst v2  }
0x16c: {  	[tilespmem:s31+$0xFA70] =	vst v63  }
0x16d: {  	s1 =	simm.s32 @!p0 $0x80;
	s12 =	simm.s32 @!p0 $0xC800;
	s0 =	sshrl.u32 @!p0 s0, $0x2;
	[tilespmem:s31+$0xFA60] =	vst v62  }
0x16e: {  	[tilespmem:s12], [sflag:$0x4] =	stream.indirect.gather @!p0 [hbm4b:s5+s1], $0x20, s0, s1, $0xb8;
	[tilespmem:$0x10200] =	vst v63  }
0x16f: {  	s14 =	simm.s32 @!p0 $0x48;
	s15 =	simm.s32 @!p0 $0xD800;
	s12 =	sadd.s32 @!p0 $0x80, s0  }
0x170: {  	[tilespmem:s15], [sflag:$0x4] =	stream.indirect.gather @!p0 [hbm4b:s5+s14], $0x20, s12, s14, $0xb8;
	[tilespmem:$0x10200] =	vst v63  }
0x171: {  	s12 =	sadd.s32 @!p0 $0xC8, s0;
	s15 =	simm.s32 @!p0 $0xE100  }
0x172: {  	[tilespmem:s15], [sflag:$0x4] =	stream.indirect.gather @!p0 [hbm4b:s5+s1], $0x20, s12, s1, $0xb8;
	[tilespmem:$0x10200] =	vst v63  }
0x173: {  	s31 =	sand.u32 $0xF, s30;
	s0 =	sadd.s32 @!p0 $0x148, s0;
	s1 =	simm.s32 @!p0 $0xF100  }
0x174: {  	[tilespmem:s1], [sflag:$0x4] =	stream.indirect.gather @!p0 [hbm4b:s5+s14], $0x20, s0, s14, $0xb8;
	[tilespmem:$0x10200] =	vst v63  }
0x175: {  	p0 =	sne.s32 s31, $0xF  }
0x176: {  	s0 =	sshll.u32 @!p0 s30, $0x4  }
0x177: {  	s29 =	sadd.s32 $0x1, s29;
	s0 =	sadd.s32 @!p0 s9, s0  }
0x178: {  	p1 =	sne.s32 s29, $0x40;
	s0 =	sand.u32 @!p0 $0x1FFFFF00, s0  }
0x179: {  	s1 =	simm.s32 @!p0 $0x0;
	s12 =	simm.s32 @!p0 $0xFA00;
	s0 =	sadd.s32 @!p0 s6, s0  }
0x17a: {  	[hbm4b:s0+s1] =	stream.linear.scatter @!p0 [tilespmem:s12], [sflag:$0x5], $0x800, $0x38;
	[tilespmem:$0x10200] =	vst v63  }
.Ltmp8:
0x17b: {  	_ = 	snop;
	(pc) =	sbr.rel @p1 .LBB2_2-.Ltmp8, $4  }
0x17c: {  	s0 =	simm.s32 @!p0 $0x5  }
0x17d: {  	_ =	swait.ge @!p0 [sflag:s0], $0x800  }
0x17e: {  	[sflag:s0] =	ssyncset.done @!p0 $0x0  }
0x17f: {  	[sflag:s0] =	ssyncadd.s32 @!p0 $0xFFFFF800  }
0x180: {  	s28 =	sadd.s32 $0x1, s28  }
0x181: {  	p0 =	sne.s32 s28, s8  }
.Ltmp9:
0x182: {  	_ = 	snop;
	(pc) =	sbr.rel @p0 .LBB2_1-.Ltmp9, $1  }
0x183: {  	_ =	sdelay $0x3  }
0x184: {  	_ =	sfence.sel $0x180000  }
0x185: {  	[bflag:$0x0] =	sbarrier.arrive $0xFFFF  }
0x186: {  	_ =	strace $0x90000047  }
0x187: {  	s0 =	stileid.u32;
	[bflag:$0x2] =	sbarrier.arrive $0xFFFF  }
0x188: {  	p0 =	sne.s32 s0, $0x0;
	s0 =	rddreg [dreg:$0x1]  }
0x189: {  	s0 =	sadd.s32 @!p0 $0x100000, s0  }
0x18a: {  	[sflag:s0] =	ssyncadd.tile.s32 @!p0 $0x1;
	_ =	shalt  }
.Lfunc_end2:
_tile_overlayer_lowered:
.L_overlay_start_2:
0x18b: {  	(tag) =	ssettag $0x2  }
0x18c: {  	s0 =	rddreg [dreg:$0x0];
	s2 =	stileid.u32  }
0x18d: {  	s1 =	rddreg [dreg:$0x1];
	p0 =	sne.s32 s2, $0x0  }
0x18e: {  	s3 =	rddreg [dreg:$0x2];
	[bflag:$0x3] =	sbarrier.arrive $0xFFFF;
	s2 =	simm.s32 @!p0 $0x1C05  }
0x18f: {  	[timem:s3], [sflag:s2] =	dma.local @!p0 [hbm:s0], s1  }
0x190: {  	s0 =	simm.s32 @!p0 $0x5  }
0x191: {  	_ =	swait.ge @!p0 [sflag:s0], s1  }
0x192: {  	s1 =	ssub.s32 @!p0 $0x0, s1;
	[sflag:s0] =	ssyncset.done @!p0 $0x0  }
0x193: {  	[sflag:s0] =	ssyncadd.s32 @!p0 s1  }
0x194: {  	[bflag:$0x3] =	sbarrier.arrive $0xFFFF  }
0x195: {  	_ =	shalt  }

</sc_bundles>
